<compile_context>
chip_gen: v7x
topology: tpu7x:2x2x1
jax: 0.10.2.dev20260603
libtpu: 0.0.44.dev20260713+nightly
codegen_flags: <defaults>
</compile_context>

<pallas_src>
import jax
import jax.numpy as jnp
from jax import lax
from jax.experimental import pallas as pl
from jax.experimental.pallas import tpu as pltpu
from jax.experimental.pallas import tpu_sc as plsc

NN = 10000
NE = 320000
DF = 128
DE = 16
H = 4
O = 32
HO = H * O

NC, NS, L = 2, 16, 16
NW = NC * NS
EPW = NE // NW
B = 80
NBLK = EPW // B
NPH = 4
PHN = 2560
AR = 2688
NPT = AR // NS

_INV_SQRT_O = 1.0 / (O ** 0.5)

_GDN = lax.GatherDimensionNumbers(offset_dims=(), collapsed_slice_dims=(0,),
                                  start_index_map=(0,))


def _permute16(v, idx):
    return lax.gather(v, idx[:, None], _GDN, (1,),
                      mode=lax.GatherScatterMode.PROMISE_IN_BOUNDS)


def _tables_body(x_ref, wq_ref, bq_ref, wk_ref, bk_ref, wv_ref, bv_ref,
                 q_ref, kv_ref):
    x = x_ref[...]
    hp = jax.lax.Precision.HIGHEST
    q = jnp.dot(x, wq_ref[...], preferred_element_type=jnp.float32,
                precision=hp) + bq_ref[...]
    k = jnp.dot(x, wk_ref[...], preferred_element_type=jnp.float32,
                precision=hp) + bk_ref[...]
    v = jnp.dot(x, wv_ref[...], preferred_element_type=jnp.float32,
                precision=hp) + bv_ref[...]
    q_ref[...] = q
    kv_ref[...] = jnp.concatenate([k, v], axis=1)


def _make_tables(nodes, Wq, bq, Wk, bk, Wv, bv):
    blk = 2000
    grid = NN // blk
    full = lambda shape: pl.BlockSpec(shape, lambda i: (0, 0))
    return pl.pallas_call(
        _tables_body,
        grid=(grid,),
        in_specs=[
            pl.BlockSpec((blk, DF), lambda i: (i, 0)),
            full((DF, HO)), full((1, HO)),
            full((DF, HO)), full((1, HO)),
            full((DF, HO)), full((1, HO)),
        ],
        out_specs=[
            pl.BlockSpec((blk, HO), lambda i: (i, 0)),
            pl.BlockSpec((blk, 2 * HO), lambda i: (i, 0)),
        ],
        out_shape=[
            jax.ShapeDtypeStruct((NN, HO), jnp.float32),
            jax.ShapeDtypeStruct((NN, 2 * HO), jnp.float32),
        ],
    )(nodes, Wq, bq.reshape(1, HO), Wk, bk.reshape(1, HO),
      Wv, bv.reshape(1, HO))


def _eproj_body(e_ref, we_ref, o_ref):
    o_ref[...] = jnp.dot(e_ref[...], we_ref[...],
                         preferred_element_type=jnp.float32,
                         precision=jax.lax.Precision.HIGHEST)


def _make_eproj(edges, We):
    blk = 4000
    return pl.pallas_call(
        _eproj_body,
        grid=(NE // blk,),
        in_specs=[
            pl.BlockSpec((blk, DE), lambda i: (i, 0)),
            pl.BlockSpec((DE, HO), lambda i: (0, 0)),
        ],
        out_specs=pl.BlockSpec((blk, HO), lambda i: (i, 0)),
        out_shape=jax.ShapeDtypeStruct((NE, HO), jnp.float32),
    )(edges, We)


def _edge_sc_body(q_hbm, kv_hbm, ep_hbm, send_hbm, recv_hbm, zt_hbm, zs_hbm,
                  out_t, out_s, acc_t, acc_s, sidx, ridx, qb, kvb, epb,
                  sacb, xidx, sem0, sem1, sem_z):
    c = lax.axis_index("c")
    s = lax.axis_index("s")
    w = s * NC + c
    row0 = w * NBLK

    pltpu.async_copy(send_hbm.at[pl.ds(row0, NBLK)], sidx, sem_z).wait()
    pltpu.async_copy(recv_hbm.at[pl.ds(row0, NBLK)], ridx, sem_z).wait()

    iota = lax.iota(jnp.int32, L)
    perms = [iota ^ st for st in (1, 2, 4, 8)]
    sems = (sem0, sem1)

    def _pred(i, ph_lo):
        lo = ridx[i, pl.ds(0, L)][0]
        hi = ridx[i, pl.ds(B - L, L)][L - 1]
        return jnp.logical_and(lo < ph_lo + PHN, hi >= ph_lo)

    def _issue(i, p):
        base = (row0 + i) * B
        pltpu.async_copy(q_hbm.at[ridx.at[i]], qb.at[p], sems[p])
        pltpu.async_copy(kv_hbm.at[sidx.at[i]], kvb.at[p], sems[p])
        pltpu.async_copy(ep_hbm.at[pl.ds(base, B)], epb.at[p], sems[p])

    def _wait(i, p):
        pltpu.make_async_copy(q_hbm.at[ridx.at[i]], qb.at[p], sems[p]).wait()
        pltpu.make_async_copy(kv_hbm.at[sidx.at[i]], kvb.at[p], sems[p]).wait()
        base = (row0 + i) * B
        pltpu.make_async_copy(ep_hbm.at[pl.ds(base, B)], epb.at[p],
                              sems[p]).wait()

    def _compute(i, p, ph_lo):
        for g in range(B // L):
            rv = ridx[i, pl.ds(L * g, L)]
            local = rv - ph_lo + 8
            inr = jnp.logical_and(local >= 8, local < PHN + 8)
            xidx[pl.ds(L * g, L)] = jnp.where(inr, local, 0)

        @plsc.parallel_loop(0, B, 1, unroll=4)
        def edge_body(j):
            xv = plsc.load_gather(xidx, [jnp.full((L,), j, jnp.int32)])
            maskf = jnp.where(xv > 0, 1.0, 0.0).astype(jnp.float32)
            wh = []
            for h in range(H):
                p0 = (qb[p, j, pl.ds(32 * h, L)]
                      * kvb[p, j, pl.ds(32 * h, L)])
                p1 = (qb[p, j, pl.ds(32 * h + L, L)]
                      * kvb[p, j, pl.ds(32 * h + L, L)])
                acc_h = p0 + p1
                for pm in perms:
                    acc_h = acc_h + _permute16(acc_h, pm)
                wh.append(jnp.exp(acc_h * _INV_SQRT_O) * maskf)
            for k8 in range(8):
                m = (kvb[p, j, pl.ds(HO + L * k8, L)]
                     + epb[p, j, pl.ds(L * k8, L)])
                qb[p, j, pl.ds(L * k8, L)] = wh[k8 // 2] * m
            wrow = jnp.where(iota == 0, wh[0], 0.0)
            for h in range(1, H):
                wrow = wrow + jnp.where(iota == h, wh[h], 0.0)
            sacb[j, pl.ds(0, L)] = wrow

        pltpu.sync_copy(qb.at[p], acc_t.at[xidx], add=True)
        pltpu.sync_copy(sacb, acc_s.at[xidx], add=True)

    def phase_body(ph, carry):
        ph_lo = ph * PHN
        pltpu.async_copy(zt_hbm, acc_t.at[pl.ds(s * NPT, NPT)], sem_z).wait()
        pltpu.async_copy(zs_hbm, acc_s.at[pl.ds(s * NPT, NPT)], sem_z).wait()
        plsc.subcore_barrier()

        @pl.when(_pred(0, ph_lo))
        def _():
            _issue(0, 0)

        def pair_body(i2, carry2):
            for p in range(2):
                i = 2 * i2 + p

                @pl.when(_pred(i + 1, ph_lo))
                def _():
                    _issue(i + 1, 1 - p)

                @pl.when(_pred(i, ph_lo))
                def _():
                    _wait(i, p)
                    _compute(i, p, ph_lo)
            return carry2

        lax.fori_loop(0, (NBLK - 1) // 2, pair_body, 0)

        @pl.when(_pred(NBLK - 1, ph_lo))
        def _():
            _wait(NBLK - 1, 0)
            _compute(NBLK - 1, 0, ph_lo)

        plsc.subcore_barrier()
        pltpu.async_copy(acc_t.at[pl.ds(s * NPT, NPT)],
                         out_t.at[c, ph, pl.ds(s * NPT, NPT)], sem_z).wait()
        pltpu.async_copy(acc_s.at[pl.ds(s * NPT, NPT)],
                         out_s.at[c, ph, pl.ds(s * NPT, NPT)], sem_z).wait()
        plsc.subcore_barrier()
        return carry

    lax.fori_loop(0, NPH, phase_body, 0)


def _make_edge_sc(q, kv, ep, send2d, recv2d, zt, zs):
    mesh = plsc.VectorSubcoreMesh(core_axis_name="c", subcore_axis_name="s",
                                  num_cores=NC, num_subcores=NS)
    f = pl.kernel(
        _edge_sc_body,
        out_type=[
            jax.ShapeDtypeStruct((NC, NPH, AR, HO), jnp.float32),
            jax.ShapeDtypeStruct((NC, NPH, AR, L), jnp.float32),
        ],
        mesh=mesh,
        compiler_params=pltpu.CompilerParams(use_tc_tiling_on_sc=False,
                                             needs_layout_passes=False),
        scratch_types=[
            pltpu.VMEM_SHARED((AR, HO), jnp.float32),
            pltpu.VMEM_SHARED((AR, L), jnp.float32),
            pltpu.VMEM((NBLK, B), jnp.int32),
            pltpu.VMEM((NBLK, B), jnp.int32),
            pltpu.VMEM((2, B, HO), jnp.float32),
            pltpu.VMEM((2, B, 2 * HO), jnp.float32),
            pltpu.VMEM((2, B, HO), jnp.float32),
            pltpu.VMEM((B, L), jnp.float32),
            pltpu.VMEM((B,), jnp.int32),
            pltpu.SemaphoreType.DMA,
            pltpu.SemaphoreType.DMA,
            pltpu.SemaphoreType.DMA,
        ],
    )
    return f(q, kv, ep, send2d, recv2d, zt, zs)


def _combine_body(t_ref, s_ref, x_ref, wu_ref, bu_ref, bsel_ref, rsel_ref,
                  o_ref):
    t = t_ref[0] + t_ref[1]
    s16 = s_ref[0] + s_ref[1]
    hp = jax.lax.Precision.HIGHEST
    sx = jnp.dot(s16, bsel_ref[...], preferred_element_type=jnp.float32,
                 precision=hp)
    ratio = jnp.where(sx > 0, t / sx, 0.0)
    aggr = jnp.dot(ratio, rsel_ref[...], preferred_element_type=jnp.float32,
                   precision=hp)
    feats = jnp.dot(x_ref[...], wu_ref[...],
                    preferred_element_type=jnp.float32,
                    precision=hp) + bu_ref[...]
    o_ref[...] = jnp.maximum(feats + aggr, 0.0)


def _make_combine(acc_t, acc_s, nodes, Wu, bu, bsel, rsel):
    blk = 2000
    return pl.pallas_call(
        _combine_body,
        grid=(NN // blk,),
        in_specs=[
            pl.BlockSpec((NC, blk, HO), lambda i: (0, i, 0)),
            pl.BlockSpec((NC, blk, L), lambda i: (0, i, 0)),
            pl.BlockSpec((blk, DF), lambda i: (i, 0)),
            pl.BlockSpec((DF, O), lambda i: (0, 0)),
            pl.BlockSpec((1, O), lambda i: (0, 0)),
            pl.BlockSpec((L, HO), lambda i: (0, 0)),
            pl.BlockSpec((HO, O), lambda i: (0, 0)),
        ],
        out_specs=pl.BlockSpec((blk, O), lambda i: (i, 0)),
        out_shape=jax.ShapeDtypeStruct((NN, O), jnp.float32),
    )(acc_t, acc_s, nodes, Wu, bu.reshape(1, O), bsel, rsel)


def kernel(nodes, edges, senders, receivers, Wq, bq, Wk, bk, Wv, bv, We,
           Wu, bu):
    q, kv = _make_tables(nodes, Wq, bq, Wk, bk, Wv, bv)
    ep = _make_eproj(edges, We)
    send2d = senders.reshape(NE // B, B)
    recv2d = receivers.reshape(NE // B, B)
    zt = jnp.zeros((NPT, HO), jnp.float32)
    zs = jnp.zeros((NPT, L), jnp.float32)
    out_t, out_s = _make_edge_sc(q, kv, ep, send2d, recv2d, zt, zs)
    acc_t = out_t[:, :, 8:8 + PHN, :].reshape(NC, NPH * PHN, HO)[:, :NN]
    acc_s = out_s[:, :, 8:8 + PHN, :].reshape(NC, NPH * PHN, L)[:, :NN]

    lanes = jnp.arange(L)[:, None]
    cols = jnp.arange(HO)[None, :]
    bsel = (cols // O == lanes).astype(jnp.float32)
    rl = jnp.arange(HO)[:, None]
    rc = jnp.arange(O)[None, :]
    rsel = (rl % O == rc).astype(jnp.float32) * (1.0 / H)
    return _make_combine(acc_t, acc_s, nodes, Wu, bu, bsel, rsel)

# --- scband reference (transcript-rebuilt; emitter-appended) ---
"""Pipeline reference for scband-graph-transformer-34978213659049 (READ-ONLY COPY).

The authoritative reference and input builder live on the scoring server;
editing this copy changes nothing except your own understanding.
"""

import jax, jax.numpy as jnp
import numpy as np

N_NODES = 10000
N_EDGES = 320000
D_FEAT = 128
D_EDGE = 16
N_HEADS = 4
OUT_DIM = 32


def setup_inputs(seed: int = 0) -> dict:
    key = jax.random.key(seed)
    ks = jax.random.split(key, 16)
    nodes = jax.random.normal(ks[0], (N_NODES, D_FEAT), jnp.float32)
    edges = jax.random.normal(ks[1], (N_EDGES, D_EDGE), jnp.float32)
    senders = jax.random.randint(ks[2], (N_EDGES,), 0, N_NODES, jnp.int32)
    receivers = jnp.sort(jax.random.randint(ks[3], (N_EDGES,), 0, N_NODES, jnp.int32))
    s_in = 1.0 / np.sqrt(D_FEAT)
    s_e = 1.0 / np.sqrt(D_EDGE)
    Wq = jax.random.normal(ks[4], (D_FEAT, N_HEADS * OUT_DIM), jnp.float32) * s_in
    bq = jnp.zeros((N_HEADS * OUT_DIM,), jnp.float32)
    Wk = jax.random.normal(ks[5], (D_FEAT, N_HEADS * OUT_DIM), jnp.float32) * s_in
    bk = jnp.zeros((N_HEADS * OUT_DIM,), jnp.float32)
    Wv = jax.random.normal(ks[6], (D_FEAT, N_HEADS * OUT_DIM), jnp.float32) * s_in
    bv = jnp.zeros((N_HEADS * OUT_DIM,), jnp.float32)
    We = jax.random.normal(ks[7], (D_EDGE, N_HEADS * OUT_DIM), jnp.float32) * s_e
    Wu = jax.random.normal(ks[8], (D_FEAT, OUT_DIM), jnp.float32) * s_in
    bu = jnp.zeros((OUT_DIM,), jnp.float32)
    return {"nodes": nodes, "edges": edges, "senders": senders, "receivers": receivers,
            "Wq": Wq, "bq": bq, "Wk": Wk, "bk": bk, "Wv": Wv, "bv": bv,
            "We": We, "Wu": Wu, "bu": bu}


def reference(nodes, edges, senders, receivers, Wq, bq, Wk, bk, Wv, bv, We, Wu, bu):
    n = nodes.shape[0]
    sender_feats = jnp.take(nodes, senders, axis=0)
    receiver_feats = jnp.take(nodes, receivers, axis=0)
    # message
    query = (receiver_feats @ Wq + bq).reshape((-1, N_HEADS, OUT_DIM))
    key_ = (sender_feats @ Wk + bk).reshape((-1, N_HEADS, OUT_DIM))
    value = (sender_feats @ Wv + bv).reshape((-1, N_HEADS, OUT_DIM))
    edge_feats = (edges @ We).reshape((-1, N_HEADS, OUT_DIM))
    attn = (query * key_).sum(-1) / jnp.sqrt(OUT_DIM)
    # segment softmax over receivers (jraph.segment_softmax)
    seg_max = jax.ops.segment_max(attn, receivers, num_segments=n)
    attn = jnp.exp(attn - jnp.take(seg_max, receivers, axis=0))
    seg_sum = jax.ops.segment_sum(attn, receivers, num_segments=n)
    attn = attn / jnp.take(seg_sum, receivers, axis=0)
    attn = attn.reshape((-1, N_HEADS, 1))
    msgs = value + edge_feats
    edge_msgs = (attn * msgs).mean(axis=1)  # [E, OUT_DIM]
    # aggregate
    aggr_msg = jax.ops.segment_sum(edge_msgs, receivers, num_segments=n)
    # update
    feats = nodes @ Wu + bu
    new_nodes = jax.nn.relu(feats + aggr_msg)
    return new_nodes

if __name__ == "__main__":
    import jax
    _d = setup_inputs()
    print(jax.jit(kernel)(*tuple(_d.values())))

</pallas_src>

<mosaic_0001>
#map = affine_map<(d0, d1) -> (0, 0)>
#map1 = affine_map<(d0, d1) -> (0, 0, 0, 0)>
module attributes {stable_mosaic.version = 14 : i64} {
  func.func @_edge_sc_body(%arg0: i32, %arg1: i32, %arg2: memref<10000x128xf32, #tpu.memory_space<hbm>>, %arg3: memref<10000x256xf32, #tpu.memory_space<hbm>>, %arg4: memref<320000x128xf32, #tpu.memory_space<hbm>>, %arg5: memref<4000x80xi32, #tpu.memory_space<hbm>>, %arg6: memref<4000x80xi32, #tpu.memory_space<hbm>>, %arg7: memref<168x128xf32, #tpu.memory_space<hbm>>, %arg8: memref<168x16xf32, #tpu.memory_space<hbm>>, %arg9: memref<2x4x2688x128xf32, #tpu.memory_space<hbm>>, %arg10: memref<2x4x2688x16xf32, #tpu.memory_space<hbm>>, %arg11: memref<2688x128xf32, #tpu.memory_space<vmem_shared>>, %arg12: memref<2688x16xf32, #tpu.memory_space<vmem_shared>>, %arg13: memref<125x80xi32, #tpu.memory_space<vmem>>, %arg14: memref<125x80xi32, #tpu.memory_space<vmem>>, %arg15: memref<2x80x128xf32, #tpu.memory_space<vmem>>, %arg16: memref<2x80x256xf32, #tpu.memory_space<vmem>>, %arg17: memref<2x80x128xf32, #tpu.memory_space<vmem>>, %arg18: memref<80x16xf32, #tpu.memory_space<vmem>>, %arg19: memref<80xi32, #tpu.memory_space<vmem>>, %arg20: memref<!tpu.dma_semaphore, #tpu.memory_space<semaphore_mem>>, %arg21: memref<!tpu.dma_semaphore, #tpu.memory_space<semaphore_mem>>, %arg22: memref<!tpu.dma_semaphore, #tpu.memory_space<semaphore_mem>>) attributes {dimension_semantics = [#tpu.dimension_semantics<core_parallel>, #tpu.dimension_semantics<subcore_parallel>], iteration_bounds = array<i64: 2, 16>, scalar_prefetch = 0 : i64, scratch_operands = 12 : i64, tpu.core_type = #tpu.core_type<sc_vector_subcore>, window_params = [{transform_indices = #map}, {transform_indices = #map}, {transform_indices = #map}, {transform_indices = #map}, {transform_indices = #map}, {transform_indices = #map}, {transform_indices = #map}, {transform_indices = #map1}, {transform_indices = #map1}]} {
    %mul3A = arith.constant 2 : i32
    %mul3A_0 = arith.muli %arg1, %mul3A : i32
    %add3A = arith.addi %mul3A_0, %arg0 : i32
    %mul3A_1 = arith.constant 125 : i32
    %mul3A_2 = arith.muli %add3A, %mul3A_1 : i32
    %dma_start3A = arith.constant 0 : i32
    %dma_start3A_3 = tpu.memref_slice %arg5[%mul3A_2, %dma_start3A] : memref<4000x80xi32, #tpu.memory_space<hbm>> -> memref<125x80xi32, #tpu.memory_space<hbm>>
    %dma_start3A_4 = arith.constant 0 : i32
    %dma_start3A_5 = tpu.memref_slice %arg5[%mul3A_2, %dma_start3A_4] : memref<4000x80xi32, #tpu.memory_space<hbm>> -> memref<125x80xi32, #tpu.memory_space<hbm>>
    tpu.enqueue_dma source(%dma_start3A_5 : memref<125x80xi32, #tpu.memory_space<hbm>>) target(%arg13 : memref<125x80xi32, #tpu.memory_space<vmem>>) target_semaphore(%arg22 : memref<!tpu.dma_semaphore, #tpu.memory_space<semaphore_mem>>)
    %dma_wait3A = arith.constant 0 : i32
    %dma_wait3A_6 = tpu.memref_slice %arg5[%mul3A_2, %dma_wait3A] : memref<4000x80xi32, #tpu.memory_space<hbm>> -> memref<125x80xi32, #tpu.memory_space<hbm>>
    %dma_wait3A_7 = arith.constant 0 : i32
    %dma_wait3A_8 = tpu.memref_slice %arg5[%mul3A_2, %dma_wait3A_7] : memref<4000x80xi32, #tpu.memory_space<hbm>> -> memref<125x80xi32, #tpu.memory_space<hbm>>
    tpu.wait_dma2 semaphore(%arg22 : memref<!tpu.dma_semaphore, #tpu.memory_space<semaphore_mem>>) src(%dma_wait3A_8 : memref<125x80xi32, #tpu.memory_space<hbm>>) dst(%arg13 : memref<125x80xi32, #tpu.memory_space<vmem>>)
    %dma_start3A_9 = arith.constant 0 : i32
    %dma_start3A_10 = tpu.memref_slice %arg6[%mul3A_2, %dma_start3A_9] : memref<4000x80xi32, #tpu.memory_space<hbm>> -> memref<125x80xi32, #tpu.memory_space<hbm>>
    %dma_start3A_11 = arith.constant 0 : i32
    %dma_start3A_12 = tpu.memref_slice %arg6[%mul3A_2, %dma_start3A_11] : memref<4000x80xi32, #tpu.memory_space<hbm>> -> memref<125x80xi32, #tpu.memory_space<hbm>>
    tpu.enqueue_dma source(%dma_start3A_12 : memref<125x80xi32, #tpu.memory_space<hbm>>) target(%arg14 : memref<125x80xi32, #tpu.memory_space<vmem>>) target_semaphore(%arg22 : memref<!tpu.dma_semaphore, #tpu.memory_space<semaphore_mem>>)
    %dma_wait3A_13 = arith.constant 0 : i32
    %dma_wait3A_14 = tpu.memref_slice %arg6[%mul3A_2, %dma_wait3A_13] : memref<4000x80xi32, #tpu.memory_space<hbm>> -> memref<125x80xi32, #tpu.memory_space<hbm>>
    %dma_wait3A_15 = arith.constant 0 : i32
    %dma_wait3A_16 = tpu.memref_slice %arg6[%mul3A_2, %dma_wait3A_15] : memref<4000x80xi32, #tpu.memory_space<hbm>> -> memref<125x80xi32, #tpu.memory_space<hbm>>
    tpu.wait_dma2 semaphore(%arg22 : memref<!tpu.dma_semaphore, #tpu.memory_space<semaphore_mem>>) src(%dma_wait3A_16 : memref<125x80xi32, #tpu.memory_space<hbm>>) dst(%arg14 : memref<125x80xi32, #tpu.memory_space<vmem>>)
    %iota3A = tpu.iota {dimensions = array<i32: 0>} : vector<16xi32>
    %xor3A = arith.constant 1 : i32
    %xor3A_17 = vector.broadcast %xor3A : i32 to vector<16xi32>
    %xor3A_18 = arith.xori %iota3A, %xor3A_17 : vector<16xi32>
    %xor3A_19 = arith.constant 2 : i32
    %xor3A_20 = vector.broadcast %xor3A_19 : i32 to vector<16xi32>
    %xor3A_21 = arith.xori %iota3A, %xor3A_20 : vector<16xi32>
    %xor3A_22 = arith.constant 4 : i32
    %xor3A_23 = vector.broadcast %xor3A_22 : i32 to vector<16xi32>
    %xor3A_24 = arith.xori %iota3A, %xor3A_23 : vector<16xi32>
    %xor3A_25 = arith.constant 8 : i32
    %xor3A_26 = vector.broadcast %xor3A_25 : i32 to vector<16xi32>
    %xor3A_27 = arith.xori %iota3A, %xor3A_26 : vector<16xi32>
    %scan3A = arith.constant 0 : i32
    %scan3A_28 = arith.constant 0 : i32
    %scan3A_29 = arith.constant 4 : i32
    %scan3A_30 = arith.addi %scan3A_28, %scan3A_29 : i32
    %scan3A_31 = arith.constant 1 : i32
    scf.for %scan3A_33 = %scan3A_28 to %scan3A_30 step %scan3A_31  : i32 {
      %mul3A_34 = arith.constant 2560 : i32
      %mul3A_35 = arith.muli %scan3A_33, %mul3A_34 : i32
      %mul3A_36 = arith.constant 168 : i32
      %mul3A_37 = arith.muli %arg1, %mul3A_36 : i32
      %dma_start3A_38 = arith.constant 0 : i32
      %dma_start3A_39 = tpu.memref_slice %arg11[%mul3A_37, %dma_start3A_38] : memref<2688x128xf32, #tpu.memory_space<vmem_shared>> -> memref<168x128xf32, #tpu.memory_space<vmem_shared>>
      tpu.enqueue_dma source(%arg7 : memref<168x128xf32, #tpu.memory_space<hbm>>) target(%dma_start3A_39 : memref<168x128xf32, #tpu.memory_space<vmem_shared>>) target_semaphore(%arg22 : memref<!tpu.dma_semaphore, #tpu.memory_space<semaphore_mem>>)
      %dma_wait3A_40 = arith.constant 0 : i32
      %dma_wait3A_41 = tpu.memref_slice %arg11[%mul3A_37, %dma_wait3A_40] : memref<2688x128xf32, #tpu.memory_space<vmem_shared>> -> memref<168x128xf32, #tpu.memory_space<vmem_shared>>
      tpu.wait_dma2 semaphore(%arg22 : memref<!tpu.dma_semaphore, #tpu.memory_space<semaphore_mem>>) src(%arg7 : memref<168x128xf32, #tpu.memory_space<hbm>>) dst(%dma_wait3A_41 : memref<168x128xf32, #tpu.memory_space<vmem_shared>>)
      %mul3A_42 = arith.constant 168 : i32
      %mul3A_43 = arith.muli %arg1, %mul3A_42 : i32
      %dma_start3A_44 = arith.constant 0 : i32
      %dma_start3A_45 = tpu.memref_slice %arg12[%mul3A_43, %dma_start3A_44] : memref<2688x16xf32, #tpu.memory_space<vmem_shared>> -> memref<168x16xf32, #tpu.memory_space<vmem_shared>>
      tpu.enqueue_dma source(%arg8 : memref<168x16xf32, #tpu.memory_space<hbm>>) target(%dma_start3A_45 : memref<168x16xf32, #tpu.memory_space<vmem_shared>>) target_semaphore(%arg22 : memref<!tpu.dma_semaphore, #tpu.memory_space<semaphore_mem>>)
      %dma_wait3A_46 = arith.constant 0 : i32
      %dma_wait3A_47 = tpu.memref_slice %arg12[%mul3A_43, %dma_wait3A_46] : memref<2688x16xf32, #tpu.memory_space<vmem_shared>> -> memref<168x16xf32, #tpu.memory_space<vmem_shared>>
      tpu.wait_dma2 semaphore(%arg22 : memref<!tpu.dma_semaphore, #tpu.memory_space<semaphore_mem>>) src(%arg8 : memref<168x16xf32, #tpu.memory_space<hbm>>) dst(%dma_wait3A_47 : memref<168x16xf32, #tpu.memory_space<vmem_shared>>)
      %barrier3A = arith.constant 0 : index
      tpu.barrier barrier_id(%barrier3A)
      %get3A = arith.constant 0 : i32
      %get3A_48 = arith.index_cast %get3A : i32 to index
      %get3A_49 = arith.constant 0 : index
      %get3A_50 = tpu.vector_load %arg14[%get3A_48, %get3A_49] {strides = array<i32>} : memref<125x80xi32, #tpu.memory_space<vmem>>, vector<16xi32>,
      %slice3A = vector.extract_strided_slice %get3A_50 {offsets = [0], sizes = [1], strides = [1]} : vector<16xi32> to vector<1xi32>
      %squeeze3A = vector.extract %slice3A[0] : i32 from vector<1xi32>
      %get3A_51 = arith.constant 0 : i32
      %get3A_52 = arith.index_cast %get3A_51 : i32 to index
      %get3A_53 = arith.constant 64 : index
      %get3A_54 = tpu.vector_load %arg14[%get3A_52, %get3A_53] {strides = array<i32>} : memref<125x80xi32, #tpu.memory_space<vmem>>, vector<16xi32>,
      %slice3A_55 = vector.extract_strided_slice %get3A_54 {offsets = [15], sizes = [1], strides = [1]} : vector<16xi32> to vector<1xi32>
      %squeeze3A_56 = vector.extract %slice3A_55[0] : i32 from vector<1xi32>
      %add3A_57 = arith.constant 2560 : i32
      %add3A_58 = arith.addi %mul3A_35, %add3A_57 : i32
      %lt3A = arith.cmpi slt, %squeeze3A, %add3A_58 : i32
      %ge3A = arith.cmpi sge, %squeeze3A_56, %mul3A_35 : i32
      %and3A = arith.andi %lt3A, %ge3A : i1
      %convert_element_type3A = arith.extui %and3A : i1 to i32
      %cond3A = arith.constant 0 : i32
      %cond3A_59 = arith.cmpi ne, %convert_element_type3A, %cond3A : i32
      scf.if %cond3A_59 {
        %add3A_116 = arith.constant 0 : i32
        %add3A_117 = arith.addi %mul3A_2, %add3A_116 : i32
        %mul3A_118 = arith.constant 80 : i32
        %mul3A_119 = arith.muli %add3A_117, %mul3A_118 : i32
        %dma_start3A_120 = arith.constant 0 : i32
        %dma_start3A_121 = arith.constant 0 : i32
        %dma_start3A_122 = arith.constant 0 : i32
        %dma_start3A_123 = arith.constant 0 : i32
        %dma_start3A_124 = tpu.memref_slice %arg15[%dma_start3A_121, %dma_start3A_122, %dma_start3A_123] : memref<2x80x128xf32, #tpu.memory_space<vmem>> -> memref<1x80x128xf32, #tpu.memory_space<vmem>>
        %dma_start3A_125 = tpu.memref_squeeze %dma_start3A_124 : memref<1x80x128xf32, #tpu.memory_space<vmem>> -> memref<80x128xf32, #tpu.memory_space<vmem>>
        %dma_start3A_126 = arith.constant 0 : i32
        %dma_start3A_127 = tpu.memref_slice %arg14[%dma_start3A_120, %dma_start3A_126] : memref<125x80xi32, #tpu.memory_space<vmem>> -> memref<1x80xi32, #tpu.memory_space<vmem>>
        %dma_start3A_128 = tpu.memref_squeeze %dma_start3A_127 : memref<1x80xi32, #tpu.memory_space<vmem>> -> memref<80xi32, #tpu.memory_space<vmem>>
        %dma_start3A_129 = arith.constant 0 : i32
        %dma_start3A_130 = arith.constant 0 : i32
        %dma_start3A_131 = tpu.memref_slice %arg2[%dma_start3A_129, %dma_start3A_130] : memref<10000x128xf32, #tpu.memory_space<hbm>> -> memref<10000x128xf32, #tpu.memory_space<hbm>>
        tpu.enqueue_indirect_dma source(%dma_start3A_131 : memref<10000x128xf32, #tpu.memory_space<hbm>>) target(%dma_start3A_125 : memref<80x128xf32, #tpu.memory_space<vmem>>) offsets(%dma_start3A_128 : memref<80xi32, #tpu.memory_space<vmem>>) semaphore(%arg20 : memref<!tpu.dma_semaphore, #tpu.memory_space<semaphore_mem>>)
        %dma_start3A_132 = arith.constant 0 : i32
        %dma_start3A_133 = arith.constant 0 : i32
        %dma_start3A_134 = arith.constant 0 : i32
        %dma_start3A_135 = arith.constant 0 : i32
        %dma_start3A_136 = tpu.memref_slice %arg16[%dma_start3A_133, %dma_start3A_134, %dma_start3A_135] : memref<2x80x256xf32, #tpu.memory_space<vmem>> -> memref<1x80x256xf32, #tpu.memory_space<vmem>>
        %dma_start3A_137 = tpu.memref_squeeze %dma_start3A_136 : memref<1x80x256xf32, #tpu.memory_space<vmem>> -> memref<80x256xf32, #tpu.memory_space<vmem>>
        %dma_start3A_138 = arith.constant 0 : i32
        %dma_start3A_139 = tpu.memref_slice %arg13[%dma_start3A_132, %dma_start3A_138] : memref<125x80xi32, #tpu.memory_space<vmem>> -> memref<1x80xi32, #tpu.memory_space<vmem>>
        %dma_start3A_140 = tpu.memref_squeeze %dma_start3A_139 : memref<1x80xi32, #tpu.memory_space<vmem>> -> memref<80xi32, #tpu.memory_space<vmem>>
        %dma_start3A_141 = arith.constant 0 : i32
        %dma_start3A_142 = arith.constant 0 : i32
        %dma_start3A_143 = tpu.memref_slice %arg3[%dma_start3A_141, %dma_start3A_142] : memref<10000x256xf32, #tpu.memory_space<hbm>> -> memref<10000x256xf32, #tpu.memory_space<hbm>>
        tpu.enqueue_indirect_dma source(%dma_start3A_143 : memref<10000x256xf32, #tpu.memory_space<hbm>>) target(%dma_start3A_137 : memref<80x256xf32, #tpu.memory_space<vmem>>) offsets(%dma_start3A_140 : memref<80xi32, #tpu.memory_space<vmem>>) semaphore(%arg20 : memref<!tpu.dma_semaphore, #tpu.memory_space<semaphore_mem>>)
        %dma_start3A_144 = arith.constant 0 : i32
        %dma_start3A_145 = arith.constant 0 : i32
        %dma_start3A_146 = arith.constant 0 : i32
        %dma_start3A_147 = tpu.memref_slice %arg17[%dma_start3A_144, %dma_start3A_145, %dma_start3A_146] : memref<2x80x128xf32, #tpu.memory_space<vmem>> -> memref<1x80x128xf32, #tpu.memory_space<vmem>>
        %dma_start3A_148 = tpu.memref_squeeze %dma_start3A_147 : memref<1x80x128xf32, #tpu.memory_space<vmem>> -> memref<80x128xf32, #tpu.memory_space<vmem>>
        %dma_start3A_149 = arith.constant 0 : i32
        %dma_start3A_150 = tpu.memref_slice %arg4[%mul3A_119, %dma_start3A_149] : memref<320000x128xf32, #tpu.memory_space<hbm>> -> memref<80x128xf32, #tpu.memory_space<hbm>>
        %dma_start3A_151 = arith.constant 0 : i32
        %dma_start3A_152 = arith.constant 0 : i32
        %dma_start3A_153 = tpu.memref_slice %arg17[%dma_start3A_144, %dma_start3A_151, %dma_start3A_152] : memref<2x80x128xf32, #tpu.memory_space<vmem>> -> memref<1x80x128xf32, #tpu.memory_space<vmem>>
        %dma_start3A_154 = tpu.memref_squeeze %dma_start3A_153 : memref<1x80x128xf32, #tpu.memory_space<vmem>> -> memref<80x128xf32, #tpu.memory_space<vmem>>
        %dma_start3A_155 = arith.constant 0 : i32
        %dma_start3A_156 = tpu.memref_slice %arg4[%mul3A_119, %dma_start3A_155] : memref<320000x128xf32, #tpu.memory_space<hbm>> -> memref<80x128xf32, #tpu.memory_space<hbm>>
        tpu.enqueue_dma source(%dma_start3A_156 : memref<80x128xf32, #tpu.memory_space<hbm>>) target(%dma_start3A_154 : memref<80x128xf32, #tpu.memory_space<vmem>>) target_semaphore(%arg20 : memref<!tpu.dma_semaphore, #tpu.memory_space<semaphore_mem>>)
      } else {
      }
      %scan3A_60 = arith.constant 0 : i32
      %scan3A_61 = arith.constant 0 : i32
      %scan3A_62 = arith.constant 62 : i32
      %scan3A_63 = arith.addi %scan3A_61, %scan3A_62 : i32
      %scan3A_64 = arith.constant 1 : i32
      scf.for %scan3A_116 = %scan3A_61 to %scan3A_63 step %scan3A_64  : i32 {
        %mul3A_117 = arith.constant 2 : i32
        %mul3A_118 = arith.muli %mul3A_117, %scan3A_116 : i32
        %add3A_119 = arith.constant 0 : i32
        %add3A_120 = arith.addi %mul3A_118, %add3A_119 : i32
        %add3A_121 = arith.constant 1 : i32
        %add3A_122 = arith.addi %add3A_120, %add3A_121 : i32
        %get3A_123 = arith.index_cast %add3A_122 : i32 to index
        %get3A_124 = arith.constant 0 : index
        %get3A_125 = tpu.vector_load %arg14[%get3A_123, %get3A_124] {strides = array<i32>} : memref<125x80xi32, #tpu.memory_space<vmem>>, vector<16xi32>,
        %slice3A_126 = vector.extract_strided_slice %get3A_125 {offsets = [0], sizes = [1], strides = [1]} : vector<16xi32> to vector<1xi32>
        %squeeze3A_127 = vector.extract %slice3A_126[0] : i32 from vector<1xi32>
        %get3A_128 = arith.index_cast %add3A_122 : i32 to index
        %get3A_129 = arith.constant 64 : index
        %get3A_130 = tpu.vector_load %arg14[%get3A_128, %get3A_129] {strides = array<i32>} : memref<125x80xi32, #tpu.memory_space<vmem>>, vector<16xi32>,
        %slice3A_131 = vector.extract_strided_slice %get3A_130 {offsets = [15], sizes = [1], strides = [1]} : vector<16xi32> to vector<1xi32>
        %squeeze3A_132 = vector.extract %slice3A_131[0] : i32 from vector<1xi32>
        %add3A_133 = arith.constant 2560 : i32
        %add3A_134 = arith.addi %mul3A_35, %add3A_133 : i32
        %lt3A_135 = arith.cmpi slt, %squeeze3A_127, %add3A_134 : i32
        %ge3A_136 = arith.cmpi sge, %squeeze3A_132, %mul3A_35 : i32
        %and3A_137 = arith.andi %lt3A_135, %ge3A_136 : i1
        %convert_element_type3A_138 = arith.extui %and3A_137 : i1 to i32
        %cond3A_139 = arith.constant 0 : i32
        %cond3A_140 = arith.cmpi ne, %convert_element_type3A_138, %cond3A_139 : i32
        scf.if %cond3A_140 {
          %add3A_201 = arith.constant 1 : i32
          %add3A_202 = arith.addi %add3A_120, %add3A_201 : i32
          %add3A_203 = arith.addi %mul3A_2, %add3A_202 : i32
          %mul3A_204 = arith.constant 80 : i32
          %mul3A_205 = arith.muli %add3A_203, %mul3A_204 : i32
          %dma_start3A_206 = arith.constant 1 : i32
          %dma_start3A_207 = arith.constant 0 : i32
          %dma_start3A_208 = arith.constant 0 : i32
          %dma_start3A_209 = tpu.memref_slice %arg15[%dma_start3A_206, %dma_start3A_207, %dma_start3A_208] : memref<2x80x128xf32, #tpu.memory_space<vmem>> -> memref<1x80x128xf32, #tpu.memory_space<vmem>>
          %dma_start3A_210 = tpu.memref_squeeze %dma_start3A_209 : memref<1x80x128xf32, #tpu.memory_space<vmem>> -> memref<80x128xf32, #tpu.memory_space<vmem>>
          %dma_start3A_211 = arith.constant 0 : i32
          %dma_start3A_212 = tpu.memref_slice %arg14[%add3A_202, %dma_start3A_211] : memref<125x80xi32, #tpu.memory_space<vmem>> -> memref<1x80xi32, #tpu.memory_space<vmem>>
          %dma_start3A_213 = tpu.memref_squeeze %dma_start3A_212 : memref<1x80xi32, #tpu.memory_space<vmem>> -> memref<80xi32, #tpu.memory_space<vmem>>
          %dma_start3A_214 = arith.constant 0 : i32
          %dma_start3A_215 = arith.constant 0 : i32
          %dma_start3A_216 = tpu.memref_slice %arg2[%dma_start3A_214, %dma_start3A_215] : memref<10000x128xf32, #tpu.memory_space<hbm>> -> memref<10000x128xf32, #tpu.memory_space<hbm>>
          tpu.enqueue_indirect_dma source(%dma_start3A_216 : memref<10000x128xf32, #tpu.memory_space<hbm>>) target(%dma_start3A_210 : memref<80x128xf32, #tpu.memory_space<vmem>>) offsets(%dma_start3A_213 : memref<80xi32, #tpu.memory_space<vmem>>) semaphore(%arg21 : memref<!tpu.dma_semaphore, #tpu.memory_space<semaphore_mem>>)
          %dma_start3A_217 = arith.constant 1 : i32
          %dma_start3A_218 = arith.constant 0 : i32
          %dma_start3A_219 = arith.constant 0 : i32
          %dma_start3A_220 = tpu.memref_slice %arg16[%dma_start3A_217, %dma_start3A_218, %dma_start3A_219] : memref<2x80x256xf32, #tpu.memory_space<vmem>> -> memref<1x80x256xf32, #tpu.memory_space<vmem>>
          %dma_start3A_221 = tpu.memref_squeeze %dma_start3A_220 : memref<1x80x256xf32, #tpu.memory_space<vmem>> -> memref<80x256xf32, #tpu.memory_space<vmem>>
          %dma_start3A_222 = arith.constant 0 : i32
          %dma_start3A_223 = tpu.memref_slice %arg13[%add3A_202, %dma_start3A_222] : memref<125x80xi32, #tpu.memory_space<vmem>> -> memref<1x80xi32, #tpu.memory_space<vmem>>
          %dma_start3A_224 = tpu.memref_squeeze %dma_start3A_223 : memref<1x80xi32, #tpu.memory_space<vmem>> -> memref<80xi32, #tpu.memory_space<vmem>>
          %dma_start3A_225 = arith.constant 0 : i32
          %dma_start3A_226 = arith.constant 0 : i32
          %dma_start3A_227 = tpu.memref_slice %arg3[%dma_start3A_225, %dma_start3A_226] : memref<10000x256xf32, #tpu.memory_space<hbm>> -> memref<10000x256xf32, #tpu.memory_space<hbm>>
          tpu.enqueue_indirect_dma source(%dma_start3A_227 : memref<10000x256xf32, #tpu.memory_space<hbm>>) target(%dma_start3A_221 : memref<80x256xf32, #tpu.memory_space<vmem>>) offsets(%dma_start3A_224 : memref<80xi32, #tpu.memory_space<vmem>>) semaphore(%arg21 : memref<!tpu.dma_semaphore, #tpu.memory_space<semaphore_mem>>)
          %dma_start3A_228 = arith.constant 1 : i32
          %dma_start3A_229 = arith.constant 0 : i32
          %dma_start3A_230 = arith.constant 0 : i32
          %dma_start3A_231 = tpu.memref_slice %arg17[%dma_start3A_228, %dma_start3A_229, %dma_start3A_230] : memref<2x80x128xf32, #tpu.memory_space<vmem>> -> memref<1x80x128xf32, #tpu.memory_space<vmem>>
          %dma_start3A_232 = tpu.memref_squeeze %dma_start3A_231 : memref<1x80x128xf32, #tpu.memory_space<vmem>> -> memref<80x128xf32, #tpu.memory_space<vmem>>
          %dma_start3A_233 = arith.constant 0 : i32
          %dma_start3A_234 = tpu.memref_slice %arg4[%mul3A_205, %dma_start3A_233] : memref<320000x128xf32, #tpu.memory_space<hbm>> -> memref<80x128xf32, #tpu.memory_space<hbm>>
          %dma_start3A_235 = arith.constant 0 : i32
          %dma_start3A_236 = arith.constant 0 : i32
          %dma_start3A_237 = tpu.memref_slice %arg17[%dma_start3A_228, %dma_start3A_235, %dma_start3A_236] : memref<2x80x128xf32, #tpu.memory_space<vmem>> -> memref<1x80x128xf32, #tpu.memory_space<vmem>>
          %dma_start3A_238 = tpu.memref_squeeze %dma_start3A_237 : memref<1x80x128xf32, #tpu.memory_space<vmem>> -> memref<80x128xf32, #tpu.memory_space<vmem>>
          %dma_start3A_239 = arith.constant 0 : i32
          %dma_start3A_240 = tpu.memref_slice %arg4[%mul3A_205, %dma_start3A_239] : memref<320000x128xf32, #tpu.memory_space<hbm>> -> memref<80x128xf32, #tpu.memory_space<hbm>>
          tpu.enqueue_dma source(%dma_start3A_240 : memref<80x128xf32, #tpu.memory_space<hbm>>) target(%dma_start3A_238 : memref<80x128xf32, #tpu.memory_space<vmem>>) target_semaphore(%arg21 : memref<!tpu.dma_semaphore, #tpu.memory_space<semaphore_mem>>)
        } else {
        }
        %get3A_141 = arith.index_cast %add3A_120 : i32 to index
        %get3A_142 = arith.constant 0 : index
        %get3A_143 = tpu.vector_load %arg14[%get3A_141, %get3A_142] {strides = array<i32>} : memref<125x80xi32, #tpu.memory_space<vmem>>, vector<16xi32>,
        %slice3A_144 = vector.extract_strided_slice %get3A_143 {offsets = [0], sizes = [1], strides = [1]} : vector<16xi32> to vector<1xi32>
        %squeeze3A_145 = vector.extract %slice3A_144[0] : i32 from vector<1xi32>
        %get3A_146 = arith.index_cast %add3A_120 : i32 to index
        %get3A_147 = arith.constant 64 : index
        %get3A_148 = tpu.vector_load %arg14[%get3A_146, %get3A_147] {strides = array<i32>} : memref<125x80xi32, #tpu.memory_space<vmem>>, vector<16xi32>,
        %slice3A_149 = vector.extract_strided_slice %get3A_148 {offsets = [15], sizes = [1], strides = [1]} : vector<16xi32> to vector<1xi32>
        %squeeze3A_150 = vector.extract %slice3A_149[0] : i32 from vector<1xi32>
        %add3A_151 = arith.constant 2560 : i32
        %add3A_152 = arith.addi %mul3A_35, %add3A_151 : i32
        %lt3A_153 = arith.cmpi slt, %squeeze3A_145, %add3A_152 : i32
        %ge3A_154 = arith.cmpi sge, %squeeze3A_150, %mul3A_35 : i32
        %and3A_155 = arith.andi %lt3A_153, %ge3A_154 : i1
        %convert_element_type3A_156 = arith.extui %and3A_155 : i1 to i32
        %cond3A_157 = arith.constant 0 : i32
        %cond3A_158 = arith.cmpi ne, %convert_element_type3A_156, %cond3A_157 : i32
        scf.if %cond3A_158 {
          %dma_wait3A_201 = arith.constant 0 : i32
          %dma_wait3A_202 = arith.constant 0 : i32
          %dma_wait3A_203 = arith.constant 0 : i32
          %dma_wait3A_204 = tpu.memref_slice %arg15[%dma_wait3A_201, %dma_wait3A_202, %dma_wait3A_203] : memref<2x80x128xf32, #tpu.memory_space<vmem>> -> memref<1x80x128xf32, #tpu.memory_space<vmem>>
          %dma_wait3A_205 = tpu.memref_squeeze %dma_wait3A_204 : memref<1x80x128xf32, #tpu.memory_space<vmem>> -> memref<80x128xf32, #tpu.memory_space<vmem>>
          %dma_wait3A_206 = arith.constant 0 : i32
          %dma_wait3A_207 = tpu.memref_slice %arg14[%add3A_120, %dma_wait3A_206] : memref<125x80xi32, #tpu.memory_space<vmem>> -> memref<1x80xi32, #tpu.memory_space<vmem>>
          %dma_wait3A_208 = tpu.memref_squeeze %dma_wait3A_207 : memref<1x80xi32, #tpu.memory_space<vmem>> -> memref<80xi32, #tpu.memory_space<vmem>>
          %dma_wait3A_209 = arith.constant 0 : i32
          %dma_wait3A_210 = arith.constant 0 : i32
          %dma_wait3A_211 = tpu.memref_slice %arg2[%dma_wait3A_209, %dma_wait3A_210] : memref<10000x128xf32, #tpu.memory_space<hbm>> -> memref<10000x128xf32, #tpu.memory_space<hbm>>
          tpu.wait_indirect_dma semaphore(%arg20 : memref<!tpu.dma_semaphore, #tpu.memory_space<semaphore_mem>>) src(%dma_wait3A_211 : memref<10000x128xf32, #tpu.memory_space<hbm>>) dst(%dma_wait3A_205 : memref<80x128xf32, #tpu.memory_space<vmem>>)
          %dma_wait3A_212 = arith.constant 0 : i32
          %dma_wait3A_213 = arith.constant 0 : i32
          %dma_wait3A_214 = arith.constant 0 : i32
          %dma_wait3A_215 = tpu.memref_slice %arg16[%dma_wait3A_212, %dma_wait3A_213, %dma_wait3A_214] : memref<2x80x256xf32, #tpu.memory_space<vmem>> -> memref<1x80x256xf32, #tpu.memory_space<vmem>>
          %dma_wait3A_216 = tpu.memref_squeeze %dma_wait3A_215 : memref<1x80x256xf32, #tpu.memory_space<vmem>> -> memref<80x256xf32, #tpu.memory_space<vmem>>
          %dma_wait3A_217 = arith.constant 0 : i32
          %dma_wait3A_218 = tpu.memref_slice %arg13[%add3A_120, %dma_wait3A_217] : memref<125x80xi32, #tpu.memory_space<vmem>> -> memref<1x80xi32, #tpu.memory_space<vmem>>
          %dma_wait3A_219 = tpu.memref_squeeze %dma_wait3A_218 : memref<1x80xi32, #tpu.memory_space<vmem>> -> memref<80xi32, #tpu.memory_space<vmem>>
          %dma_wait3A_220 = arith.constant 0 : i32
          %dma_wait3A_221 = arith.constant 0 : i32
          %dma_wait3A_222 = tpu.memref_slice %arg3[%dma_wait3A_220, %dma_wait3A_221] : memref<10000x256xf32, #tpu.memory_space<hbm>> -> memref<10000x256xf32, #tpu.memory_space<hbm>>
          tpu.wait_indirect_dma semaphore(%arg20 : memref<!tpu.dma_semaphore, #tpu.memory_space<semaphore_mem>>) src(%dma_wait3A_222 : memref<10000x256xf32, #tpu.memory_space<hbm>>) dst(%dma_wait3A_216 : memref<80x256xf32, #tpu.memory_space<vmem>>)
          %add3A_223 = arith.addi %mul3A_2, %add3A_120 : i32
          %mul3A_224 = arith.constant 80 : i32
          %mul3A_225 = arith.muli %add3A_223, %mul3A_224 : i32
          %dma_wait3A_226 = arith.constant 0 : i32
          %dma_wait3A_227 = arith.constant 0 : i32
          %dma_wait3A_228 = arith.constant 0 : i32
          %dma_wait3A_229 = tpu.memref_slice %arg17[%dma_wait3A_226, %dma_wait3A_227, %dma_wait3A_228] : memref<2x80x128xf32, #tpu.memory_space<vmem>> -> memref<1x80x128xf32, #tpu.memory_space<vmem>>
          %dma_wait3A_230 = tpu.memref_squeeze %dma_wait3A_229 : memref<1x80x128xf32, #tpu.memory_space<vmem>> -> memref<80x128xf32, #tpu.memory_space<vmem>>
          %dma_wait3A_231 = arith.constant 0 : i32
          %dma_wait3A_232 = tpu.memref_slice %arg4[%mul3A_225, %dma_wait3A_231] : memref<320000x128xf32, #tpu.memory_space<hbm>> -> memref<80x128xf32, #tpu.memory_space<hbm>>
          %dma_wait3A_233 = arith.constant 0 : i32
          %dma_wait3A_234 = arith.constant 0 : i32
          %dma_wait3A_235 = tpu.memref_slice %arg17[%dma_wait3A_226, %dma_wait3A_233, %dma_wait3A_234] : memref<2x80x128xf32, #tpu.memory_space<vmem>> -> memref<1x80x128xf32, #tpu.memory_space<vmem>>
          %dma_wait3A_236 = tpu.memref_squeeze %dma_wait3A_235 : memref<1x80x128xf32, #tpu.memory_space<vmem>> -> memref<80x128xf32, #tpu.memory_space<vmem>>
          %dma_wait3A_237 = arith.constant 0 : i32
          %dma_wait3A_238 = tpu.memref_slice %arg4[%mul3A_225, %dma_wait3A_237] : memref<320000x128xf32, #tpu.memory_space<hbm>> -> memref<80x128xf32, #tpu.memory_space<hbm>>
          tpu.wait_dma2 semaphore(%arg20 : memref<!tpu.dma_semaphore, #tpu.memory_space<semaphore_mem>>) src(%dma_wait3A_238 : memref<80x128xf32, #tpu.memory_space<hbm>>) dst(%dma_wait3A_236 : memref<80x128xf32, #tpu.memory_space<vmem>>)
          %get3A_239 = arith.index_cast %add3A_120 : i32 to index
          %get3A_240 = arith.constant 0 : index
          %get3A_241 = tpu.vector_load %arg14[%get3A_239, %get3A_240] {strides = array<i32>} : memref<125x80xi32, #tpu.memory_space<vmem>>, vector<16xi32>,
          %sub3A = vector.broadcast %mul3A_35 : i32 to vector<16xi32>
          %sub3A_242 = arith.subi %get3A_241, %sub3A : vector<16xi32>
          %add3A_243 = arith.constant 8 : i32
          %add3A_244 = vector.broadcast %add3A_243 : i32 to vector<16xi32>
          %add3A_245 = arith.addi %sub3A_242, %add3A_244 : vector<16xi32>
          %ge3A_246 = arith.constant 8 : i32
          %ge3A_247 = vector.broadcast %ge3A_246 : i32 to vector<16xi32>
          %ge3A_248 = arith.cmpi sge, %add3A_245, %ge3A_247 : vector<16xi32>
          %lt3A_249 = arith.constant 2568 : i32
          %lt3A_250 = vector.broadcast %lt3A_249 : i32 to vector<16xi32>
          %lt3A_251 = arith.cmpi slt, %add3A_245, %lt3A_250 : vector<16xi32>
          %and3A_252 = arith.andi %ge3A_248, %lt3A_251 : vector<16xi1>
          %jit3A = arith.constant 0 : i32
          %broadcast_in_dim3A = vector.broadcast %jit3A : i32 to vector<16xi32>
          %select_n3A = arith.select %and3A_252, %add3A_245, %broadcast_in_dim3A : vector<16xi1>, vector<16xi32>
          %swap3A = arith.constant 0 : index
          %swap3A_253 = tpu.vector_load %arg19[%swap3A] {strides = array<i32>} : memref<80xi32, #tpu.memory_space<vmem>>, vector<16xi32>,
          tpu.vector_store %arg19[%swap3A], %select_n3A {strides = array<i32>} : memref<80xi32, #tpu.memory_space<vmem>>, vector<16xi32>,
          %get3A_254 = arith.index_cast %add3A_120 : i32 to index
          %get3A_255 = arith.constant 16 : index
          %get3A_256 = tpu.vector_load %arg14[%get3A_254, %get3A_255] {strides = array<i32>} : memref<125x80xi32, #tpu.memory_space<vmem>>, vector<16xi32>,
          %sub3A_257 = vector.broadcast %mul3A_35 : i32 to vector<16xi32>
          %sub3A_258 = arith.subi %get3A_256, %sub3A_257 : vector<16xi32>
          %add3A_259 = arith.constant 8 : i32
          %add3A_260 = vector.broadcast %add3A_259 : i32 to vector<16xi32>
          %add3A_261 = arith.addi %sub3A_258, %add3A_260 : vector<16xi32>
          %ge3A_262 = arith.constant 8 : i32
          %ge3A_263 = vector.broadcast %ge3A_262 : i32 to vector<16xi32>
          %ge3A_264 = arith.cmpi sge, %add3A_261, %ge3A_263 : vector<16xi32>
          %lt3A_265 = arith.constant 2568 : i32
          %lt3A_266 = vector.broadcast %lt3A_265 : i32 to vector<16xi32>
          %lt3A_267 = arith.cmpi slt, %add3A_261, %lt3A_266 : vector<16xi32>
          %and3A_268 = arith.andi %ge3A_264, %lt3A_267 : vector<16xi1>
          %jit3A_269 = arith.constant 0 : i32
          %broadcast_in_dim3A_270 = vector.broadcast %jit3A_269 : i32 to vector<16xi32>
          %select_n3A_271 = arith.select %and3A_268, %add3A_261, %broadcast_in_dim3A_270 : vector<16xi1>, vector<16xi32>
          %swap3A_272 = arith.constant 16 : index
          %swap3A_273 = tpu.vector_load %arg19[%swap3A_272] {strides = array<i32>} : memref<80xi32, #tpu.memory_space<vmem>>, vector<16xi32>,
          tpu.vector_store %arg19[%swap3A_272], %select_n3A_271 {strides = array<i32>} : memref<80xi32, #tpu.memory_space<vmem>>, vector<16xi32>,
          %get3A_274 = arith.index_cast %add3A_120 : i32 to index
          %get3A_275 = arith.constant 32 : index
          %get3A_276 = tpu.vector_load %arg14[%get3A_274, %get3A_275] {strides = array<i32>} : memref<125x80xi32, #tpu.memory_space<vmem>>, vector<16xi32>,
          %sub3A_277 = vector.broadcast %mul3A_35 : i32 to vector<16xi32>
          %sub3A_278 = arith.subi %get3A_276, %sub3A_277 : vector<16xi32>
          %add3A_279 = arith.constant 8 : i32
          %add3A_280 = vector.broadcast %add3A_279 : i32 to vector<16xi32>
          %add3A_281 = arith.addi %sub3A_278, %add3A_280 : vector<16xi32>
          %ge3A_282 = arith.constant 8 : i32
          %ge3A_283 = vector.broadcast %ge3A_282 : i32 to vector<16xi32>
          %ge3A_284 = arith.cmpi sge, %add3A_281, %ge3A_283 : vector<16xi32>
          %lt3A_285 = arith.constant 2568 : i32
          %lt3A_286 = vector.broadcast %lt3A_285 : i32 to vector<16xi32>
          %lt3A_287 = arith.cmpi slt, %add3A_281, %lt3A_286 : vector<16xi32>
          %and3A_288 = arith.andi %ge3A_284, %lt3A_287 : vector<16xi1>
          %jit3A_289 = arith.constant 0 : i32
          %broadcast_in_dim3A_290 = vector.broadcast %jit3A_289 : i32 to vector<16xi32>
          %select_n3A_291 = arith.select %and3A_288, %add3A_281, %broadcast_in_dim3A_290 : vector<16xi1>, vector<16xi32>
          %swap3A_292 = arith.constant 32 : index
          %swap3A_293 = tpu.vector_load %arg19[%swap3A_292] {strides = array<i32>} : memref<80xi32, #tpu.memory_space<vmem>>, vector<16xi32>,
          tpu.vector_store %arg19[%swap3A_292], %select_n3A_291 {strides = array<i32>} : memref<80xi32, #tpu.memory_space<vmem>>, vector<16xi32>,
          %get3A_294 = arith.index_cast %add3A_120 : i32 to index
          %get3A_295 = arith.constant 48 : index
          %get3A_296 = tpu.vector_load %arg14[%get3A_294, %get3A_295] {strides = array<i32>} : memref<125x80xi32, #tpu.memory_space<vmem>>, vector<16xi32>,
          %sub3A_297 = vector.broadcast %mul3A_35 : i32 to vector<16xi32>
          %sub3A_298 = arith.subi %get3A_296, %sub3A_297 : vector<16xi32>
          %add3A_299 = arith.constant 8 : i32
          %add3A_300 = vector.broadcast %add3A_299 : i32 to vector<16xi32>
          %add3A_301 = arith.addi %sub3A_298, %add3A_300 : vector<16xi32>
          %ge3A_302 = arith.constant 8 : i32
          %ge3A_303 = vector.broadcast %ge3A_302 : i32 to vector<16xi32>
          %ge3A_304 = arith.cmpi sge, %add3A_301, %ge3A_303 : vector<16xi32>
          %lt3A_305 = arith.constant 2568 : i32
          %lt3A_306 = vector.broadcast %lt3A_305 : i32 to vector<16xi32>
          %lt3A_307 = arith.cmpi slt, %add3A_301, %lt3A_306 : vector<16xi32>
          %and3A_308 = arith.andi %ge3A_304, %lt3A_307 : vector<16xi1>
          %jit3A_309 = arith.constant 0 : i32
          %broadcast_in_dim3A_310 = vector.broadcast %jit3A_309 : i32 to vector<16xi32>
          %select_n3A_311 = arith.select %and3A_308, %add3A_301, %broadcast_in_dim3A_310 : vector<16xi1>, vector<16xi32>
          %swap3A_312 = arith.constant 48 : index
          %swap3A_313 = tpu.vector_load %arg19[%swap3A_312] {strides = array<i32>} : memref<80xi32, #tpu.memory_space<vmem>>, vector<16xi32>,
          tpu.vector_store %arg19[%swap3A_312], %select_n3A_311 {strides = array<i32>} : memref<80xi32, #tpu.memory_space<vmem>>, vector<16xi32>,
          %get3A_314 = arith.index_cast %add3A_120 : i32 to index
          %get3A_315 = arith.constant 64 : index
          %get3A_316 = tpu.vector_load %arg14[%get3A_314, %get3A_315] {strides = array<i32>} : memref<125x80xi32, #tpu.memory_space<vmem>>, vector<16xi32>,
          %sub3A_317 = vector.broadcast %mul3A_35 : i32 to vector<16xi32>
          %sub3A_318 = arith.subi %get3A_316, %sub3A_317 : vector<16xi32>
          %add3A_319 = arith.constant 8 : i32
          %add3A_320 = vector.broadcast %add3A_319 : i32 to vector<16xi32>
          %add3A_321 = arith.addi %sub3A_318, %add3A_320 : vector<16xi32>
          %ge3A_322 = arith.constant 8 : i32
          %ge3A_323 = vector.broadcast %ge3A_322 : i32 to vector<16xi32>
          %ge3A_324 = arith.cmpi sge, %add3A_321, %ge3A_323 : vector<16xi32>
          %lt3A_325 = arith.constant 2568 : i32
          %lt3A_326 = vector.broadcast %lt3A_325 : i32 to vector<16xi32>
          %lt3A_327 = arith.cmpi slt, %add3A_321, %lt3A_326 : vector<16xi32>
          %and3A_328 = arith.andi %ge3A_324, %lt3A_327 : vector<16xi1>
          %jit3A_329 = arith.constant 0 : i32
          %broadcast_in_dim3A_330 = vector.broadcast %jit3A_329 : i32 to vector<16xi32>
          %select_n3A_331 = arith.select %and3A_328, %add3A_321, %broadcast_in_dim3A_330 : vector<16xi1>, vector<16xi32>
          %swap3A_332 = arith.constant 64 : index
          %swap3A_333 = tpu.vector_load %arg19[%swap3A_332] {strides = array<i32>} : memref<80xi32, #tpu.memory_space<vmem>>, vector<16xi32>,
          tpu.vector_store %arg19[%swap3A_332], %select_n3A_331 {strides = array<i32>} : memref<80xi32, #tpu.memory_space<vmem>>, vector<16xi32>,
          %parallel_loop3A = arith.constant 0 : i32
          %parallel_loop3A_334 = arith.constant 80 : i32
          %parallel_loop3A_335 = arith.constant 1 : i32
          scf.for %parallel_loop3A_336 = %parallel_loop3A to %parallel_loop3A_334 step %parallel_loop3A_335  : i32 {
            %parallel_loop3A_337 = vector.broadcast %parallel_loop3A_336 : i32 to vector<16xi32>
            %parallel_loop3A_338 = tpu.vector_load_idx %arg19[%parallel_loop3A_337] : memref<80xi32, #tpu.memory_space<vmem>>[vector<16xi32>], vector<16xi32>,
            %parallel_loop3A_339 = arith.constant 0 : i32
            %parallel_loop3A_340 = vector.broadcast %parallel_loop3A_339 : i32 to vector<16xi32>
            %parallel_loop3A_341 = arith.cmpi sgt, %parallel_loop3A_338, %parallel_loop3A_340 : vector<16xi32>
            %parallel_loop3A_342 = arith.constant 1.000000e+00 : f32
            %parallel_loop3A_343 = arith.constant 0.000000e+00 : f32
            %parallel_loop3A_344 = vector.broadcast %parallel_loop3A_342 : f32 to vector<16xf32>
            %parallel_loop3A_345 = vector.broadcast %parallel_loop3A_343 : f32 to vector<16xf32>
            %parallel_loop3A_346 = arith.select %parallel_loop3A_341, %parallel_loop3A_344, %parallel_loop3A_345 : vector<16xi1>, vector<16xf32>
            %parallel_loop3A_347 = arith.constant 0 : i32
            %parallel_loop3A_348 = arith.index_cast %parallel_loop3A_347 : i32 to index
            %parallel_loop3A_349 = arith.index_cast %parallel_loop3A_336 : i32 to index
            %parallel_loop3A_350 = arith.constant 0 : index
            %parallel_loop3A_351 = tpu.vector_load %arg15[%parallel_loop3A_348, %parallel_loop3A_349, %parallel_loop3A_350] {strides = array<i32>} : memref<2x80x128xf32, #tpu.memory_space<vmem>>, vector<16xf32>,
            %parallel_loop3A_352 = arith.constant 0 : i32
            %parallel_loop3A_353 = arith.index_cast %parallel_loop3A_352 : i32 to index
            %parallel_loop3A_354 = arith.index_cast %parallel_loop3A_336 : i32 to index
            %parallel_loop3A_355 = arith.constant 0 : index
            %parallel_loop3A_356 = tpu.vector_load %arg16[%parallel_loop3A_353, %parallel_loop3A_354, %parallel_loop3A_355] {strides = array<i32>} : memref<2x80x256xf32, #tpu.memory_space<vmem>>, vector<16xf32>,
            %parallel_loop3A_357 = arith.mulf %parallel_loop3A_351, %parallel_loop3A_356 : vector<16xf32>
            %parallel_loop3A_358 = arith.constant 0 : i32
            %parallel_loop3A_359 = arith.index_cast %parallel_loop3A_358 : i32 to index
            %parallel_loop3A_360 = arith.index_cast %parallel_loop3A_336 : i32 to index
            %parallel_loop3A_361 = arith.constant 16 : index
            %parallel_loop3A_362 = tpu.vector_load %arg15[%parallel_loop3A_359, %parallel_loop3A_360, %parallel_loop3A_361] {strides = array<i32>} : memref<2x80x128xf32, #tpu.memory_space<vmem>>, vector<16xf32>,
            %parallel_loop3A_363 = arith.constant 0 : i32
            %parallel_loop3A_364 = arith.index_cast %parallel_loop3A_363 : i32 to index
            %parallel_loop3A_365 = arith.index_cast %parallel_loop3A_336 : i32 to index
            %parallel_loop3A_366 = arith.constant 16 : index
            %parallel_loop3A_367 = tpu.vector_load %arg16[%parallel_loop3A_364, %parallel_loop3A_365, %parallel_loop3A_366] {strides = array<i32>} : memref<2x80x256xf32, #tpu.memory_space<vmem>>, vector<16xf32>,
            %parallel_loop3A_368 = arith.mulf %parallel_loop3A_362, %parallel_loop3A_367 : vector<16xf32>
            %parallel_loop3A_369 = arith.addf %parallel_loop3A_357, %parallel_loop3A_368 : vector<16xf32>
            %parallel_loop3A_370 = vector.shape_cast %xor3A_18 : vector<16xi32> to vector<16x1xi32>
            %parallel_loop3A_371 = vector.shape_cast %parallel_loop3A_370 : vector<16x1xi32> to vector<16xi32>
            %parallel_loop3A_372 = tpu.dynamic_gather %parallel_loop3A_369[%parallel_loop3A_371] in [0] : vector<16xf32>, vector<16xi32> -> vector<16xf32>
            %parallel_loop3A_373 = arith.addf %parallel_loop3A_369, %parallel_loop3A_372 : vector<16xf32>
            %parallel_loop3A_374 = vector.shape_cast %xor3A_21 : vector<16xi32> to vector<16x1xi32>
            %parallel_loop3A_375 = vector.shape_cast %parallel_loop3A_374 : vector<16x1xi32> to vector<16xi32>
            %parallel_loop3A_376 = tpu.dynamic_gather %parallel_loop3A_373[%parallel_loop3A_375] in [0] : vector<16xf32>, vector<16xi32> -> vector<16xf32>
            %parallel_loop3A_377 = arith.addf %parallel_loop3A_373, %parallel_loop3A_376 : vector<16xf32>
            %parallel_loop3A_378 = vector.shape_cast %xor3A_24 : vector<16xi32> to vector<16x1xi32>
            %parallel_loop3A_379 = vector.shape_cast %parallel_loop3A_378 : vector<16x1xi32> to vector<16xi32>
            %parallel_loop3A_380 = tpu.dynamic_gather %parallel_loop3A_377[%parallel_loop3A_379] in [0] : vector<16xf32>, vector<16xi32> -> vector<16xf32>
            %parallel_loop3A_381 = arith.addf %parallel_loop3A_377, %parallel_loop3A_380 : vector<16xf32>
            %parallel_loop3A_382 = vector.shape_cast %xor3A_27 : vector<16xi32> to vector<16x1xi32>
            %parallel_loop3A_383 = vector.shape_cast %parallel_loop3A_382 : vector<16x1xi32> to vector<16xi32>
            %parallel_loop3A_384 = tpu.dynamic_gather %parallel_loop3A_381[%parallel_loop3A_383] in [0] : vector<16xf32>, vector<16xi32> -> vector<16xf32>
            %parallel_loop3A_385 = arith.addf %parallel_loop3A_381, %parallel_loop3A_384 : vector<16xf32>
            %parallel_loop3A_386 = arith.constant 0.176776692 : f32
            %parallel_loop3A_387 = vector.broadcast %parallel_loop3A_386 : f32 to vector<16xf32>
            %parallel_loop3A_388 = arith.mulf %parallel_loop3A_385, %parallel_loop3A_387 : vector<16xf32>
            %parallel_loop3A_389 = math.exp %parallel_loop3A_388 : vector<16xf32>
            %parallel_loop3A_390 = arith.mulf %parallel_loop3A_389, %parallel_loop3A_346 : vector<16xf32>
            %parallel_loop3A_391 = arith.constant 0 : i32
            %parallel_loop3A_392 = arith.index_cast %parallel_loop3A_391 : i32 to index
            %parallel_loop3A_393 = arith.index_cast %parallel_loop3A_336 : i32 to index
            %parallel_loop3A_394 = arith.constant 32 : index
            %parallel_loop3A_395 = tpu.vector_load %arg15[%parallel_loop3A_392, %parallel_loop3A_393, %parallel_loop3A_394] {strides = array<i32>} : memref<2x80x128xf32, #tpu.memory_space<vmem>>, vector<16xf32>,
            %parallel_loop3A_396 = arith.constant 0 : i32
            %parallel_loop3A_397 = arith.index_cast %parallel_loop3A_396 : i32 to index
            %parallel_loop3A_398 = arith.index_cast %parallel_loop3A_336 : i32 to index
            %parallel_loop3A_399 = arith.constant 32 : index
            %parallel_loop3A_400 = tpu.vector_load %arg16[%parallel_loop3A_397, %parallel_loop3A_398, %parallel_loop3A_399] {strides = array<i32>} : memref<2x80x256xf32, #tpu.memory_space<vmem>>, vector<16xf32>,
            %parallel_loop3A_401 = arith.mulf %parallel_loop3A_395, %parallel_loop3A_400 : vector<16xf32>
            %parallel_loop3A_402 = arith.constant 0 : i32
            %parallel_loop3A_403 = arith.index_cast %parallel_loop3A_402 : i32 to index
            %parallel_loop3A_404 = arith.index_cast %parallel_loop3A_336 : i32 to index
            %parallel_loop3A_405 = arith.constant 48 : index
            %parallel_loop3A_406 = tpu.vector_load %arg15[%parallel_loop3A_403, %parallel_loop3A_404, %parallel_loop3A_405] {strides = array<i32>} : memref<2x80x128xf32, #tpu.memory_space<vmem>>, vector<16xf32>,
            %parallel_loop3A_407 = arith.constant 0 : i32
            %parallel_loop3A_408 = arith.index_cast %parallel_loop3A_407 : i32 to index
            %parallel_loop3A_409 = arith.index_cast %parallel_loop3A_336 : i32 to index
            %parallel_loop3A_410 = arith.constant 48 : index
            %parallel_loop3A_411 = tpu.vector_load %arg16[%parallel_loop3A_408, %parallel_loop3A_409, %parallel_loop3A_410] {strides = array<i32>} : memref<2x80x256xf32, #tpu.memory_space<vmem>>, vector<16xf32>,
            %parallel_loop3A_412 = arith.mulf %parallel_loop3A_406, %parallel_loop3A_411 : vector<16xf32>
            %parallel_loop3A_413 = arith.addf %parallel_loop3A_401, %parallel_loop3A_412 : vector<16xf32>
            %parallel_loop3A_414 = vector.shape_cast %xor3A_18 : vector<16xi32> to vector<16x1xi32>
            %parallel_loop3A_415 = vector.shape_cast %parallel_loop3A_414 : vector<16x1xi32> to vector<16xi32>
            %parallel_loop3A_416 = tpu.dynamic_gather %parallel_loop3A_413[%parallel_loop3A_415] in [0] : vector<16xf32>, vector<16xi32> -> vector<16xf32>
            %parallel_loop3A_417 = arith.addf %parallel_loop3A_413, %parallel_loop3A_416 : vector<16xf32>
            %parallel_loop3A_418 = vector.shape_cast %xor3A_21 : vector<16xi32> to vector<16x1xi32>
            %parallel_loop3A_419 = vector.shape_cast %parallel_loop3A_418 : vector<16x1xi32> to vector<16xi32>
            %parallel_loop3A_420 = tpu.dynamic_gather %parallel_loop3A_417[%parallel_loop3A_419] in [0] : vector<16xf32>, vector<16xi32> -> vector<16xf32>
            %parallel_loop3A_421 = arith.addf %parallel_loop3A_417, %parallel_loop3A_420 : vector<16xf32>
            %parallel_loop3A_422 = vector.shape_cast %xor3A_24 : vector<16xi32> to vector<16x1xi32>
            %parallel_loop3A_423 = vector.shape_cast %parallel_loop3A_422 : vector<16x1xi32> to vector<16xi32>
            %parallel_loop3A_424 = tpu.dynamic_gather %parallel_loop3A_421[%parallel_loop3A_423] in [0] : vector<16xf32>, vector<16xi32> -> vector<16xf32>
            %parallel_loop3A_425 = arith.addf %parallel_loop3A_421, %parallel_loop3A_424 : vector<16xf32>
            %parallel_loop3A_426 = vector.shape_cast %xor3A_27 : vector<16xi32> to vector<16x1xi32>
            %parallel_loop3A_427 = vector.shape_cast %parallel_loop3A_426 : vector<16x1xi32> to vector<16xi32>
            %parallel_loop3A_428 = tpu.dynamic_gather %parallel_loop3A_425[%parallel_loop3A_427] in [0] : vector<16xf32>, vector<16xi32> -> vector<16xf32>
            %parallel_loop3A_429 = arith.addf %parallel_loop3A_425, %parallel_loop3A_428 : vector<16xf32>
            %parallel_loop3A_430 = arith.constant 0.176776692 : f32
            %parallel_loop3A_431 = vector.broadcast %parallel_loop3A_430 : f32 to vector<16xf32>
            %parallel_loop3A_432 = arith.mulf %parallel_loop3A_429, %parallel_loop3A_431 : vector<16xf32>
            %parallel_loop3A_433 = math.exp %parallel_loop3A_432 : vector<16xf32>
            %parallel_loop3A_434 = arith.mulf %parallel_loop3A_433, %parallel_loop3A_346 : vector<16xf32>
            %parallel_loop3A_435 = arith.constant 0 : i32
            %parallel_loop3A_436 = arith.index_cast %parallel_loop3A_435 : i32 to index
            %parallel_loop3A_437 = arith.index_cast %parallel_loop3A_336 : i32 to index
            %parallel_loop3A_438 = arith.constant 64 : index
            %parallel_loop3A_439 = tpu.vector_load %arg15[%parallel_loop3A_436, %parallel_loop3A_437, %parallel_loop3A_438] {strides = array<i32>} : memref<2x80x128xf32, #tpu.memory_space<vmem>>, vector<16xf32>,
            %parallel_loop3A_440 = arith.constant 0 : i32
            %parallel_loop3A_441 = arith.index_cast %parallel_loop3A_440 : i32 to index
            %parallel_loop3A_442 = arith.index_cast %parallel_loop3A_336 : i32 to index
            %parallel_loop3A_443 = arith.constant 64 : index
            %parallel_loop3A_444 = tpu.vector_load %arg16[%parallel_loop3A_441, %parallel_loop3A_442, %parallel_loop3A_443] {strides = array<i32>} : memref<2x80x256xf32, #tpu.memory_space<vmem>>, vector<16xf32>,
            %parallel_loop3A_445 = arith.mulf %parallel_loop3A_439, %parallel_loop3A_444 : vector<16xf32>
            %parallel_loop3A_446 = arith.constant 0 : i32
            %parallel_loop3A_447 = arith.index_cast %parallel_loop3A_446 : i32 to index
            %parallel_loop3A_448 = arith.index_cast %parallel_loop3A_336 : i32 to index
            %parallel_loop3A_449 = arith.constant 80 : index
            %parallel_loop3A_450 = tpu.vector_load %arg15[%parallel_loop3A_447, %parallel_loop3A_448, %parallel_loop3A_449] {strides = array<i32>} : memref<2x80x128xf32, #tpu.memory_space<vmem>>, vector<16xf32>,
            %parallel_loop3A_451 = arith.constant 0 : i32
            %parallel_loop3A_452 = arith.index_cast %parallel_loop3A_451 : i32 to index
            %parallel_loop3A_453 = arith.index_cast %parallel_loop3A_336 : i32 to index
            %parallel_loop3A_454 = arith.constant 80 : index
            %parallel_loop3A_455 = tpu.vector_load %arg16[%parallel_loop3A_452, %parallel_loop3A_453, %parallel_loop3A_454] {strides = array<i32>} : memref<2x80x256xf32, #tpu.memory_space<vmem>>, vector<16xf32>,
            %parallel_loop3A_456 = arith.mulf %parallel_loop3A_450, %parallel_loop3A_455 : vector<16xf32>
            %parallel_loop3A_457 = arith.addf %parallel_loop3A_445, %parallel_loop3A_456 : vector<16xf32>
            %parallel_loop3A_458 = vector.shape_cast %xor3A_18 : vector<16xi32> to vector<16x1xi32>
            %parallel_loop3A_459 = vector.shape_cast %parallel_loop3A_458 : vector<16x1xi32> to vector<16xi32>
            %parallel_loop3A_460 = tpu.dynamic_gather %parallel_loop3A_457[%parallel_loop3A_459] in [0] : vector<16xf32>, vector<16xi32> -> vector<16xf32>
            %parallel_loop3A_461 = arith.addf %parallel_loop3A_457, %parallel_loop3A_460 : vector<16xf32>
            %parallel_loop3A_462 = vector.shape_cast %xor3A_21 : vector<16xi32> to vector<16x1xi32>
            %parallel_loop3A_463 = vector.shape_cast %parallel_loop3A_462 : vector<16x1xi32> to vector<16xi32>
            %parallel_loop3A_464 = tpu.dynamic_gather %parallel_loop3A_461[%parallel_loop3A_463] in [0] : vector<16xf32>, vector<16xi32> -> vector<16xf32>
            %parallel_loop3A_465 = arith.addf %parallel_loop3A_461, %parallel_loop3A_464 : vector<16xf32>
            %parallel_loop3A_466 = vector.shape_cast %xor3A_24 : vector<16xi32> to vector<16x1xi32>
            %parallel_loop3A_467 = vector.shape_cast %parallel_loop3A_466 : vector<16x1xi32> to vector<16xi32>
            %parallel_loop3A_468 = tpu.dynamic_gather %parallel_loop3A_465[%parallel_loop3A_467] in [0] : vector<16xf32>, vector<16xi32> -> vector<16xf32>
            %parallel_loop3A_469 = arith.addf %parallel_loop3A_465, %parallel_loop3A_468 : vector<16xf32>
            %parallel_loop3A_470 = vector.shape_cast %xor3A_27 : vector<16xi32> to vector<16x1xi32>
            %parallel_loop3A_471 = vector.shape_cast %parallel_loop3A_470 : vector<16x1xi32> to vector<16xi32>
            %parallel_loop3A_472 = tpu.dynamic_gather %parallel_loop3A_469[%parallel_loop3A_471] in [0] : vector<16xf32>, vector<16xi32> -> vector<16xf32>
            %parallel_loop3A_473 = arith.addf %parallel_loop3A_469, %parallel_loop3A_472 : vector<16xf32>
            %parallel_loop3A_474 = arith.constant 0.176776692 : f32
            %parallel_loop3A_475 = vector.broadcast %parallel_loop3A_474 : f32 to vector<16xf32>
            %parallel_loop3A_476 = arith.mulf %parallel_loop3A_473, %parallel_loop3A_475 : vector<16xf32>
            %parallel_loop3A_477 = math.exp %parallel_loop3A_476 : vector<16xf32>
            %parallel_loop3A_478 = arith.mulf %parallel_loop3A_477, %parallel_loop3A_346 : vector<16xf32>
            %parallel_loop3A_479 = arith.constant 0 : i32
            %parallel_loop3A_480 = arith.index_cast %parallel_loop3A_479 : i32 to index
            %parallel_loop3A_481 = arith.index_cast %parallel_loop3A_336 : i32 to index
            %parallel_loop3A_482 = arith.constant 96 : index
            %parallel_loop3A_483 = tpu.vector_load %arg15[%parallel_loop3A_480, %parallel_loop3A_481, %parallel_loop3A_482] {strides = array<i32>} : memref<2x80x128xf32, #tpu.memory_space<vmem>>, vector<16xf32>,
            %parallel_loop3A_484 = arith.constant 0 : i32
            %parallel_loop3A_485 = arith.index_cast %parallel_loop3A_484 : i32 to index
            %parallel_loop3A_486 = arith.index_cast %parallel_loop3A_336 : i32 to index
            %parallel_loop3A_487 = arith.constant 96 : index
            %parallel_loop3A_488 = tpu.vector_load %arg16[%parallel_loop3A_485, %parallel_loop3A_486, %parallel_loop3A_487] {strides = array<i32>} : memref<2x80x256xf32, #tpu.memory_space<vmem>>, vector<16xf32>,
            %parallel_loop3A_489 = arith.mulf %parallel_loop3A_483, %parallel_loop3A_488 : vector<16xf32>
            %parallel_loop3A_490 = arith.constant 0 : i32
            %parallel_loop3A_491 = arith.index_cast %parallel_loop3A_490 : i32 to index
            %parallel_loop3A_492 = arith.index_cast %parallel_loop3A_336 : i32 to index
            %parallel_loop3A_493 = arith.constant 112 : index
            %parallel_loop3A_494 = tpu.vector_load %arg15[%parallel_loop3A_491, %parallel_loop3A_492, %parallel_loop3A_493] {strides = array<i32>} : memref<2x80x128xf32, #tpu.memory_space<vmem>>, vector<16xf32>,
            %parallel_loop3A_495 = arith.constant 0 : i32
            %parallel_loop3A_496 = arith.index_cast %parallel_loop3A_495 : i32 to index
            %parallel_loop3A_497 = arith.index_cast %parallel_loop3A_336 : i32 to index
            %parallel_loop3A_498 = arith.constant 112 : index
            %parallel_loop3A_499 = tpu.vector_load %arg16[%parallel_loop3A_496, %parallel_loop3A_497, %parallel_loop3A_498] {strides = array<i32>} : memref<2x80x256xf32, #tpu.memory_space<vmem>>, vector<16xf32>,
            %parallel_loop3A_500 = arith.mulf %parallel_loop3A_494, %parallel_loop3A_499 : vector<16xf32>
            %parallel_loop3A_501 = arith.addf %parallel_loop3A_489, %parallel_loop3A_500 : vector<16xf32>
            %parallel_loop3A_502 = vector.shape_cast %xor3A_18 : vector<16xi32> to vector<16x1xi32>
            %parallel_loop3A_503 = vector.shape_cast %parallel_loop3A_502 : vector<16x1xi32> to vector<16xi32>
            %parallel_loop3A_504 = tpu.dynamic_gather %parallel_loop3A_501[%parallel_loop3A_503] in [0] : vector<16xf32>, vector<16xi32> -> vector<16xf32>
            %parallel_loop3A_505 = arith.addf %parallel_loop3A_501, %parallel_loop3A_504 : vector<16xf32>
            %parallel_loop3A_506 = vector.shape_cast %xor3A_21 : vector<16xi32> to vector<16x1xi32>
            %parallel_loop3A_507 = vector.shape_cast %parallel_loop3A_506 : vector<16x1xi32> to vector<16xi32>
            %parallel_loop3A_508 = tpu.dynamic_gather %parallel_loop3A_505[%parallel_loop3A_507] in [0] : vector<16xf32>, vector<16xi32> -> vector<16xf32>
            %parallel_loop3A_509 = arith.addf %parallel_loop3A_505, %parallel_loop3A_508 : vector<16xf32>
            %parallel_loop3A_510 = vector.shape_cast %xor3A_24 : vector<16xi32> to vector<16x1xi32>
            %parallel_loop3A_511 = vector.shape_cast %parallel_loop3A_510 : vector<16x1xi32> to vector<16xi32>
            %parallel_loop3A_512 = tpu.dynamic_gather %parallel_loop3A_509[%parallel_loop3A_511] in [0] : vector<16xf32>, vector<16xi32> -> vector<16xf32>
            %parallel_loop3A_513 = arith.addf %parallel_loop3A_509, %parallel_loop3A_512 : vector<16xf32>
            %parallel_loop3A_514 = vector.shape_cast %xor3A_27 : vector<16xi32> to vector<16x1xi32>
            %parallel_loop3A_515 = vector.shape_cast %parallel_loop3A_514 : vector<16x1xi32> to vector<16xi32>
            %parallel_loop3A_516 = tpu.dynamic_gather %parallel_loop3A_513[%parallel_loop3A_515] in [0] : vector<16xf32>, vector<16xi32> -> vector<16xf32>
            %parallel_loop3A_517 = arith.addf %parallel_loop3A_513, %parallel_loop3A_516 : vector<16xf32>
            %parallel_loop3A_518 = arith.constant 0.176776692 : f32
            %parallel_loop3A_519 = vector.broadcast %parallel_loop3A_518 : f32 to vector<16xf32>
            %parallel_loop3A_520 = arith.mulf %parallel_loop3A_517, %parallel_loop3A_519 : vector<16xf32>
            %parallel_loop3A_521 = math.exp %parallel_loop3A_520 : vector<16xf32>
            %parallel_loop3A_522 = arith.mulf %parallel_loop3A_521, %parallel_loop3A_346 : vector<16xf32>
            %parallel_loop3A_523 = arith.constant 0 : i32
            %parallel_loop3A_524 = arith.index_cast %parallel_loop3A_523 : i32 to index
            %parallel_loop3A_525 = arith.index_cast %parallel_loop3A_336 : i32 to index
            %parallel_loop3A_526 = arith.constant 128 : index
            %parallel_loop3A_527 = tpu.vector_load %arg16[%parallel_loop3A_524, %parallel_loop3A_525, %parallel_loop3A_526] {strides = array<i32>} : memref<2x80x256xf32, #tpu.memory_space<vmem>>, vector<16xf32>,
            %parallel_loop3A_528 = arith.constant 0 : i32
            %parallel_loop3A_529 = arith.index_cast %parallel_loop3A_528 : i32 to index
            %parallel_loop3A_530 = arith.index_cast %parallel_loop3A_336 : i32 to index
            %parallel_loop3A_531 = arith.constant 0 : index
            %parallel_loop3A_532 = tpu.vector_load %arg17[%parallel_loop3A_529, %parallel_loop3A_530, %parallel_loop3A_531] {strides = array<i32>} : memref<2x80x128xf32, #tpu.memory_space<vmem>>, vector<16xf32>,
            %parallel_loop3A_533 = arith.addf %parallel_loop3A_527, %parallel_loop3A_532 : vector<16xf32>
            %parallel_loop3A_534 = arith.mulf %parallel_loop3A_390, %parallel_loop3A_533 : vector<16xf32>
            %parallel_loop3A_535 = arith.constant 0 : i32
            %parallel_loop3A_536 = arith.index_cast %parallel_loop3A_535 : i32 to index
            %parallel_loop3A_537 = arith.index_cast %parallel_loop3A_336 : i32 to index
            %parallel_loop3A_538 = arith.constant 0 : index
            %parallel_loop3A_539 = tpu.vector_load %arg15[%parallel_loop3A_536, %parallel_loop3A_537, %parallel_loop3A_538] {strides = array<i32>} : memref<2x80x128xf32, #tpu.memory_space<vmem>>, vector<16xf32>,
            tpu.vector_store %arg15[%parallel_loop3A_536, %parallel_loop3A_537, %parallel_loop3A_538], %parallel_loop3A_534 {strides = array<i32>} : memref<2x80x128xf32, #tpu.memory_space<vmem>>, vector<16xf32>,
            %parallel_loop3A_540 = arith.constant 0 : i32
            %parallel_loop3A_541 = arith.index_cast %parallel_loop3A_540 : i32 to index
            %parallel_loop3A_542 = arith.index_cast %parallel_loop3A_336 : i32 to index
            %parallel_loop3A_543 = arith.constant 144 : index
            %parallel_loop3A_544 = tpu.vector_load %arg16[%parallel_loop3A_541, %parallel_loop3A_542, %parallel_loop3A_543] {strides = array<i32>} : memref<2x80x256xf32, #tpu.memory_space<vmem>>, vector<16xf32>,
            %parallel_loop3A_545 = arith.constant 0 : i32
            %parallel_loop3A_546 = arith.index_cast %parallel_loop3A_545 : i32 to index
            %parallel_loop3A_547 = arith.index_cast %parallel_loop3A_336 : i32 to index
            %parallel_loop3A_548 = arith.constant 16 : index
            %parallel_loop3A_549 = tpu.vector_load %arg17[%parallel_loop3A_546, %parallel_loop3A_547, %parallel_loop3A_548] {strides = array<i32>} : memref<2x80x128xf32, #tpu.memory_space<vmem>>, vector<16xf32>,
            %parallel_loop3A_550 = arith.addf %parallel_loop3A_544, %parallel_loop3A_549 : vector<16xf32>
            %parallel_loop3A_551 = arith.mulf %parallel_loop3A_390, %parallel_loop3A_550 : vector<16xf32>
            %parallel_loop3A_552 = arith.constant 0 : i32
            %parallel_loop3A_553 = arith.index_cast %parallel_loop3A_552 : i32 to index
            %parallel_loop3A_554 = arith.index_cast %parallel_loop3A_336 : i32 to index
            %parallel_loop3A_555 = arith.constant 16 : index
            %parallel_loop3A_556 = tpu.vector_load %arg15[%parallel_loop3A_553, %parallel_loop3A_554, %parallel_loop3A_555] {strides = array<i32>} : memref<2x80x128xf32, #tpu.memory_space<vmem>>, vector<16xf32>,
            tpu.vector_store %arg15[%parallel_loop3A_553, %parallel_loop3A_554, %parallel_loop3A_555], %parallel_loop3A_551 {strides = array<i32>} : memref<2x80x128xf32, #tpu.memory_space<vmem>>, vector<16xf32>,
            %parallel_loop3A_557 = arith.constant 0 : i32
            %parallel_loop3A_558 = arith.index_cast %parallel_loop3A_557 : i32 to index
            %parallel_loop3A_559 = arith.index_cast %parallel_loop3A_336 : i32 to index
            %parallel_loop3A_560 = arith.constant 160 : index
            %parallel_loop3A_561 = tpu.vector_load %arg16[%parallel_loop3A_558, %parallel_loop3A_559, %parallel_loop3A_560] {strides = array<i32>} : memref<2x80x256xf32, #tpu.memory_space<vmem>>, vector<16xf32>,
            %parallel_loop3A_562 = arith.constant 0 : i32
            %parallel_loop3A_563 = arith.index_cast %parallel_loop3A_562 : i32 to index
            %parallel_loop3A_564 = arith.index_cast %parallel_loop3A_336 : i32 to index
            %parallel_loop3A_565 = arith.constant 32 : index
            %parallel_loop3A_566 = tpu.vector_load %arg17[%parallel_loop3A_563, %parallel_loop3A_564, %parallel_loop3A_565] {strides = array<i32>} : memref<2x80x128xf32, #tpu.memory_space<vmem>>, vector<16xf32>,
            %parallel_loop3A_567 = arith.addf %parallel_loop3A_561, %parallel_loop3A_566 : vector<16xf32>
            %parallel_loop3A_568 = arith.mulf %parallel_loop3A_434, %parallel_loop3A_567 : vector<16xf32>
            %parallel_loop3A_569 = arith.constant 0 : i32
            %parallel_loop3A_570 = arith.index_cast %parallel_loop3A_569 : i32 to index
            %parallel_loop3A_571 = arith.index_cast %parallel_loop3A_336 : i32 to index
            %parallel_loop3A_572 = arith.constant 32 : index
            %parallel_loop3A_573 = tpu.vector_load %arg15[%parallel_loop3A_570, %parallel_loop3A_571, %parallel_loop3A_572] {strides = array<i32>} : memref<2x80x128xf32, #tpu.memory_space<vmem>>, vector<16xf32>,
            tpu.vector_store %arg15[%parallel_loop3A_570, %parallel_loop3A_571, %parallel_loop3A_572], %parallel_loop3A_568 {strides = array<i32>} : memref<2x80x128xf32, #tpu.memory_space<vmem>>, vector<16xf32>,
            %parallel_loop3A_574 = arith.constant 0 : i32
            %parallel_loop3A_575 = arith.index_cast %parallel_loop3A_574 : i32 to index
            %parallel_loop3A_576 = arith.index_cast %parallel_loop3A_336 : i32 to index
            %parallel_loop3A_577 = arith.constant 176 : index
            %parallel_loop3A_578 = tpu.vector_load %arg16[%parallel_loop3A_575, %parallel_loop3A_576, %parallel_loop3A_577] {strides = array<i32>} : memref<2x80x256xf32, #tpu.memory_space<vmem>>, vector<16xf32>,
            %parallel_loop3A_579 = arith.constant 0 : i32
            %parallel_loop3A_580 = arith.index_cast %parallel_loop3A_579 : i32 to index
            %parallel_loop3A_581 = arith.index_cast %parallel_loop3A_336 : i32 to index
            %parallel_loop3A_582 = arith.constant 48 : index
            %parallel_loop3A_583 = tpu.vector_load %arg17[%parallel_loop3A_580, %parallel_loop3A_581, %parallel_loop3A_582] {strides = array<i32>} : memref<2x80x128xf32, #tpu.memory_space<vmem>>, vector<16xf32>,
            %parallel_loop3A_584 = arith.addf %parallel_loop3A_578, %parallel_loop3A_583 : vector<16xf32>
            %parallel_loop3A_585 = arith.mulf %parallel_loop3A_434, %parallel_loop3A_584 : vector<16xf32>
            %parallel_loop3A_586 = arith.constant 0 : i32
            %parallel_loop3A_587 = arith.index_cast %parallel_loop3A_586 : i32 to index
            %parallel_loop3A_588 = arith.index_cast %parallel_loop3A_336 : i32 to index
            %parallel_loop3A_589 = arith.constant 48 : index
            %parallel_loop3A_590 = tpu.vector_load %arg15[%parallel_loop3A_587, %parallel_loop3A_588, %parallel_loop3A_589] {strides = array<i32>} : memref<2x80x128xf32, #tpu.memory_space<vmem>>, vector<16xf32>,
            tpu.vector_store %arg15[%parallel_loop3A_587, %parallel_loop3A_588, %parallel_loop3A_589], %parallel_loop3A_585 {strides = array<i32>} : memref<2x80x128xf32, #tpu.memory_space<vmem>>, vector<16xf32>,
            %parallel_loop3A_591 = arith.constant 0 : i32
            %parallel_loop3A_592 = arith.index_cast %parallel_loop3A_591 : i32 to index
            %parallel_loop3A_593 = arith.index_cast %parallel_loop3A_336 : i32 to index
            %parallel_loop3A_594 = arith.constant 192 : index
            %parallel_loop3A_595 = tpu.vector_load %arg16[%parallel_loop3A_592, %parallel_loop3A_593, %parallel_loop3A_594] {strides = array<i32>} : memref<2x80x256xf32, #tpu.memory_space<vmem>>, vector<16xf32>,
            %parallel_loop3A_596 = arith.constant 0 : i32
            %parallel_loop3A_597 = arith.index_cast %parallel_loop3A_596 : i32 to index
            %parallel_loop3A_598 = arith.index_cast %parallel_loop3A_336 : i32 to index
            %parallel_loop3A_599 = arith.constant 64 : index
            %parallel_loop3A_600 = tpu.vector_load %arg17[%parallel_loop3A_597, %parallel_loop3A_598, %parallel_loop3A_599] {strides = array<i32>} : memref<2x80x128xf32, #tpu.memory_space<vmem>>, vector<16xf32>,
            %parallel_loop3A_601 = arith.addf %parallel_loop3A_595, %parallel_loop3A_600 : vector<16xf32>
            %parallel_loop3A_602 = arith.mulf %parallel_loop3A_478, %parallel_loop3A_601 : vector<16xf32>
            %parallel_loop3A_603 = arith.constant 0 : i32
            %parallel_loop3A_604 = arith.index_cast %parallel_loop3A_603 : i32 to index
            %parallel_loop3A_605 = arith.index_cast %parallel_loop3A_336 : i32 to index
            %parallel_loop3A_606 = arith.constant 64 : index
            %parallel_loop3A_607 = tpu.vector_load %arg15[%parallel_loop3A_604, %parallel_loop3A_605, %parallel_loop3A_606] {strides = array<i32>} : memref<2x80x128xf32, #tpu.memory_space<vmem>>, vector<16xf32>,
            tpu.vector_store %arg15[%parallel_loop3A_604, %parallel_loop3A_605, %parallel_loop3A_606], %parallel_loop3A_602 {strides = array<i32>} : memref<2x80x128xf32, #tpu.memory_space<vmem>>, vector<16xf32>,
            %parallel_loop3A_608 = arith.constant 0 : i32
            %parallel_loop3A_609 = arith.index_cast %parallel_loop3A_608 : i32 to index
            %parallel_loop3A_610 = arith.index_cast %parallel_loop3A_336 : i32 to index
            %parallel_loop3A_611 = arith.constant 208 : index
            %parallel_loop3A_612 = tpu.vector_load %arg16[%parallel_loop3A_609, %parallel_loop3A_610, %parallel_loop3A_611] {strides = array<i32>} : memref<2x80x256xf32, #tpu.memory_space<vmem>>, vector<16xf32>,
            %parallel_loop3A_613 = arith.constant 0 : i32
            %parallel_loop3A_614 = arith.index_cast %parallel_loop3A_613 : i32 to index
            %parallel_loop3A_615 = arith.index_cast %parallel_loop3A_336 : i32 to index
            %parallel_loop3A_616 = arith.constant 80 : index
            %parallel_loop3A_617 = tpu.vector_load %arg17[%parallel_loop3A_614, %parallel_loop3A_615, %parallel_loop3A_616] {strides = array<i32>} : memref<2x80x128xf32, #tpu.memory_space<vmem>>, vector<16xf32>,
            %parallel_loop3A_618 = arith.addf %parallel_loop3A_612, %parallel_loop3A_617 : vector<16xf32>
            %parallel_loop3A_619 = arith.mulf %parallel_loop3A_478, %parallel_loop3A_618 : vector<16xf32>
            %parallel_loop3A_620 = arith.constant 0 : i32
            %parallel_loop3A_621 = arith.index_cast %parallel_loop3A_620 : i32 to index
            %parallel_loop3A_622 = arith.index_cast %parallel_loop3A_336 : i32 to index
            %parallel_loop3A_623 = arith.constant 80 : index
            %parallel_loop3A_624 = tpu.vector_load %arg15[%parallel_loop3A_621, %parallel_loop3A_622, %parallel_loop3A_623] {strides = array<i32>} : memref<2x80x128xf32, #tpu.memory_space<vmem>>, vector<16xf32>,
            tpu.vector_store %arg15[%parallel_loop3A_621, %parallel_loop3A_622, %parallel_loop3A_623], %parallel_loop3A_619 {strides = array<i32>} : memref<2x80x128xf32, #tpu.memory_space<vmem>>, vector<16xf32>,
            %parallel_loop3A_625 = arith.constant 0 : i32
            %parallel_loop3A_626 = arith.index_cast %parallel_loop3A_625 : i32 to index
            %parallel_loop3A_627 = arith.index_cast %parallel_loop3A_336 : i32 to index
            %parallel_loop3A_628 = arith.constant 224 : index
            %parallel_loop3A_629 = tpu.vector_load %arg16[%parallel_loop3A_626, %parallel_loop3A_627, %parallel_loop3A_628] {strides = array<i32>} : memref<2x80x256xf32, #tpu.memory_space<vmem>>, vector<16xf32>,
            %parallel_loop3A_630 = arith.constant 0 : i32
            %parallel_loop3A_631 = arith.index_cast %parallel_loop3A_630 : i32 to index
            %parallel_loop3A_632 = arith.index_cast %parallel_loop3A_336 : i32 to index
            %parallel_loop3A_633 = arith.constant 96 : index
            %parallel_loop3A_634 = tpu.vector_load %arg17[%parallel_loop3A_631, %parallel_loop3A_632, %parallel_loop3A_633] {strides = array<i32>} : memref<2x80x128xf32, #tpu.memory_space<vmem>>, vector<16xf32>,
            %parallel_loop3A_635 = arith.addf %parallel_loop3A_629, %parallel_loop3A_634 : vector<16xf32>
            %parallel_loop3A_636 = arith.mulf %parallel_loop3A_522, %parallel_loop3A_635 : vector<16xf32>
            %parallel_loop3A_637 = arith.constant 0 : i32
            %parallel_loop3A_638 = arith.index_cast %parallel_loop3A_637 : i32 to index
            %parallel_loop3A_639 = arith.index_cast %parallel_loop3A_336 : i32 to index
            %parallel_loop3A_640 = arith.constant 96 : index
            %parallel_loop3A_641 = tpu.vector_load %arg15[%parallel_loop3A_638, %parallel_loop3A_639, %parallel_loop3A_640] {strides = array<i32>} : memref<2x80x128xf32, #tpu.memory_space<vmem>>, vector<16xf32>,
            tpu.vector_store %arg15[%parallel_loop3A_638, %parallel_loop3A_639, %parallel_loop3A_640], %parallel_loop3A_636 {strides = array<i32>} : memref<2x80x128xf32, #tpu.memory_space<vmem>>, vector<16xf32>,
            %parallel_loop3A_642 = arith.constant 0 : i32
            %parallel_loop3A_643 = arith.index_cast %parallel_loop3A_642 : i32 to index
            %parallel_loop3A_644 = arith.index_cast %parallel_loop3A_336 : i32 to index
            %parallel_loop3A_645 = arith.constant 240 : index
            %parallel_loop3A_646 = tpu.vector_load %arg16[%parallel_loop3A_643, %parallel_loop3A_644, %parallel_loop3A_645] {strides = array<i32>} : memref<2x80x256xf32, #tpu.memory_space<vmem>>, vector<16xf32>,
            %parallel_loop3A_647 = arith.constant 0 : i32
            %parallel_loop3A_648 = arith.index_cast %parallel_loop3A_647 : i32 to index
            %parallel_loop3A_649 = arith.index_cast %parallel_loop3A_336 : i32 to index
            %parallel_loop3A_650 = arith.constant 112 : index
            %parallel_loop3A_651 = tpu.vector_load %arg17[%parallel_loop3A_648, %parallel_loop3A_649, %parallel_loop3A_650] {strides = array<i32>} : memref<2x80x128xf32, #tpu.memory_space<vmem>>, vector<16xf32>,
            %parallel_loop3A_652 = arith.addf %parallel_loop3A_646, %parallel_loop3A_651 : vector<16xf32>
            %parallel_loop3A_653 = arith.mulf %parallel_loop3A_522, %parallel_loop3A_652 : vector<16xf32>
            %parallel_loop3A_654 = arith.constant 0 : i32
            %parallel_loop3A_655 = arith.index_cast %parallel_loop3A_654 : i32 to index
            %parallel_loop3A_656 = arith.index_cast %parallel_loop3A_336 : i32 to index
            %parallel_loop3A_657 = arith.constant 112 : index
            %parallel_loop3A_658 = tpu.vector_load %arg15[%parallel_loop3A_655, %parallel_loop3A_656, %parallel_loop3A_657] {strides = array<i32>} : memref<2x80x128xf32, #tpu.memory_space<vmem>>, vector<16xf32>,
            tpu.vector_store %arg15[%parallel_loop3A_655, %parallel_loop3A_656, %parallel_loop3A_657], %parallel_loop3A_653 {strides = array<i32>} : memref<2x80x128xf32, #tpu.memory_space<vmem>>, vector<16xf32>,
            %parallel_loop3A_659 = arith.constant 0 : i32
            %parallel_loop3A_660 = vector.broadcast %parallel_loop3A_659 : i32 to vector<16xi32>
            %parallel_loop3A_661 = arith.cmpi eq, %iota3A, %parallel_loop3A_660 : vector<16xi32>
            %parallel_loop3A_662 = arith.constant 0.000000e+00 : f32
            %parallel_loop3A_663 = vector.broadcast %parallel_loop3A_662 : f32 to vector<16xf32>
            %parallel_loop3A_664 = arith.select %parallel_loop3A_661, %parallel_loop3A_390, %parallel_loop3A_663 : vector<16xi1>, vector<16xf32>
            %parallel_loop3A_665 = arith.constant 1 : i32
            %parallel_loop3A_666 = vector.broadcast %parallel_loop3A_665 : i32 to vector<16xi32>
            %parallel_loop3A_667 = arith.cmpi eq, %iota3A, %parallel_loop3A_666 : vector<16xi32>
            %parallel_loop3A_668 = arith.constant 0.000000e+00 : f32
            %parallel_loop3A_669 = vector.broadcast %parallel_loop3A_668 : f32 to vector<16xf32>
            %parallel_loop3A_670 = arith.select %parallel_loop3A_667, %parallel_loop3A_434, %parallel_loop3A_669 : vector<16xi1>, vector<16xf32>
            %parallel_loop3A_671 = arith.addf %parallel_loop3A_664, %parallel_loop3A_670 : vector<16xf32>
            %parallel_loop3A_672 = arith.constant 2 : i32
            %parallel_loop3A_673 = vector.broadcast %parallel_loop3A_672 : i32 to vector<16xi32>
            %parallel_loop3A_674 = arith.cmpi eq, %iota3A, %parallel_loop3A_673 : vector<16xi32>
            %parallel_loop3A_675 = arith.constant 0.000000e+00 : f32
            %parallel_loop3A_676 = vector.broadcast %parallel_loop3A_675 : f32 to vector<16xf32>
            %parallel_loop3A_677 = arith.select %parallel_loop3A_674, %parallel_loop3A_478, %parallel_loop3A_676 : vector<16xi1>, vector<16xf32>
            %parallel_loop3A_678 = arith.addf %parallel_loop3A_671, %parallel_loop3A_677 : vector<16xf32>
            %parallel_loop3A_679 = arith.constant 3 : i32
            %parallel_loop3A_680 = vector.broadcast %parallel_loop3A_679 : i32 to vector<16xi32>
            %parallel_loop3A_681 = arith.cmpi eq, %iota3A, %parallel_loop3A_680 : vector<16xi32>
            %parallel_loop3A_682 = arith.constant 0.000000e+00 : f32
            %parallel_loop3A_683 = vector.broadcast %parallel_loop3A_682 : f32 to vector<16xf32>
            %parallel_loop3A_684 = arith.select %parallel_loop3A_681, %parallel_loop3A_522, %parallel_loop3A_683 : vector<16xi1>, vector<16xf32>
            %parallel_loop3A_685 = arith.addf %parallel_loop3A_678, %parallel_loop3A_684 : vector<16xf32>
            %parallel_loop3A_686 = arith.index_cast %parallel_loop3A_336 : i32 to index
            %parallel_loop3A_687 = arith.constant 0 : index
            %parallel_loop3A_688 = tpu.vector_load %arg18[%parallel_loop3A_686, %parallel_loop3A_687] {strides = array<i32>} : memref<80x16xf32, #tpu.memory_space<vmem>>, vector<16xf32>,
            tpu.vector_store %arg18[%parallel_loop3A_686, %parallel_loop3A_687], %parallel_loop3A_685 {strides = array<i32>} : memref<80x16xf32, #tpu.memory_space<vmem>>, vector<16xf32>,
          } {sc.loop_unroll_factor = 4 : i64, sc.parallel_access}
          %run_scoped3A = arith.constant 0 : i32
          "tpu.region"() ({
            %run_scoped3A_336 = tpu.sem_alloc : memref<!tpu.dma_semaphore, #tpu.memory_space<semaphore_mem>>
            %dma_start3A_337 = arith.constant 0 : i32
            %dma_start3A_338 = arith.constant 0 : i32
            %dma_start3A_339 = tpu.memref_slice %arg15[%run_scoped3A, %dma_start3A_337, %dma_start3A_338] : memref<2x80x128xf32, #tpu.memory_space<vmem>> -> memref<1x80x128xf32, #tpu.memory_space<vmem>>
            %dma_start3A_340 = tpu.memref_squeeze %dma_start3A_339 : memref<1x80x128xf32, #tpu.memory_space<vmem>> -> memref<80x128xf32, #tpu.memory_space<vmem>>
            %dma_start3A_341 = arith.constant 0 : i32
            %dma_start3A_342 = arith.constant 0 : i32
            %dma_start3A_343 = tpu.memref_slice %arg11[%dma_start3A_341, %dma_start3A_342] : memref<2688x128xf32, #tpu.memory_space<vmem_shared>> -> memref<2688x128xf32, #tpu.memory_space<vmem_shared>>
            tpu.enqueue_indirect_dma source(%dma_start3A_340 : memref<80x128xf32, #tpu.memory_space<vmem>>) target(%dma_start3A_343 : memref<2688x128xf32, #tpu.memory_space<vmem_shared>>) offsets(%arg19 : memref<80xi32, #tpu.memory_space<vmem>>) semaphore(%run_scoped3A_336 : memref<!tpu.dma_semaphore, #tpu.memory_space<semaphore_mem>>) {add = true}
            %dma_wait3A_344 = arith.constant 0 : i32
            %dma_wait3A_345 = arith.constant 0 : i32
            %dma_wait3A_346 = tpu.memref_slice %arg15[%run_scoped3A, %dma_wait3A_344, %dma_wait3A_345] : memref<2x80x128xf32, #tpu.memory_space<vmem>> -> memref<1x80x128xf32, #tpu.memory_space<vmem>>
            %dma_wait3A_347 = tpu.memref_squeeze %dma_wait3A_346 : memref<1x80x128xf32, #tpu.memory_space<vmem>> -> memref<80x128xf32, #tpu.memory_space<vmem>>
            %dma_wait3A_348 = arith.constant 0 : i32
            %dma_wait3A_349 = arith.constant 0 : i32
            %dma_wait3A_350 = tpu.memref_slice %arg11[%dma_wait3A_348, %dma_wait3A_349] : memref<2688x128xf32, #tpu.memory_space<vmem_shared>> -> memref<2688x128xf32, #tpu.memory_space<vmem_shared>>
            tpu.wait_indirect_dma semaphore(%run_scoped3A_336 : memref<!tpu.dma_semaphore, #tpu.memory_space<semaphore_mem>>) src(%dma_wait3A_347 : memref<80x128xf32, #tpu.memory_space<vmem>>) dst(%dma_wait3A_350 : memref<2688x128xf32, #tpu.memory_space<vmem_shared>>)
            tpu.yield
          }) : () -> ()
          "tpu.region"() ({
            %run_scoped3A_336 = tpu.sem_alloc : memref<!tpu.dma_semaphore, #tpu.memory_space<semaphore_mem>>
            %dma_start3A_337 = arith.constant 0 : i32
            %dma_start3A_338 = arith.constant 0 : i32
            %dma_start3A_339 = tpu.memref_slice %arg12[%dma_start3A_337, %dma_start3A_338] : memref<2688x16xf32, #tpu.memory_space<vmem_shared>> -> memref<2688x16xf32, #tpu.memory_space<vmem_shared>>
            tpu.enqueue_indirect_dma source(%arg18 : memref<80x16xf32, #tpu.memory_space<vmem>>) target(%dma_start3A_339 : memref<2688x16xf32, #tpu.memory_space<vmem_shared>>) offsets(%arg19 : memref<80xi32, #tpu.memory_space<vmem>>) semaphore(%run_scoped3A_336 : memref<!tpu.dma_semaphore, #tpu.memory_space<semaphore_mem>>) {add = true}
            %dma_wait3A_340 = arith.constant 0 : i32
            %dma_wait3A_341 = arith.constant 0 : i32
            %dma_wait3A_342 = tpu.memref_slice %arg12[%dma_wait3A_340, %dma_wait3A_341] : memref<2688x16xf32, #tpu.memory_space<vmem_shared>> -> memref<2688x16xf32, #tpu.memory_space<vmem_shared>>
            tpu.wait_indirect_dma semaphore(%run_scoped3A_336 : memref<!tpu.dma_semaphore, #tpu.memory_space<semaphore_mem>>) src(%arg18 : memref<80x16xf32, #tpu.memory_space<vmem>>) dst(%dma_wait3A_342 : memref<2688x16xf32, #tpu.memory_space<vmem_shared>>)
            tpu.yield
          }) : () -> ()
        } else {
        }
        %mul3A_159 = arith.constant 2 : i32
        %mul3A_160 = arith.muli %mul3A_159, %scan3A_116 : i32
        %add3A_161 = arith.constant 1 : i32
        %add3A_162 = arith.addi %mul3A_160, %add3A_161 : i32
        %add3A_163 = arith.constant 1 : i32
        %add3A_164 = arith.addi %add3A_162, %add3A_163 : i32
        %get3A_165 = arith.index_cast %add3A_164 : i32 to index
        %get3A_166 = arith.constant 0 : index
        %get3A_167 = tpu.vector_load %arg14[%get3A_165, %get3A_166] {strides = array<i32>} : memref<125x80xi32, #tpu.memory_space<vmem>>, vector<16xi32>,
        %slice3A_168 = vector.extract_strided_slice %get3A_167 {offsets = [0], sizes = [1], strides = [1]} : vector<16xi32> to vector<1xi32>
        %squeeze3A_169 = vector.extract %slice3A_168[0] : i32 from vector<1xi32>
        %get3A_170 = arith.index_cast %add3A_164 : i32 to index
        %get3A_171 = arith.constant 64 : index
        %get3A_172 = tpu.vector_load %arg14[%get3A_170, %get3A_171] {strides = array<i32>} : memref<125x80xi32, #tpu.memory_space<vmem>>, vector<16xi32>,
        %slice3A_173 = vector.extract_strided_slice %get3A_172 {offsets = [15], sizes = [1], strides = [1]} : vector<16xi32> to vector<1xi32>
        %squeeze3A_174 = vector.extract %slice3A_173[0] : i32 from vector<1xi32>
        %add3A_175 = arith.constant 2560 : i32
        %add3A_176 = arith.addi %mul3A_35, %add3A_175 : i32
        %lt3A_177 = arith.cmpi slt, %squeeze3A_169, %add3A_176 : i32
        %ge3A_178 = arith.cmpi sge, %squeeze3A_174, %mul3A_35 : i32
        %and3A_179 = arith.andi %lt3A_177, %ge3A_178 : i1
        %convert_element_type3A_180 = arith.extui %and3A_179 : i1 to i32
        %cond3A_181 = arith.constant 0 : i32
        %cond3A_182 = arith.cmpi ne, %convert_element_type3A_180, %cond3A_181 : i32
        scf.if %cond3A_182 {
          %add3A_201 = arith.constant 1 : i32
          %add3A_202 = arith.addi %add3A_162, %add3A_201 : i32
          %add3A_203 = arith.addi %mul3A_2, %add3A_202 : i32
          %mul3A_204 = arith.constant 80 : i32
          %mul3A_205 = arith.muli %add3A_203, %mul3A_204 : i32
          %dma_start3A_206 = arith.constant 0 : i32
          %dma_start3A_207 = arith.constant 0 : i32
          %dma_start3A_208 = arith.constant 0 : i32
          %dma_start3A_209 = tpu.memref_slice %arg15[%dma_start3A_206, %dma_start3A_207, %dma_start3A_208] : memref<2x80x128xf32, #tpu.memory_space<vmem>> -> memref<1x80x128xf32, #tpu.memory_space<vmem>>
          %dma_start3A_210 = tpu.memref_squeeze %dma_start3A_209 : memref<1x80x128xf32, #tpu.memory_space<vmem>> -> memref<80x128xf32, #tpu.memory_space<vmem>>
          %dma_start3A_211 = arith.constant 0 : i32
          %dma_start3A_212 = tpu.memref_slice %arg14[%add3A_202, %dma_start3A_211] : memref<125x80xi32, #tpu.memory_space<vmem>> -> memref<1x80xi32, #tpu.memory_space<vmem>>
          %dma_start3A_213 = tpu.memref_squeeze %dma_start3A_212 : memref<1x80xi32, #tpu.memory_space<vmem>> -> memref<80xi32, #tpu.memory_space<vmem>>
          %dma_start3A_214 = arith.constant 0 : i32
          %dma_start3A_215 = arith.constant 0 : i32
          %dma_start3A_216 = tpu.memref_slice %arg2[%dma_start3A_214, %dma_start3A_215] : memref<10000x128xf32, #tpu.memory_space<hbm>> -> memref<10000x128xf32, #tpu.memory_space<hbm>>
          tpu.enqueue_indirect_dma source(%dma_start3A_216 : memref<10000x128xf32, #tpu.memory_space<hbm>>) target(%dma_start3A_210 : memref<80x128xf32, #tpu.memory_space<vmem>>) offsets(%dma_start3A_213 : memref<80xi32, #tpu.memory_space<vmem>>) semaphore(%arg20 : memref<!tpu.dma_semaphore, #tpu.memory_space<semaphore_mem>>)
          %dma_start3A_217 = arith.constant 0 : i32
          %dma_start3A_218 = arith.constant 0 : i32
          %dma_start3A_219 = arith.constant 0 : i32
          %dma_start3A_220 = tpu.memref_slice %arg16[%dma_start3A_217, %dma_start3A_218, %dma_start3A_219] : memref<2x80x256xf32, #tpu.memory_space<vmem>> -> memref<1x80x256xf32, #tpu.memory_space<vmem>>
          %dma_start3A_221 = tpu.memref_squeeze %dma_start3A_220 : memref<1x80x256xf32, #tpu.memory_space<vmem>> -> memref<80x256xf32, #tpu.memory_space<vmem>>
          %dma_start3A_222 = arith.constant 0 : i32
          %dma_start3A_223 = tpu.memref_slice %arg13[%add3A_202, %dma_start3A_222] : memref<125x80xi32, #tpu.memory_space<vmem>> -> memref<1x80xi32, #tpu.memory_space<vmem>>
          %dma_start3A_224 = tpu.memref_squeeze %dma_start3A_223 : memref<1x80xi32, #tpu.memory_space<vmem>> -> memref<80xi32, #tpu.memory_space<vmem>>
          %dma_start3A_225 = arith.constant 0 : i32
          %dma_start3A_226 = arith.constant 0 : i32
          %dma_start3A_227 = tpu.memref_slice %arg3[%dma_start3A_225, %dma_start3A_226] : memref<10000x256xf32, #tpu.memory_space<hbm>> -> memref<10000x256xf32, #tpu.memory_space<hbm>>
          tpu.enqueue_indirect_dma source(%dma_start3A_227 : memref<10000x256xf32, #tpu.memory_space<hbm>>) target(%dma_start3A_221 : memref<80x256xf32, #tpu.memory_space<vmem>>) offsets(%dma_start3A_224 : memref<80xi32, #tpu.memory_space<vmem>>) semaphore(%arg20 : memref<!tpu.dma_semaphore, #tpu.memory_space<semaphore_mem>>)
          %dma_start3A_228 = arith.constant 0 : i32
          %dma_start3A_229 = arith.constant 0 : i32
          %dma_start3A_230 = arith.constant 0 : i32
          %dma_start3A_231 = tpu.memref_slice %arg17[%dma_start3A_228, %dma_start3A_229, %dma_start3A_230] : memref<2x80x128xf32, #tpu.memory_space<vmem>> -> memref<1x80x128xf32, #tpu.memory_space<vmem>>
          %dma_start3A_232 = tpu.memref_squeeze %dma_start3A_231 : memref<1x80x128xf32, #tpu.memory_space<vmem>> -> memref<80x128xf32, #tpu.memory_space<vmem>>
          %dma_start3A_233 = arith.constant 0 : i32
          %dma_start3A_234 = tpu.memref_slice %arg4[%mul3A_205, %dma_start3A_233] : memref<320000x128xf32, #tpu.memory_space<hbm>> -> memref<80x128xf32, #tpu.memory_space<hbm>>
          %dma_start3A_235 = arith.constant 0 : i32
          %dma_start3A_236 = arith.constant 0 : i32
          %dma_start3A_237 = tpu.memref_slice %arg17[%dma_start3A_228, %dma_start3A_235, %dma_start3A_236] : memref<2x80x128xf32, #tpu.memory_space<vmem>> -> memref<1x80x128xf32, #tpu.memory_space<vmem>>
          %dma_start3A_238 = tpu.memref_squeeze %dma_start3A_237 : memref<1x80x128xf32, #tpu.memory_space<vmem>> -> memref<80x128xf32, #tpu.memory_space<vmem>>
          %dma_start3A_239 = arith.constant 0 : i32
          %dma_start3A_240 = tpu.memref_slice %arg4[%mul3A_205, %dma_start3A_239] : memref<320000x128xf32, #tpu.memory_space<hbm>> -> memref<80x128xf32, #tpu.memory_space<hbm>>
          tpu.enqueue_dma source(%dma_start3A_240 : memref<80x128xf32, #tpu.memory_space<hbm>>) target(%dma_start3A_238 : memref<80x128xf32, #tpu.memory_space<vmem>>) target_semaphore(%arg20 : memref<!tpu.dma_semaphore, #tpu.memory_space<semaphore_mem>>)
        } else {
        }
        %get3A_183 = arith.index_cast %add3A_162 : i32 to index
        %get3A_184 = arith.constant 0 : index
        %get3A_185 = tpu.vector_load %arg14[%get3A_183, %get3A_184] {strides = array<i32>} : memref<125x80xi32, #tpu.memory_space<vmem>>, vector<16xi32>,
        %slice3A_186 = vector.extract_strided_slice %get3A_185 {offsets = [0], sizes = [1], strides = [1]} : vector<16xi32> to vector<1xi32>
        %squeeze3A_187 = vector.extract %slice3A_186[0] : i32 from vector<1xi32>
        %get3A_188 = arith.index_cast %add3A_162 : i32 to index
        %get3A_189 = arith.constant 64 : index
        %get3A_190 = tpu.vector_load %arg14[%get3A_188, %get3A_189] {strides = array<i32>} : memref<125x80xi32, #tpu.memory_space<vmem>>, vector<16xi32>,
        %slice3A_191 = vector.extract_strided_slice %get3A_190 {offsets = [15], sizes = [1], strides = [1]} : vector<16xi32> to vector<1xi32>
        %squeeze3A_192 = vector.extract %slice3A_191[0] : i32 from vector<1xi32>
        %add3A_193 = arith.constant 2560 : i32
        %add3A_194 = arith.addi %mul3A_35, %add3A_193 : i32
        %lt3A_195 = arith.cmpi slt, %squeeze3A_187, %add3A_194 : i32
        %ge3A_196 = arith.cmpi sge, %squeeze3A_192, %mul3A_35 : i32
        %and3A_197 = arith.andi %lt3A_195, %ge3A_196 : i1
        %convert_element_type3A_198 = arith.extui %and3A_197 : i1 to i32
        %cond3A_199 = arith.constant 0 : i32
        %cond3A_200 = arith.cmpi ne, %convert_element_type3A_198, %cond3A_199 : i32
        scf.if %cond3A_200 {
          %dma_wait3A_201 = arith.constant 1 : i32
          %dma_wait3A_202 = arith.constant 0 : i32
          %dma_wait3A_203 = arith.constant 0 : i32
          %dma_wait3A_204 = tpu.memref_slice %arg15[%dma_wait3A_201, %dma_wait3A_202, %dma_wait3A_203] : memref<2x80x128xf32, #tpu.memory_space<vmem>> -> memref<1x80x128xf32, #tpu.memory_space<vmem>>
          %dma_wait3A_205 = tpu.memref_squeeze %dma_wait3A_204 : memref<1x80x128xf32, #tpu.memory_space<vmem>> -> memref<80x128xf32, #tpu.memory_space<vmem>>
          %dma_wait3A_206 = arith.constant 0 : i32
          %dma_wait3A_207 = tpu.memref_slice %arg14[%add3A_162, %dma_wait3A_206] : memref<125x80xi32, #tpu.memory_space<vmem>> -> memref<1x80xi32, #tpu.memory_space<vmem>>
          %dma_wait3A_208 = tpu.memref_squeeze %dma_wait3A_207 : memref<1x80xi32, #tpu.memory_space<vmem>> -> memref<80xi32, #tpu.memory_space<vmem>>
          %dma_wait3A_209 = arith.constant 0 : i32
          %dma_wait3A_210 = arith.constant 0 : i32
          %dma_wait3A_211 = tpu.memref_slice %arg2[%dma_wait3A_209, %dma_wait3A_210] : memref<10000x128xf32, #tpu.memory_space<hbm>> -> memref<10000x128xf32, #tpu.memory_space<hbm>>
          tpu.wait_indirect_dma semaphore(%arg21 : memref<!tpu.dma_semaphore, #tpu.memory_space<semaphore_mem>>) src(%dma_wait3A_211 : memref<10000x128xf32, #tpu.memory_space<hbm>>) dst(%dma_wait3A_205 : memref<80x128xf32, #tpu.memory_space<vmem>>)
          %dma_wait3A_212 = arith.constant 1 : i32
          %dma_wait3A_213 = arith.constant 0 : i32
          %dma_wait3A_214 = arith.constant 0 : i32
          %dma_wait3A_215 = tpu.memref_slice %arg16[%dma_wait3A_212, %dma_wait3A_213, %dma_wait3A_214] : memref<2x80x256xf32, #tpu.memory_space<vmem>> -> memref<1x80x256xf32, #tpu.memory_space<vmem>>
          %dma_wait3A_216 = tpu.memref_squeeze %dma_wait3A_215 : memref<1x80x256xf32, #tpu.memory_space<vmem>> -> memref<80x256xf32, #tpu.memory_space<vmem>>
          %dma_wait3A_217 = arith.constant 0 : i32
          %dma_wait3A_218 = tpu.memref_slice %arg13[%add3A_162, %dma_wait3A_217] : memref<125x80xi32, #tpu.memory_space<vmem>> -> memref<1x80xi32, #tpu.memory_space<vmem>>
          %dma_wait3A_219 = tpu.memref_squeeze %dma_wait3A_218 : memref<1x80xi32, #tpu.memory_space<vmem>> -> memref<80xi32, #tpu.memory_space<vmem>>
          %dma_wait3A_220 = arith.constant 0 : i32
          %dma_wait3A_221 = arith.constant 0 : i32
          %dma_wait3A_222 = tpu.memref_slice %arg3[%dma_wait3A_220, %dma_wait3A_221] : memref<10000x256xf32, #tpu.memory_space<hbm>> -> memref<10000x256xf32, #tpu.memory_space<hbm>>
          tpu.wait_indirect_dma semaphore(%arg21 : memref<!tpu.dma_semaphore, #tpu.memory_space<semaphore_mem>>) src(%dma_wait3A_222 : memref<10000x256xf32, #tpu.memory_space<hbm>>) dst(%dma_wait3A_216 : memref<80x256xf32, #tpu.memory_space<vmem>>)
          %add3A_223 = arith.addi %mul3A_2, %add3A_162 : i32
          %mul3A_224 = arith.constant 80 : i32
          %mul3A_225 = arith.muli %add3A_223, %mul3A_224 : i32
          %dma_wait3A_226 = arith.constant 1 : i32
          %dma_wait3A_227 = arith.constant 0 : i32
          %dma_wait3A_228 = arith.constant 0 : i32
          %dma_wait3A_229 = tpu.memref_slice %arg17[%dma_wait3A_226, %dma_wait3A_227, %dma_wait3A_228] : memref<2x80x128xf32, #tpu.memory_space<vmem>> -> memref<1x80x128xf32, #tpu.memory_space<vmem>>
          %dma_wait3A_230 = tpu.memref_squeeze %dma_wait3A_229 : memref<1x80x128xf32, #tpu.memory_space<vmem>> -> memref<80x128xf32, #tpu.memory_space<vmem>>
          %dma_wait3A_231 = arith.constant 0 : i32
          %dma_wait3A_232 = tpu.memref_slice %arg4[%mul3A_225, %dma_wait3A_231] : memref<320000x128xf32, #tpu.memory_space<hbm>> -> memref<80x128xf32, #tpu.memory_space<hbm>>
          %dma_wait3A_233 = arith.constant 0 : i32
          %dma_wait3A_234 = arith.constant 0 : i32
          %dma_wait3A_235 = tpu.memref_slice %arg17[%dma_wait3A_226, %dma_wait3A_233, %dma_wait3A_234] : memref<2x80x128xf32, #tpu.memory_space<vmem>> -> memref<1x80x128xf32, #tpu.memory_space<vmem>>
          %dma_wait3A_236 = tpu.memref_squeeze %dma_wait3A_235 : memref<1x80x128xf32, #tpu.memory_space<vmem>> -> memref<80x128xf32, #tpu.memory_space<vmem>>
          %dma_wait3A_237 = arith.constant 0 : i32
          %dma_wait3A_238 = tpu.memref_slice %arg4[%mul3A_225, %dma_wait3A_237] : memref<320000x128xf32, #tpu.memory_space<hbm>> -> memref<80x128xf32, #tpu.memory_space<hbm>>
          tpu.wait_dma2 semaphore(%arg21 : memref<!tpu.dma_semaphore, #tpu.memory_space<semaphore_mem>>) src(%dma_wait3A_238 : memref<80x128xf32, #tpu.memory_space<hbm>>) dst(%dma_wait3A_236 : memref<80x128xf32, #tpu.memory_space<vmem>>)
          %get3A_239 = arith.index_cast %add3A_162 : i32 to index
          %get3A_240 = arith.constant 0 : index
          %get3A_241 = tpu.vector_load %arg14[%get3A_239, %get3A_240] {strides = array<i32>} : memref<125x80xi32, #tpu.memory_space<vmem>>, vector<16xi32>,
          %sub3A = vector.broadcast %mul3A_35 : i32 to vector<16xi32>
          %sub3A_242 = arith.subi %get3A_241, %sub3A : vector<16xi32>
          %add3A_243 = arith.constant 8 : i32
          %add3A_244 = vector.broadcast %add3A_243 : i32 to vector<16xi32>
          %add3A_245 = arith.addi %sub3A_242, %add3A_244 : vector<16xi32>
          %ge3A_246 = arith.constant 8 : i32
          %ge3A_247 = vector.broadcast %ge3A_246 : i32 to vector<16xi32>
          %ge3A_248 = arith.cmpi sge, %add3A_245, %ge3A_247 : vector<16xi32>
          %lt3A_249 = arith.constant 2568 : i32
          %lt3A_250 = vector.broadcast %lt3A_249 : i32 to vector<16xi32>
          %lt3A_251 = arith.cmpi slt, %add3A_245, %lt3A_250 : vector<16xi32>
          %and3A_252 = arith.andi %ge3A_248, %lt3A_251 : vector<16xi1>
          %jit3A = arith.constant 0 : i32
          %broadcast_in_dim3A = vector.broadcast %jit3A : i32 to vector<16xi32>
          %select_n3A = arith.select %and3A_252, %add3A_245, %broadcast_in_dim3A : vector<16xi1>, vector<16xi32>
          %swap3A = arith.constant 0 : index
          %swap3A_253 = tpu.vector_load %arg19[%swap3A] {strides = array<i32>} : memref<80xi32, #tpu.memory_space<vmem>>, vector<16xi32>,
          tpu.vector_store %arg19[%swap3A], %select_n3A {strides = array<i32>} : memref<80xi32, #tpu.memory_space<vmem>>, vector<16xi32>,
          %get3A_254 = arith.index_cast %add3A_162 : i32 to index
          %get3A_255 = arith.constant 16 : index
          %get3A_256 = tpu.vector_load %arg14[%get3A_254, %get3A_255] {strides = array<i32>} : memref<125x80xi32, #tpu.memory_space<vmem>>, vector<16xi32>,
          %sub3A_257 = vector.broadcast %mul3A_35 : i32 to vector<16xi32>
          %sub3A_258 = arith.subi %get3A_256, %sub3A_257 : vector<16xi32>
          %add3A_259 = arith.constant 8 : i32
          %add3A_260 = vector.broadcast %add3A_259 : i32 to vector<16xi32>
          %add3A_261 = arith.addi %sub3A_258, %add3A_260 : vector<16xi32>
          %ge3A_262 = arith.constant 8 : i32
          %ge3A_263 = vector.broadcast %ge3A_262 : i32 to vector<16xi32>
          %ge3A_264 = arith.cmpi sge, %add3A_261, %ge3A_263 : vector<16xi32>
          %lt3A_265 = arith.constant 2568 : i32
          %lt3A_266 = vector.broadcast %lt3A_265 : i32 to vector<16xi32>
          %lt3A_267 = arith.cmpi slt, %add3A_261, %lt3A_266 : vector<16xi32>
          %and3A_268 = arith.andi %ge3A_264, %lt3A_267 : vector<16xi1>
          %jit3A_269 = arith.constant 0 : i32
          %broadcast_in_dim3A_270 = vector.broadcast %jit3A_269 : i32 to vector<16xi32>
          %select_n3A_271 = arith.select %and3A_268, %add3A_261, %broadcast_in_dim3A_270 : vector<16xi1>, vector<16xi32>
          %swap3A_272 = arith.constant 16 : index
          %swap3A_273 = tpu.vector_load %arg19[%swap3A_272] {strides = array<i32>} : memref<80xi32, #tpu.memory_space<vmem>>, vector<16xi32>,
          tpu.vector_store %arg19[%swap3A_272], %select_n3A_271 {strides = array<i32>} : memref<80xi32, #tpu.memory_space<vmem>>, vector<16xi32>,
          %get3A_274 = arith.index_cast %add3A_162 : i32 to index
          %get3A_275 = arith.constant 32 : index
          %get3A_276 = tpu.vector_load %arg14[%get3A_274, %get3A_275] {strides = array<i32>} : memref<125x80xi32, #tpu.memory_space<vmem>>, vector<16xi32>,
          %sub3A_277 = vector.broadcast %mul3A_35 : i32 to vector<16xi32>
          %sub3A_278 = arith.subi %get3A_276, %sub3A_277 : vector<16xi32>
          %add3A_279 = arith.constant 8 : i32
          %add3A_280 = vector.broadcast %add3A_279 : i32 to vector<16xi32>
          %add3A_281 = arith.addi %sub3A_278, %add3A_280 : vector<16xi32>
          %ge3A_282 = arith.constant 8 : i32
          %ge3A_283 = vector.broadcast %ge3A_282 : i32 to vector<16xi32>
          %ge3A_284 = arith.cmpi sge, %add3A_281, %ge3A_283 : vector<16xi32>
          %lt3A_285 = arith.constant 2568 : i32
          %lt3A_286 = vector.broadcast %lt3A_285 : i32 to vector<16xi32>
          %lt3A_287 = arith.cmpi slt, %add3A_281, %lt3A_286 : vector<16xi32>
          %and3A_288 = arith.andi %ge3A_284, %lt3A_287 : vector<16xi1>
          %jit3A_289 = arith.constant 0 : i32
          %broadcast_in_dim3A_290 = vector.broadcast %jit3A_289 : i32 to vector<16xi32>
          %select_n3A_291 = arith.select %and3A_288, %add3A_281, %broadcast_in_dim3A_290 : vector<16xi1>, vector<16xi32>
          %swap3A_292 = arith.constant 32 : index
          %swap3A_293 = tpu.vector_load %arg19[%swap3A_292] {strides = array<i32>} : memref<80xi32, #tpu.memory_space<vmem>>, vector<16xi32>,
          tpu.vector_store %arg19[%swap3A_292], %select_n3A_291 {strides = array<i32>} : memref<80xi32, #tpu.memory_space<vmem>>, vector<16xi32>,
          %get3A_294 = arith.index_cast %add3A_162 : i32 to index
          %get3A_295 = arith.constant 48 : index
          %get3A_296 = tpu.vector_load %arg14[%get3A_294, %get3A_295] {strides = array<i32>} : memref<125x80xi32, #tpu.memory_space<vmem>>, vector<16xi32>,
          %sub3A_297 = vector.broadcast %mul3A_35 : i32 to vector<16xi32>
          %sub3A_298 = arith.subi %get3A_296, %sub3A_297 : vector<16xi32>
          %add3A_299 = arith.constant 8 : i32
          %add3A_300 = vector.broadcast %add3A_299 : i32 to vector<16xi32>
          %add3A_301 = arith.addi %sub3A_298, %add3A_300 : vector<16xi32>
          %ge3A_302 = arith.constant 8 : i32
          %ge3A_303 = vector.broadcast %ge3A_302 : i32 to vector<16xi32>
          %ge3A_304 = arith.cmpi sge, %add3A_301, %ge3A_303 : vector<16xi32>
          %lt3A_305 = arith.constant 2568 : i32
          %lt3A_306 = vector.broadcast %lt3A_305 : i32 to vector<16xi32>
          %lt3A_307 = arith.cmpi slt, %add3A_301, %lt3A_306 : vector<16xi32>
          %and3A_308 = arith.andi %ge3A_304, %lt3A_307 : vector<16xi1>
          %jit3A_309 = arith.constant 0 : i32
          %broadcast_in_dim3A_310 = vector.broadcast %jit3A_309 : i32 to vector<16xi32>
          %select_n3A_311 = arith.select %and3A_308, %add3A_301, %broadcast_in_dim3A_310 : vector<16xi1>, vector<16xi32>
          %swap3A_312 = arith.constant 48 : index
          %swap3A_313 = tpu.vector_load %arg19[%swap3A_312] {strides = array<i32>} : memref<80xi32, #tpu.memory_space<vmem>>, vector<16xi32>,
          tpu.vector_store %arg19[%swap3A_312], %select_n3A_311 {strides = array<i32>} : memref<80xi32, #tpu.memory_space<vmem>>, vector<16xi32>,
          %get3A_314 = arith.index_cast %add3A_162 : i32 to index
          %get3A_315 = arith.constant 64 : index
          %get3A_316 = tpu.vector_load %arg14[%get3A_314, %get3A_315] {strides = array<i32>} : memref<125x80xi32, #tpu.memory_space<vmem>>, vector<16xi32>,
          %sub3A_317 = vector.broadcast %mul3A_35 : i32 to vector<16xi32>
          %sub3A_318 = arith.subi %get3A_316, %sub3A_317 : vector<16xi32>
          %add3A_319 = arith.constant 8 : i32
          %add3A_320 = vector.broadcast %add3A_319 : i32 to vector<16xi32>
          %add3A_321 = arith.addi %sub3A_318, %add3A_320 : vector<16xi32>
          %ge3A_322 = arith.constant 8 : i32
          %ge3A_323 = vector.broadcast %ge3A_322 : i32 to vector<16xi32>
          %ge3A_324 = arith.cmpi sge, %add3A_321, %ge3A_323 : vector<16xi32>
          %lt3A_325 = arith.constant 2568 : i32
          %lt3A_326 = vector.broadcast %lt3A_325 : i32 to vector<16xi32>
          %lt3A_327 = arith.cmpi slt, %add3A_321, %lt3A_326 : vector<16xi32>
          %and3A_328 = arith.andi %ge3A_324, %lt3A_327 : vector<16xi1>
          %jit3A_329 = arith.constant 0 : i32
          %broadcast_in_dim3A_330 = vector.broadcast %jit3A_329 : i32 to vector<16xi32>
          %select_n3A_331 = arith.select %and3A_328, %add3A_321, %broadcast_in_dim3A_330 : vector<16xi1>, vector<16xi32>
          %swap3A_332 = arith.constant 64 : index
          %swap3A_333 = tpu.vector_load %arg19[%swap3A_332] {strides = array<i32>} : memref<80xi32, #tpu.memory_space<vmem>>, vector<16xi32>,
          tpu.vector_store %arg19[%swap3A_332], %select_n3A_331 {strides = array<i32>} : memref<80xi32, #tpu.memory_space<vmem>>, vector<16xi32>,
          %parallel_loop3A = arith.constant 0 : i32
          %parallel_loop3A_334 = arith.constant 80 : i32
          %parallel_loop3A_335 = arith.constant 1 : i32
          scf.for %parallel_loop3A_336 = %parallel_loop3A to %parallel_loop3A_334 step %parallel_loop3A_335  : i32 {
            %parallel_loop3A_337 = vector.broadcast %parallel_loop3A_336 : i32 to vector<16xi32>
            %parallel_loop3A_338 = tpu.vector_load_idx %arg19[%parallel_loop3A_337] : memref<80xi32, #tpu.memory_space<vmem>>[vector<16xi32>], vector<16xi32>,
            %parallel_loop3A_339 = arith.constant 0 : i32
            %parallel_loop3A_340 = vector.broadcast %parallel_loop3A_339 : i32 to vector<16xi32>
            %parallel_loop3A_341 = arith.cmpi sgt, %parallel_loop3A_338, %parallel_loop3A_340 : vector<16xi32>
            %parallel_loop3A_342 = arith.constant 1.000000e+00 : f32
            %parallel_loop3A_343 = arith.constant 0.000000e+00 : f32
            %parallel_loop3A_344 = vector.broadcast %parallel_loop3A_342 : f32 to vector<16xf32>
            %parallel_loop3A_345 = vector.broadcast %parallel_loop3A_343 : f32 to vector<16xf32>
            %parallel_loop3A_346 = arith.select %parallel_loop3A_341, %parallel_loop3A_344, %parallel_loop3A_345 : vector<16xi1>, vector<16xf32>
            %parallel_loop3A_347 = arith.constant 1 : i32
            %parallel_loop3A_348 = arith.index_cast %parallel_loop3A_347 : i32 to index
            %parallel_loop3A_349 = arith.index_cast %parallel_loop3A_336 : i32 to index
            %parallel_loop3A_350 = arith.constant 0 : index
            %parallel_loop3A_351 = tpu.vector_load %arg15[%parallel_loop3A_348, %parallel_loop3A_349, %parallel_loop3A_350] {strides = array<i32>} : memref<2x80x128xf32, #tpu.memory_space<vmem>>, vector<16xf32>,
            %parallel_loop3A_352 = arith.constant 1 : i32
            %parallel_loop3A_353 = arith.index_cast %parallel_loop3A_352 : i32 to index
            %parallel_loop3A_354 = arith.index_cast %parallel_loop3A_336 : i32 to index
            %parallel_loop3A_355 = arith.constant 0 : index
            %parallel_loop3A_356 = tpu.vector_load %arg16[%parallel_loop3A_353, %parallel_loop3A_354, %parallel_loop3A_355] {strides = array<i32>} : memref<2x80x256xf32, #tpu.memory_space<vmem>>, vector<16xf32>,
            %parallel_loop3A_357 = arith.mulf %parallel_loop3A_351, %parallel_loop3A_356 : vector<16xf32>
            %parallel_loop3A_358 = arith.constant 1 : i32
            %parallel_loop3A_359 = arith.index_cast %parallel_loop3A_358 : i32 to index
            %parallel_loop3A_360 = arith.index_cast %parallel_loop3A_336 : i32 to index
            %parallel_loop3A_361 = arith.constant 16 : index
            %parallel_loop3A_362 = tpu.vector_load %arg15[%parallel_loop3A_359, %parallel_loop3A_360, %parallel_loop3A_361] {strides = array<i32>} : memref<2x80x128xf32, #tpu.memory_space<vmem>>, vector<16xf32>,
            %parallel_loop3A_363 = arith.constant 1 : i32
            %parallel_loop3A_364 = arith.index_cast %parallel_loop3A_363 : i32 to index
            %parallel_loop3A_365 = arith.index_cast %parallel_loop3A_336 : i32 to index
            %parallel_loop3A_366 = arith.constant 16 : index
            %parallel_loop3A_367 = tpu.vector_load %arg16[%parallel_loop3A_364, %parallel_loop3A_365, %parallel_loop3A_366] {strides = array<i32>} : memref<2x80x256xf32, #tpu.memory_space<vmem>>, vector<16xf32>,
            %parallel_loop3A_368 = arith.mulf %parallel_loop3A_362, %parallel_loop3A_367 : vector<16xf32>
            %parallel_loop3A_369 = arith.addf %parallel_loop3A_357, %parallel_loop3A_368 : vector<16xf32>
            %parallel_loop3A_370 = vector.shape_cast %xor3A_18 : vector<16xi32> to vector<16x1xi32>
            %parallel_loop3A_371 = vector.shape_cast %parallel_loop3A_370 : vector<16x1xi32> to vector<16xi32>
            %parallel_loop3A_372 = tpu.dynamic_gather %parallel_loop3A_369[%parallel_loop3A_371] in [0] : vector<16xf32>, vector<16xi32> -> vector<16xf32>
            %parallel_loop3A_373 = arith.addf %parallel_loop3A_369, %parallel_loop3A_372 : vector<16xf32>
            %parallel_loop3A_374 = vector.shape_cast %xor3A_21 : vector<16xi32> to vector<16x1xi32>
            %parallel_loop3A_375 = vector.shape_cast %parallel_loop3A_374 : vector<16x1xi32> to vector<16xi32>
            %parallel_loop3A_376 = tpu.dynamic_gather %parallel_loop3A_373[%parallel_loop3A_375] in [0] : vector<16xf32>, vector<16xi32> -> vector<16xf32>
            %parallel_loop3A_377 = arith.addf %parallel_loop3A_373, %parallel_loop3A_376 : vector<16xf32>
            %parallel_loop3A_378 = vector.shape_cast %xor3A_24 : vector<16xi32> to vector<16x1xi32>
            %parallel_loop3A_379 = vector.shape_cast %parallel_loop3A_378 : vector<16x1xi32> to vector<16xi32>
            %parallel_loop3A_380 = tpu.dynamic_gather %parallel_loop3A_377[%parallel_loop3A_379] in [0] : vector<16xf32>, vector<16xi32> -> vector<16xf32>
            %parallel_loop3A_381 = arith.addf %parallel_loop3A_377, %parallel_loop3A_380 : vector<16xf32>
            %parallel_loop3A_382 = vector.shape_cast %xor3A_27 : vector<16xi32> to vector<16x1xi32>
            %parallel_loop3A_383 = vector.shape_cast %parallel_loop3A_382 : vector<16x1xi32> to vector<16xi32>
            %parallel_loop3A_384 = tpu.dynamic_gather %parallel_loop3A_381[%parallel_loop3A_383] in [0] : vector<16xf32>, vector<16xi32> -> vector<16xf32>
            %parallel_loop3A_385 = arith.addf %parallel_loop3A_381, %parallel_loop3A_384 : vector<16xf32>
            %parallel_loop3A_386 = arith.constant 0.176776692 : f32
            %parallel_loop3A_387 = vector.broadcast %parallel_loop3A_386 : f32 to vector<16xf32>
            %parallel_loop3A_388 = arith.mulf %parallel_loop3A_385, %parallel_loop3A_387 : vector<16xf32>
            %parallel_loop3A_389 = math.exp %parallel_loop3A_388 : vector<16xf32>
            %parallel_loop3A_390 = arith.mulf %parallel_loop3A_389, %parallel_loop3A_346 : vector<16xf32>
            %parallel_loop3A_391 = arith.constant 1 : i32
            %parallel_loop3A_392 = arith.index_cast %parallel_loop3A_391 : i32 to index
            %parallel_loop3A_393 = arith.index_cast %parallel_loop3A_336 : i32 to index
            %parallel_loop3A_394 = arith.constant 32 : index
            %parallel_loop3A_395 = tpu.vector_load %arg15[%parallel_loop3A_392, %parallel_loop3A_393, %parallel_loop3A_394] {strides = array<i32>} : memref<2x80x128xf32, #tpu.memory_space<vmem>>, vector<16xf32>,
            %parallel_loop3A_396 = arith.constant 1 : i32
            %parallel_loop3A_397 = arith.index_cast %parallel_loop3A_396 : i32 to index
            %parallel_loop3A_398 = arith.index_cast %parallel_loop3A_336 : i32 to index
            %parallel_loop3A_399 = arith.constant 32 : index
            %parallel_loop3A_400 = tpu.vector_load %arg16[%parallel_loop3A_397, %parallel_loop3A_398, %parallel_loop3A_399] {strides = array<i32>} : memref<2x80x256xf32, #tpu.memory_space<vmem>>, vector<16xf32>,
            %parallel_loop3A_401 = arith.mulf %parallel_loop3A_395, %parallel_loop3A_400 : vector<16xf32>
            %parallel_loop3A_402 = arith.constant 1 : i32
            %parallel_loop3A_403 = arith.index_cast %parallel_loop3A_402 : i32 to index
            %parallel_loop3A_404 = arith.index_cast %parallel_loop3A_336 : i32 to index
            %parallel_loop3A_405 = arith.constant 48 : index
            %parallel_loop3A_406 = tpu.vector_load %arg15[%parallel_loop3A_403, %parallel_loop3A_404, %parallel_loop3A_405] {strides = array<i32>} : memref<2x80x128xf32, #tpu.memory_space<vmem>>, vector<16xf32>,
            %parallel_loop3A_407 = arith.constant 1 : i32
            %parallel_loop3A_408 = arith.index_cast %parallel_loop3A_407 : i32 to index
            %parallel_loop3A_409 = arith.index_cast %parallel_loop3A_336 : i32 to index
            %parallel_loop3A_410 = arith.constant 48 : index
            %parallel_loop3A_411 = tpu.vector_load %arg16[%parallel_loop3A_408, %parallel_loop3A_409, %parallel_loop3A_410] {strides = array<i32>} : memref<2x80x256xf32, #tpu.memory_space<vmem>>, vector<16xf32>,
            %parallel_loop3A_412 = arith.mulf %parallel_loop3A_406, %parallel_loop3A_411 : vector<16xf32>
            %parallel_loop3A_413 = arith.addf %parallel_loop3A_401, %parallel_loop3A_412 : vector<16xf32>
            %parallel_loop3A_414 = vector.shape_cast %xor3A_18 : vector<16xi32> to vector<16x1xi32>
            %parallel_loop3A_415 = vector.shape_cast %parallel_loop3A_414 : vector<16x1xi32> to vector<16xi32>
            %parallel_loop3A_416 = tpu.dynamic_gather %parallel_loop3A_413[%parallel_loop3A_415] in [0] : vector<16xf32>, vector<16xi32> -> vector<16xf32>
            %parallel_loop3A_417 = arith.addf %parallel_loop3A_413, %parallel_loop3A_416 : vector<16xf32>
            %parallel_loop3A_418 = vector.shape_cast %xor3A_21 : vector<16xi32> to vector<16x1xi32>
            %parallel_loop3A_419 = vector.shape_cast %parallel_loop3A_418 : vector<16x1xi32> to vector<16xi32>
            %parallel_loop3A_420 = tpu.dynamic_gather %parallel_loop3A_417[%parallel_loop3A_419] in [0] : vector<16xf32>, vector<16xi32> -> vector<16xf32>
            %parallel_loop3A_421 = arith.addf %parallel_loop3A_417, %parallel_loop3A_420 : vector<16xf32>
            %parallel_loop3A_422 = vector.shape_cast %xor3A_24 : vector<16xi32> to vector<16x1xi32>
            %parallel_loop3A_423 = vector.shape_cast %parallel_loop3A_422 : vector<16x1xi32> to vector<16xi32>
            %parallel_loop3A_424 = tpu.dynamic_gather %parallel_loop3A_421[%parallel_loop3A_423] in [0] : vector<16xf32>, vector<16xi32> -> vector<16xf32>
            %parallel_loop3A_425 = arith.addf %parallel_loop3A_421, %parallel_loop3A_424 : vector<16xf32>
            %parallel_loop3A_426 = vector.shape_cast %xor3A_27 : vector<16xi32> to vector<16x1xi32>
            %parallel_loop3A_427 = vector.shape_cast %parallel_loop3A_426 : vector<16x1xi32> to vector<16xi32>
            %parallel_loop3A_428 = tpu.dynamic_gather %parallel_loop3A_425[%parallel_loop3A_427] in [0] : vector<16xf32>, vector<16xi32> -> vector<16xf32>
            %parallel_loop3A_429 = arith.addf %parallel_loop3A_425, %parallel_loop3A_428 : vector<16xf32>
            %parallel_loop3A_430 = arith.constant 0.176776692 : f32
            %parallel_loop3A_431 = vector.broadcast %parallel_loop3A_430 : f32 to vector<16xf32>
            %parallel_loop3A_432 = arith.mulf %parallel_loop3A_429, %parallel_loop3A_431 : vector<16xf32>
            %parallel_loop3A_433 = math.exp %parallel_loop3A_432 : vector<16xf32>
            %parallel_loop3A_434 = arith.mulf %parallel_loop3A_433, %parallel_loop3A_346 : vector<16xf32>
            %parallel_loop3A_435 = arith.constant 1 : i32
            %parallel_loop3A_436 = arith.index_cast %parallel_loop3A_435 : i32 to index
            %parallel_loop3A_437 = arith.index_cast %parallel_loop3A_336 : i32 to index
            %parallel_loop3A_438 = arith.constant 64 : index
            %parallel_loop3A_439 = tpu.vector_load %arg15[%parallel_loop3A_436, %parallel_loop3A_437, %parallel_loop3A_438] {strides = array<i32>} : memref<2x80x128xf32, #tpu.memory_space<vmem>>, vector<16xf32>,
            %parallel_loop3A_440 = arith.constant 1 : i32
            %parallel_loop3A_441 = arith.index_cast %parallel_loop3A_440 : i32 to index
            %parallel_loop3A_442 = arith.index_cast %parallel_loop3A_336 : i32 to index
            %parallel_loop3A_443 = arith.constant 64 : index
            %parallel_loop3A_444 = tpu.vector_load %arg16[%parallel_loop3A_441, %parallel_loop3A_442, %parallel_loop3A_443] {strides = array<i32>} : memref<2x80x256xf32, #tpu.memory_space<vmem>>, vector<16xf32>,
            %parallel_loop3A_445 = arith.mulf %parallel_loop3A_439, %parallel_loop3A_444 : vector<16xf32>
            %parallel_loop3A_446 = arith.constant 1 : i32
            %parallel_loop3A_447 = arith.index_cast %parallel_loop3A_446 : i32 to index
            %parallel_loop3A_448 = arith.index_cast %parallel_loop3A_336 : i32 to index
            %parallel_loop3A_449 = arith.constant 80 : index
            %parallel_loop3A_450 = tpu.vector_load %arg15[%parallel_loop3A_447, %parallel_loop3A_448, %parallel_loop3A_449] {strides = array<i32>} : memref<2x80x128xf32, #tpu.memory_space<vmem>>, vector<16xf32>,
            %parallel_loop3A_451 = arith.constant 1 : i32
            %parallel_loop3A_452 = arith.index_cast %parallel_loop3A_451 : i32 to index
            %parallel_loop3A_453 = arith.index_cast %parallel_loop3A_336 : i32 to index
            %parallel_loop3A_454 = arith.constant 80 : index
            %parallel_loop3A_455 = tpu.vector_load %arg16[%parallel_loop3A_452, %parallel_loop3A_453, %parallel_loop3A_454] {strides = array<i32>} : memref<2x80x256xf32, #tpu.memory_space<vmem>>, vector<16xf32>,
            %parallel_loop3A_456 = arith.mulf %parallel_loop3A_450, %parallel_loop3A_455 : vector<16xf32>
            %parallel_loop3A_457 = arith.addf %parallel_loop3A_445, %parallel_loop3A_456 : vector<16xf32>
            %parallel_loop3A_458 = vector.shape_cast %xor3A_18 : vector<16xi32> to vector<16x1xi32>
            %parallel_loop3A_459 = vector.shape_cast %parallel_loop3A_458 : vector<16x1xi32> to vector<16xi32>
            %parallel_loop3A_460 = tpu.dynamic_gather %parallel_loop3A_457[%parallel_loop3A_459] in [0] : vector<16xf32>, vector<16xi32> -> vector<16xf32>
            %parallel_loop3A_461 = arith.addf %parallel_loop3A_457, %parallel_loop3A_460 : vector<16xf32>
            %parallel_loop3A_462 = vector.shape_cast %xor3A_21 : vector<16xi32> to vector<16x1xi32>
            %parallel_loop3A_463 = vector.shape_cast %parallel_loop3A_462 : vector<16x1xi32> to vector<16xi32>
            %parallel_loop3A_464 = tpu.dynamic_gather %parallel_loop3A_461[%parallel_loop3A_463] in [0] : vector<16xf32>, vector<16xi32> -> vector<16xf32>
            %parallel_loop3A_465 = arith.addf %parallel_loop3A_461, %parallel_loop3A_464 : vector<16xf32>
            %parallel_loop3A_466 = vector.shape_cast %xor3A_24 : vector<16xi32> to vector<16x1xi32>
            %parallel_loop3A_467 = vector.shape_cast %parallel_loop3A_466 : vector<16x1xi32> to vector<16xi32>
            %parallel_loop3A_468 = tpu.dynamic_gather %parallel_loop3A_465[%parallel_loop3A_467] in [0] : vector<16xf32>, vector<16xi32> -> vector<16xf32>
            %parallel_loop3A_469 = arith.addf %parallel_loop3A_465, %parallel_loop3A_468 : vector<16xf32>
            %parallel_loop3A_470 = vector.shape_cast %xor3A_27 : vector<16xi32> to vector<16x1xi32>
            %parallel_loop3A_471 = vector.shape_cast %parallel_loop3A_470 : vector<16x1xi32> to vector<16xi32>
            %parallel_loop3A_472 = tpu.dynamic_gather %parallel_loop3A_469[%parallel_loop3A_471] in [0] : vector<16xf32>, vector<16xi32> -> vector<16xf32>
            %parallel_loop3A_473 = arith.addf %parallel_loop3A_469, %parallel_loop3A_472 : vector<16xf32>
            %parallel_loop3A_474 = arith.constant 0.176776692 : f32
            %parallel_loop3A_475 = vector.broadcast %parallel_loop3A_474 : f32 to vector<16xf32>
            %parallel_loop3A_476 = arith.mulf %parallel_loop3A_473, %parallel_loop3A_475 : vector<16xf32>
            %parallel_loop3A_477 = math.exp %parallel_loop3A_476 : vector<16xf32>
            %parallel_loop3A_478 = arith.mulf %parallel_loop3A_477, %parallel_loop3A_346 : vector<16xf32>
            %parallel_loop3A_479 = arith.constant 1 : i32
            %parallel_loop3A_480 = arith.index_cast %parallel_loop3A_479 : i32 to index
            %parallel_loop3A_481 = arith.index_cast %parallel_loop3A_336 : i32 to index
            %parallel_loop3A_482 = arith.constant 96 : index
            %parallel_loop3A_483 = tpu.vector_load %arg15[%parallel_loop3A_480, %parallel_loop3A_481, %parallel_loop3A_482] {strides = array<i32>} : memref<2x80x128xf32, #tpu.memory_space<vmem>>, vector<16xf32>,
            %parallel_loop3A_484 = arith.constant 1 : i32
            %parallel_loop3A_485 = arith.index_cast %parallel_loop3A_484 : i32 to index
            %parallel_loop3A_486 = arith.index_cast %parallel_loop3A_336 : i32 to index
            %parallel_loop3A_487 = arith.constant 96 : index
            %parallel_loop3A_488 = tpu.vector_load %arg16[%parallel_loop3A_485, %parallel_loop3A_486, %parallel_loop3A_487] {strides = array<i32>} : memref<2x80x256xf32, #tpu.memory_space<vmem>>, vector<16xf32>,
            %parallel_loop3A_489 = arith.mulf %parallel_loop3A_483, %parallel_loop3A_488 : vector<16xf32>
            %parallel_loop3A_490 = arith.constant 1 : i32
            %parallel_loop3A_491 = arith.index_cast %parallel_loop3A_490 : i32 to index
            %parallel_loop3A_492 = arith.index_cast %parallel_loop3A_336 : i32 to index
            %parallel_loop3A_493 = arith.constant 112 : index
            %parallel_loop3A_494 = tpu.vector_load %arg15[%parallel_loop3A_491, %parallel_loop3A_492, %parallel_loop3A_493] {strides = array<i32>} : memref<2x80x128xf32, #tpu.memory_space<vmem>>, vector<16xf32>,
            %parallel_loop3A_495 = arith.constant 1 : i32
            %parallel_loop3A_496 = arith.index_cast %parallel_loop3A_495 : i32 to index
            %parallel_loop3A_497 = arith.index_cast %parallel_loop3A_336 : i32 to index
            %parallel_loop3A_498 = arith.constant 112 : index
            %parallel_loop3A_499 = tpu.vector_load %arg16[%parallel_loop3A_496, %parallel_loop3A_497, %parallel_loop3A_498] {strides = array<i32>} : memref<2x80x256xf32, #tpu.memory_space<vmem>>, vector<16xf32>,
            %parallel_loop3A_500 = arith.mulf %parallel_loop3A_494, %parallel_loop3A_499 : vector<16xf32>
            %parallel_loop3A_501 = arith.addf %parallel_loop3A_489, %parallel_loop3A_500 : vector<16xf32>
            %parallel_loop3A_502 = vector.shape_cast %xor3A_18 : vector<16xi32> to vector<16x1xi32>
            %parallel_loop3A_503 = vector.shape_cast %parallel_loop3A_502 : vector<16x1xi32> to vector<16xi32>
            %parallel_loop3A_504 = tpu.dynamic_gather %parallel_loop3A_501[%parallel_loop3A_503] in [0] : vector<16xf32>, vector<16xi32> -> vector<16xf32>
            %parallel_loop3A_505 = arith.addf %parallel_loop3A_501, %parallel_loop3A_504 : vector<16xf32>
            %parallel_loop3A_506 = vector.shape_cast %xor3A_21 : vector<16xi32> to vector<16x1xi32>
            %parallel_loop3A_507 = vector.shape_cast %parallel_loop3A_506 : vector<16x1xi32> to vector<16xi32>
            %parallel_loop3A_508 = tpu.dynamic_gather %parallel_loop3A_505[%parallel_loop3A_507] in [0] : vector<16xf32>, vector<16xi32> -> vector<16xf32>
            %parallel_loop3A_509 = arith.addf %parallel_loop3A_505, %parallel_loop3A_508 : vector<16xf32>
            %parallel_loop3A_510 = vector.shape_cast %xor3A_24 : vector<16xi32> to vector<16x1xi32>
            %parallel_loop3A_511 = vector.shape_cast %parallel_loop3A_510 : vector<16x1xi32> to vector<16xi32>
            %parallel_loop3A_512 = tpu.dynamic_gather %parallel_loop3A_509[%parallel_loop3A_511] in [0] : vector<16xf32>, vector<16xi32> -> vector<16xf32>
            %parallel_loop3A_513 = arith.addf %parallel_loop3A_509, %parallel_loop3A_512 : vector<16xf32>
            %parallel_loop3A_514 = vector.shape_cast %xor3A_27 : vector<16xi32> to vector<16x1xi32>
            %parallel_loop3A_515 = vector.shape_cast %parallel_loop3A_514 : vector<16x1xi32> to vector<16xi32>
            %parallel_loop3A_516 = tpu.dynamic_gather %parallel_loop3A_513[%parallel_loop3A_515] in [0] : vector<16xf32>, vector<16xi32> -> vector<16xf32>
            %parallel_loop3A_517 = arith.addf %parallel_loop3A_513, %parallel_loop3A_516 : vector<16xf32>
            %parallel_loop3A_518 = arith.constant 0.176776692 : f32
            %parallel_loop3A_519 = vector.broadcast %parallel_loop3A_518 : f32 to vector<16xf32>
            %parallel_loop3A_520 = arith.mulf %parallel_loop3A_517, %parallel_loop3A_519 : vector<16xf32>
            %parallel_loop3A_521 = math.exp %parallel_loop3A_520 : vector<16xf32>
            %parallel_loop3A_522 = arith.mulf %parallel_loop3A_521, %parallel_loop3A_346 : vector<16xf32>
            %parallel_loop3A_523 = arith.constant 1 : i32
            %parallel_loop3A_524 = arith.index_cast %parallel_loop3A_523 : i32 to index
            %parallel_loop3A_525 = arith.index_cast %parallel_loop3A_336 : i32 to index
            %parallel_loop3A_526 = arith.constant 128 : index
            %parallel_loop3A_527 = tpu.vector_load %arg16[%parallel_loop3A_524, %parallel_loop3A_525, %parallel_loop3A_526] {strides = array<i32>} : memref<2x80x256xf32, #tpu.memory_space<vmem>>, vector<16xf32>,
            %parallel_loop3A_528 = arith.constant 1 : i32
            %parallel_loop3A_529 = arith.index_cast %parallel_loop3A_528 : i32 to index
            %parallel_loop3A_530 = arith.index_cast %parallel_loop3A_336 : i32 to index
            %parallel_loop3A_531 = arith.constant 0 : index
            %parallel_loop3A_532 = tpu.vector_load %arg17[%parallel_loop3A_529, %parallel_loop3A_530, %parallel_loop3A_531] {strides = array<i32>} : memref<2x80x128xf32, #tpu.memory_space<vmem>>, vector<16xf32>,
            %parallel_loop3A_533 = arith.addf %parallel_loop3A_527, %parallel_loop3A_532 : vector<16xf32>
            %parallel_loop3A_534 = arith.mulf %parallel_loop3A_390, %parallel_loop3A_533 : vector<16xf32>
            %parallel_loop3A_535 = arith.constant 1 : i32
            %parallel_loop3A_536 = arith.index_cast %parallel_loop3A_535 : i32 to index
            %parallel_loop3A_537 = arith.index_cast %parallel_loop3A_336 : i32 to index
            %parallel_loop3A_538 = arith.constant 0 : index
            %parallel_loop3A_539 = tpu.vector_load %arg15[%parallel_loop3A_536, %parallel_loop3A_537, %parallel_loop3A_538] {strides = array<i32>} : memref<2x80x128xf32, #tpu.memory_space<vmem>>, vector<16xf32>,
            tpu.vector_store %arg15[%parallel_loop3A_536, %parallel_loop3A_537, %parallel_loop3A_538], %parallel_loop3A_534 {strides = array<i32>} : memref<2x80x128xf32, #tpu.memory_space<vmem>>, vector<16xf32>,
            %parallel_loop3A_540 = arith.constant 1 : i32
            %parallel_loop3A_541 = arith.index_cast %parallel_loop3A_540 : i32 to index
            %parallel_loop3A_542 = arith.index_cast %parallel_loop3A_336 : i32 to index
            %parallel_loop3A_543 = arith.constant 144 : index
            %parallel_loop3A_544 = tpu.vector_load %arg16[%parallel_loop3A_541, %parallel_loop3A_542, %parallel_loop3A_543] {strides = array<i32>} : memref<2x80x256xf32, #tpu.memory_space<vmem>>, vector<16xf32>,
            %parallel_loop3A_545 = arith.constant 1 : i32
            %parallel_loop3A_546 = arith.index_cast %parallel_loop3A_545 : i32 to index
            %parallel_loop3A_547 = arith.index_cast %parallel_loop3A_336 : i32 to index
            %parallel_loop3A_548 = arith.constant 16 : index
            %parallel_loop3A_549 = tpu.vector_load %arg17[%parallel_loop3A_546, %parallel_loop3A_547, %parallel_loop3A_548] {strides = array<i32>} : memref<2x80x128xf32, #tpu.memory_space<vmem>>, vector<16xf32>,
            %parallel_loop3A_550 = arith.addf %parallel_loop3A_544, %parallel_loop3A_549 : vector<16xf32>
            %parallel_loop3A_551 = arith.mulf %parallel_loop3A_390, %parallel_loop3A_550 : vector<16xf32>
            %parallel_loop3A_552 = arith.constant 1 : i32
            %parallel_loop3A_553 = arith.index_cast %parallel_loop3A_552 : i32 to index
            %parallel_loop3A_554 = arith.index_cast %parallel_loop3A_336 : i32 to index
            %parallel_loop3A_555 = arith.constant 16 : index
            %parallel_loop3A_556 = tpu.vector_load %arg15[%parallel_loop3A_553, %parallel_loop3A_554, %parallel_loop3A_555] {strides = array<i32>} : memref<2x80x128xf32, #tpu.memory_space<vmem>>, vector<16xf32>,
            tpu.vector_store %arg15[%parallel_loop3A_553, %parallel_loop3A_554, %parallel_loop3A_555], %parallel_loop3A_551 {strides = array<i32>} : memref<2x80x128xf32, #tpu.memory_space<vmem>>, vector<16xf32>,
            %parallel_loop3A_557 = arith.constant 1 : i32
            %parallel_loop3A_558 = arith.index_cast %parallel_loop3A_557 : i32 to index
            %parallel_loop3A_559 = arith.index_cast %parallel_loop3A_336 : i32 to index
            %parallel_loop3A_560 = arith.constant 160 : index
            %parallel_loop3A_561 = tpu.vector_load %arg16[%parallel_loop3A_558, %parallel_loop3A_559, %parallel_loop3A_560] {strides = array<i32>} : memref<2x80x256xf32, #tpu.memory_space<vmem>>, vector<16xf32>,
            %parallel_loop3A_562 = arith.constant 1 : i32
            %parallel_loop3A_563 = arith.index_cast %parallel_loop3A_562 : i32 to index
            %parallel_loop3A_564 = arith.index_cast %parallel_loop3A_336 : i32 to index
            %parallel_loop3A_565 = arith.constant 32 : index
            %parallel_loop3A_566 = tpu.vector_load %arg17[%parallel_loop3A_563, %parallel_loop3A_564, %parallel_loop3A_565] {strides = array<i32>} : memref<2x80x128xf32, #tpu.memory_space<vmem>>, vector<16xf32>,
            %parallel_loop3A_567 = arith.addf %parallel_loop3A_561, %parallel_loop3A_566 : vector<16xf32>
            %parallel_loop3A_568 = arith.mulf %parallel_loop3A_434, %parallel_loop3A_567 : vector<16xf32>
            %parallel_loop3A_569 = arith.constant 1 : i32
            %parallel_loop3A_570 = arith.index_cast %parallel_loop3A_569 : i32 to index
            %parallel_loop3A_571 = arith.index_cast %parallel_loop3A_336 : i32 to index
            %parallel_loop3A_572 = arith.constant 32 : index
            %parallel_loop3A_573 = tpu.vector_load %arg15[%parallel_loop3A_570, %parallel_loop3A_571, %parallel_loop3A_572] {strides = array<i32>} : memref<2x80x128xf32, #tpu.memory_space<vmem>>, vector<16xf32>,
            tpu.vector_store %arg15[%parallel_loop3A_570, %parallel_loop3A_571, %parallel_loop3A_572], %parallel_loop3A_568 {strides = array<i32>} : memref<2x80x128xf32, #tpu.memory_space<vmem>>, vector<16xf32>,
            %parallel_loop3A_574 = arith.constant 1 : i32
            %parallel_loop3A_575 = arith.index_cast %parallel_loop3A_574 : i32 to index
            %parallel_loop3A_576 = arith.index_cast %parallel_loop3A_336 : i32 to index
            %parallel_loop3A_577 = arith.constant 176 : index
            %parallel_loop3A_578 = tpu.vector_load %arg16[%parallel_loop3A_575, %parallel_loop3A_576, %parallel_loop3A_577] {strides = array<i32>} : memref<2x80x256xf32, #tpu.memory_space<vmem>>, vector<16xf32>,
            %parallel_loop3A_579 = arith.constant 1 : i32
            %parallel_loop3A_580 = arith.index_cast %parallel_loop3A_579 : i32 to index
            %parallel_loop3A_581 = arith.index_cast %parallel_loop3A_336 : i32 to index
            %parallel_loop3A_582 = arith.constant 48 : index
            %parallel_loop3A_583 = tpu.vector_load %arg17[%parallel_loop3A_580, %parallel_loop3A_581, %parallel_loop3A_582] {strides = array<i32>} : memref<2x80x128xf32, #tpu.memory_space<vmem>>, vector<16xf32>,
            %parallel_loop3A_584 = arith.addf %parallel_loop3A_578, %parallel_loop3A_583 : vector<16xf32>
            %parallel_loop3A_585 = arith.mulf %parallel_loop3A_434, %parallel_loop3A_584 : vector<16xf32>
            %parallel_loop3A_586 = arith.constant 1 : i32
            %parallel_loop3A_587 = arith.index_cast %parallel_loop3A_586 : i32 to index
            %parallel_loop3A_588 = arith.index_cast %parallel_loop3A_336 : i32 to index
            %parallel_loop3A_589 = arith.constant 48 : index
            %parallel_loop3A_590 = tpu.vector_load %arg15[%parallel_loop3A_587, %parallel_loop3A_588, %parallel_loop3A_589] {strides = array<i32>} : memref<2x80x128xf32, #tpu.memory_space<vmem>>, vector<16xf32>,
            tpu.vector_store %arg15[%parallel_loop3A_587, %parallel_loop3A_588, %parallel_loop3A_589], %parallel_loop3A_585 {strides = array<i32>} : memref<2x80x128xf32, #tpu.memory_space<vmem>>, vector<16xf32>,
            %parallel_loop3A_591 = arith.constant 1 : i32
            %parallel_loop3A_592 = arith.index_cast %parallel_loop3A_591 : i32 to index
            %parallel_loop3A_593 = arith.index_cast %parallel_loop3A_336 : i32 to index
            %parallel_loop3A_594 = arith.constant 192 : index
            %parallel_loop3A_595 = tpu.vector_load %arg16[%parallel_loop3A_592, %parallel_loop3A_593, %parallel_loop3A_594] {strides = array<i32>} : memref<2x80x256xf32, #tpu.memory_space<vmem>>, vector<16xf32>,
            %parallel_loop3A_596 = arith.constant 1 : i32
            %parallel_loop3A_597 = arith.index_cast %parallel_loop3A_596 : i32 to index
            %parallel_loop3A_598 = arith.index_cast %parallel_loop3A_336 : i32 to index
            %parallel_loop3A_599 = arith.constant 64 : index
            %parallel_loop3A_600 = tpu.vector_load %arg17[%parallel_loop3A_597, %parallel_loop3A_598, %parallel_loop3A_599] {strides = array<i32>} : memref<2x80x128xf32, #tpu.memory_space<vmem>>, vector<16xf32>,
            %parallel_loop3A_601 = arith.addf %parallel_loop3A_595, %parallel_loop3A_600 : vector<16xf32>
            %parallel_loop3A_602 = arith.mulf %parallel_loop3A_478, %parallel_loop3A_601 : vector<16xf32>
            %parallel_loop3A_603 = arith.constant 1 : i32
            %parallel_loop3A_604 = arith.index_cast %parallel_loop3A_603 : i32 to index
            %parallel_loop3A_605 = arith.index_cast %parallel_loop3A_336 : i32 to index
            %parallel_loop3A_606 = arith.constant 64 : index
            %parallel_loop3A_607 = tpu.vector_load %arg15[%parallel_loop3A_604, %parallel_loop3A_605, %parallel_loop3A_606] {strides = array<i32>} : memref<2x80x128xf32, #tpu.memory_space<vmem>>, vector<16xf32>,
            tpu.vector_store %arg15[%parallel_loop3A_604, %parallel_loop3A_605, %parallel_loop3A_606], %parallel_loop3A_602 {strides = array<i32>} : memref<2x80x128xf32, #tpu.memory_space<vmem>>, vector<16xf32>,
            %parallel_loop3A_608 = arith.constant 1 : i32
            %parallel_loop3A_609 = arith.index_cast %parallel_loop3A_608 : i32 to index
            %parallel_loop3A_610 = arith.index_cast %parallel_loop3A_336 : i32 to index
            %parallel_loop3A_611 = arith.constant 208 : index
            %parallel_loop3A_612 = tpu.vector_load %arg16[%parallel_loop3A_609, %parallel_loop3A_610, %parallel_loop3A_611] {strides = array<i32>} : memref<2x80x256xf32, #tpu.memory_space<vmem>>, vector<16xf32>,
            %parallel_loop3A_613 = arith.constant 1 : i32
            %parallel_loop3A_614 = arith.index_cast %parallel_loop3A_613 : i32 to index
            %parallel_loop3A_615 = arith.index_cast %parallel_loop3A_336 : i32 to index
            %parallel_loop3A_616 = arith.constant 80 : index
            %parallel_loop3A_617 = tpu.vector_load %arg17[%parallel_loop3A_614, %parallel_loop3A_615, %parallel_loop3A_616] {strides = array<i32>} : memref<2x80x128xf32, #tpu.memory_space<vmem>>, vector<16xf32>,
            %parallel_loop3A_618 = arith.addf %parallel_loop3A_612, %parallel_loop3A_617 : vector<16xf32>
            %parallel_loop3A_619 = arith.mulf %parallel_loop3A_478, %parallel_loop3A_618 : vector<16xf32>
            %parallel_loop3A_620 = arith.constant 1 : i32
            %parallel_loop3A_621 = arith.index_cast %parallel_loop3A_620 : i32 to index
            %parallel_loop3A_622 = arith.index_cast %parallel_loop3A_336 : i32 to index
            %parallel_loop3A_623 = arith.constant 80 : index
            %parallel_loop3A_624 = tpu.vector_load %arg15[%parallel_loop3A_621, %parallel_loop3A_622, %parallel_loop3A_623] {strides = array<i32>} : memref<2x80x128xf32, #tpu.memory_space<vmem>>, vector<16xf32>,
            tpu.vector_store %arg15[%parallel_loop3A_621, %parallel_loop3A_622, %parallel_loop3A_623], %parallel_loop3A_619 {strides = array<i32>} : memref<2x80x128xf32, #tpu.memory_space<vmem>>, vector<16xf32>,
            %parallel_loop3A_625 = arith.constant 1 : i32
            %parallel_loop3A_626 = arith.index_cast %parallel_loop3A_625 : i32 to index
            %parallel_loop3A_627 = arith.index_cast %parallel_loop3A_336 : i32 to index
            %parallel_loop3A_628 = arith.constant 224 : index
            %parallel_loop3A_629 = tpu.vector_load %arg16[%parallel_loop3A_626, %parallel_loop3A_627, %parallel_loop3A_628] {strides = array<i32>} : memref<2x80x256xf32, #tpu.memory_space<vmem>>, vector<16xf32>,
            %parallel_loop3A_630 = arith.constant 1 : i32
            %parallel_loop3A_631 = arith.index_cast %parallel_loop3A_630 : i32 to index
            %parallel_loop3A_632 = arith.index_cast %parallel_loop3A_336 : i32 to index
            %parallel_loop3A_633 = arith.constant 96 : index
            %parallel_loop3A_634 = tpu.vector_load %arg17[%parallel_loop3A_631, %parallel_loop3A_632, %parallel_loop3A_633] {strides = array<i32>} : memref<2x80x128xf32, #tpu.memory_space<vmem>>, vector<16xf32>,
            %parallel_loop3A_635 = arith.addf %parallel_loop3A_629, %parallel_loop3A_634 : vector<16xf32>
            %parallel_loop3A_636 = arith.mulf %parallel_loop3A_522, %parallel_loop3A_635 : vector<16xf32>
            %parallel_loop3A_637 = arith.constant 1 : i32
            %parallel_loop3A_638 = arith.index_cast %parallel_loop3A_637 : i32 to index
            %parallel_loop3A_639 = arith.index_cast %parallel_loop3A_336 : i32 to index
            %parallel_loop3A_640 = arith.constant 96 : index
            %parallel_loop3A_641 = tpu.vector_load %arg15[%parallel_loop3A_638, %parallel_loop3A_639, %parallel_loop3A_640] {strides = array<i32>} : memref<2x80x128xf32, #tpu.memory_space<vmem>>, vector<16xf32>,
            tpu.vector_store %arg15[%parallel_loop3A_638, %parallel_loop3A_639, %parallel_loop3A_640], %parallel_loop3A_636 {strides = array<i32>} : memref<2x80x128xf32, #tpu.memory_space<vmem>>, vector<16xf32>,
            %parallel_loop3A_642 = arith.constant 1 : i32
            %parallel_loop3A_643 = arith.index_cast %parallel_loop3A_642 : i32 to index
            %parallel_loop3A_644 = arith.index_cast %parallel_loop3A_336 : i32 to index
            %parallel_loop3A_645 = arith.constant 240 : index
            %parallel_loop3A_646 = tpu.vector_load %arg16[%parallel_loop3A_643, %parallel_loop3A_644, %parallel_loop3A_645] {strides = array<i32>} : memref<2x80x256xf32, #tpu.memory_space<vmem>>, vector<16xf32>,
            %parallel_loop3A_647 = arith.constant 1 : i32
            %parallel_loop3A_648 = arith.index_cast %parallel_loop3A_647 : i32 to index
            %parallel_loop3A_649 = arith.index_cast %parallel_loop3A_336 : i32 to index
            %parallel_loop3A_650 = arith.constant 112 : index
            %parallel_loop3A_651 = tpu.vector_load %arg17[%parallel_loop3A_648, %parallel_loop3A_649, %parallel_loop3A_650] {strides = array<i32>} : memref<2x80x128xf32, #tpu.memory_space<vmem>>, vector<16xf32>,
            %parallel_loop3A_652 = arith.addf %parallel_loop3A_646, %parallel_loop3A_651 : vector<16xf32>
            %parallel_loop3A_653 = arith.mulf %parallel_loop3A_522, %parallel_loop3A_652 : vector<16xf32>
            %parallel_loop3A_654 = arith.constant 1 : i32
            %parallel_loop3A_655 = arith.index_cast %parallel_loop3A_654 : i32 to index
            %parallel_loop3A_656 = arith.index_cast %parallel_loop3A_336 : i32 to index
            %parallel_loop3A_657 = arith.constant 112 : index
            %parallel_loop3A_658 = tpu.vector_load %arg15[%parallel_loop3A_655, %parallel_loop3A_656, %parallel_loop3A_657] {strides = array<i32>} : memref<2x80x128xf32, #tpu.memory_space<vmem>>, vector<16xf32>,
            tpu.vector_store %arg15[%parallel_loop3A_655, %parallel_loop3A_656, %parallel_loop3A_657], %parallel_loop3A_653 {strides = array<i32>} : memref<2x80x128xf32, #tpu.memory_space<vmem>>, vector<16xf32>,
            %parallel_loop3A_659 = arith.constant 0 : i32
            %parallel_loop3A_660 = vector.broadcast %parallel_loop3A_659 : i32 to vector<16xi32>
            %parallel_loop3A_661 = arith.cmpi eq, %iota3A, %parallel_loop3A_660 : vector<16xi32>
            %parallel_loop3A_662 = arith.constant 0.000000e+00 : f32
            %parallel_loop3A_663 = vector.broadcast %parallel_loop3A_662 : f32 to vector<16xf32>
            %parallel_loop3A_664 = arith.select %parallel_loop3A_661, %parallel_loop3A_390, %parallel_loop3A_663 : vector<16xi1>, vector<16xf32>
            %parallel_loop3A_665 = arith.constant 1 : i32
            %parallel_loop3A_666 = vector.broadcast %parallel_loop3A_665 : i32 to vector<16xi32>
            %parallel_loop3A_667 = arith.cmpi eq, %iota3A, %parallel_loop3A_666 : vector<16xi32>
            %parallel_loop3A_668 = arith.constant 0.000000e+00 : f32
            %parallel_loop3A_669 = vector.broadcast %parallel_loop3A_668 : f32 to vector<16xf32>
            %parallel_loop3A_670 = arith.select %parallel_loop3A_667, %parallel_loop3A_434, %parallel_loop3A_669 : vector<16xi1>, vector<16xf32>
            %parallel_loop3A_671 = arith.addf %parallel_loop3A_664, %parallel_loop3A_670 : vector<16xf32>
            %parallel_loop3A_672 = arith.constant 2 : i32
            %parallel_loop3A_673 = vector.broadcast %parallel_loop3A_672 : i32 to vector<16xi32>
            %parallel_loop3A_674 = arith.cmpi eq, %iota3A, %parallel_loop3A_673 : vector<16xi32>
            %parallel_loop3A_675 = arith.constant 0.000000e+00 : f32
            %parallel_loop3A_676 = vector.broadcast %parallel_loop3A_675 : f32 to vector<16xf32>
            %parallel_loop3A_677 = arith.select %parallel_loop3A_674, %parallel_loop3A_478, %parallel_loop3A_676 : vector<16xi1>, vector<16xf32>
            %parallel_loop3A_678 = arith.addf %parallel_loop3A_671, %parallel_loop3A_677 : vector<16xf32>
            %parallel_loop3A_679 = arith.constant 3 : i32
            %parallel_loop3A_680 = vector.broadcast %parallel_loop3A_679 : i32 to vector<16xi32>
            %parallel_loop3A_681 = arith.cmpi eq, %iota3A, %parallel_loop3A_680 : vector<16xi32>
            %parallel_loop3A_682 = arith.constant 0.000000e+00 : f32
            %parallel_loop3A_683 = vector.broadcast %parallel_loop3A_682 : f32 to vector<16xf32>
            %parallel_loop3A_684 = arith.select %parallel_loop3A_681, %parallel_loop3A_522, %parallel_loop3A_683 : vector<16xi1>, vector<16xf32>
            %parallel_loop3A_685 = arith.addf %parallel_loop3A_678, %parallel_loop3A_684 : vector<16xf32>
            %parallel_loop3A_686 = arith.index_cast %parallel_loop3A_336 : i32 to index
            %parallel_loop3A_687 = arith.constant 0 : index
            %parallel_loop3A_688 = tpu.vector_load %arg18[%parallel_loop3A_686, %parallel_loop3A_687] {strides = array<i32>} : memref<80x16xf32, #tpu.memory_space<vmem>>, vector<16xf32>,
            tpu.vector_store %arg18[%parallel_loop3A_686, %parallel_loop3A_687], %parallel_loop3A_685 {strides = array<i32>} : memref<80x16xf32, #tpu.memory_space<vmem>>, vector<16xf32>,
          } {sc.loop_unroll_factor = 4 : i64, sc.parallel_access}
          %run_scoped3A = arith.constant 1 : i32
          "tpu.region"() ({
            %run_scoped3A_336 = tpu.sem_alloc : memref<!tpu.dma_semaphore, #tpu.memory_space<semaphore_mem>>
            %dma_start3A_337 = arith.constant 0 : i32
            %dma_start3A_338 = arith.constant 0 : i32
            %dma_start3A_339 = tpu.memref_slice %arg15[%run_scoped3A, %dma_start3A_337, %dma_start3A_338] : memref<2x80x128xf32, #tpu.memory_space<vmem>> -> memref<1x80x128xf32, #tpu.memory_space<vmem>>
            %dma_start3A_340 = tpu.memref_squeeze %dma_start3A_339 : memref<1x80x128xf32, #tpu.memory_space<vmem>> -> memref<80x128xf32, #tpu.memory_space<vmem>>
            %dma_start3A_341 = arith.constant 0 : i32
            %dma_start3A_342 = arith.constant 0 : i32
            %dma_start3A_343 = tpu.memref_slice %arg11[%dma_start3A_341, %dma_start3A_342] : memref<2688x128xf32, #tpu.memory_space<vmem_shared>> -> memref<2688x128xf32, #tpu.memory_space<vmem_shared>>
            tpu.enqueue_indirect_dma source(%dma_start3A_340 : memref<80x128xf32, #tpu.memory_space<vmem>>) target(%dma_start3A_343 : memref<2688x128xf32, #tpu.memory_space<vmem_shared>>) offsets(%arg19 : memref<80xi32, #tpu.memory_space<vmem>>) semaphore(%run_scoped3A_336 : memref<!tpu.dma_semaphore, #tpu.memory_space<semaphore_mem>>) {add = true}
            %dma_wait3A_344 = arith.constant 0 : i32
            %dma_wait3A_345 = arith.constant 0 : i32
            %dma_wait3A_346 = tpu.memref_slice %arg15[%run_scoped3A, %dma_wait3A_344, %dma_wait3A_345] : memref<2x80x128xf32, #tpu.memory_space<vmem>> -> memref<1x80x128xf32, #tpu.memory_space<vmem>>
            %dma_wait3A_347 = tpu.memref_squeeze %dma_wait3A_346 : memref<1x80x128xf32, #tpu.memory_space<vmem>> -> memref<80x128xf32, #tpu.memory_space<vmem>>
            %dma_wait3A_348 = arith.constant 0 : i32
            %dma_wait3A_349 = arith.constant 0 : i32
            %dma_wait3A_350 = tpu.memref_slice %arg11[%dma_wait3A_348, %dma_wait3A_349] : memref<2688x128xf32, #tpu.memory_space<vmem_shared>> -> memref<2688x128xf32, #tpu.memory_space<vmem_shared>>
            tpu.wait_indirect_dma semaphore(%run_scoped3A_336 : memref<!tpu.dma_semaphore, #tpu.memory_space<semaphore_mem>>) src(%dma_wait3A_347 : memref<80x128xf32, #tpu.memory_space<vmem>>) dst(%dma_wait3A_350 : memref<2688x128xf32, #tpu.memory_space<vmem_shared>>)
            tpu.yield
          }) : () -> ()
          "tpu.region"() ({
            %run_scoped3A_336 = tpu.sem_alloc : memref<!tpu.dma_semaphore, #tpu.memory_space<semaphore_mem>>
            %dma_start3A_337 = arith.constant 0 : i32
            %dma_start3A_338 = arith.constant 0 : i32
            %dma_start3A_339 = tpu.memref_slice %arg12[%dma_start3A_337, %dma_start3A_338] : memref<2688x16xf32, #tpu.memory_space<vmem_shared>> -> memref<2688x16xf32, #tpu.memory_space<vmem_shared>>
            tpu.enqueue_indirect_dma source(%arg18 : memref<80x16xf32, #tpu.memory_space<vmem>>) target(%dma_start3A_339 : memref<2688x16xf32, #tpu.memory_space<vmem_shared>>) offsets(%arg19 : memref<80xi32, #tpu.memory_space<vmem>>) semaphore(%run_scoped3A_336 : memref<!tpu.dma_semaphore, #tpu.memory_space<semaphore_mem>>) {add = true}
            %dma_wait3A_340 = arith.constant 0 : i32
            %dma_wait3A_341 = arith.constant 0 : i32
            %dma_wait3A_342 = tpu.memref_slice %arg12[%dma_wait3A_340, %dma_wait3A_341] : memref<2688x16xf32, #tpu.memory_space<vmem_shared>> -> memref<2688x16xf32, #tpu.memory_space<vmem_shared>>
            tpu.wait_indirect_dma semaphore(%run_scoped3A_336 : memref<!tpu.dma_semaphore, #tpu.memory_space<semaphore_mem>>) src(%arg18 : memref<80x16xf32, #tpu.memory_space<vmem>>) dst(%dma_wait3A_342 : memref<2688x16xf32, #tpu.memory_space<vmem_shared>>)
            tpu.yield
          }) : () -> ()
        } else {
        }
      }
      %scan3A_65 = arith.constant 62 : i32
      %get3A_66 = arith.constant 124 : i32
      %get3A_67 = arith.index_cast %get3A_66 : i32 to index
      %get3A_68 = arith.constant 0 : index
      %get3A_69 = tpu.vector_load %arg14[%get3A_67, %get3A_68] {strides = array<i32>} : memref<125x80xi32, #tpu.memory_space<vmem>>, vector<16xi32>,
      %slice3A_70 = vector.extract_strided_slice %get3A_69 {offsets = [0], sizes = [1], strides = [1]} : vector<16xi32> to vector<1xi32>
      %squeeze3A_71 = vector.extract %slice3A_70[0] : i32 from vector<1xi32>
      %get3A_72 = arith.constant 124 : i32
      %get3A_73 = arith.index_cast %get3A_72 : i32 to index
      %get3A_74 = arith.constant 64 : index
      %get3A_75 = tpu.vector_load %arg14[%get3A_73, %get3A_74] {strides = array<i32>} : memref<125x80xi32, #tpu.memory_space<vmem>>, vector<16xi32>,
      %slice3A_76 = vector.extract_strided_slice %get3A_75 {offsets = [15], sizes = [1], strides = [1]} : vector<16xi32> to vector<1xi32>
      %squeeze3A_77 = vector.extract %slice3A_76[0] : i32 from vector<1xi32>
      %add3A_78 = arith.constant 2560 : i32
      %add3A_79 = arith.addi %mul3A_35, %add3A_78 : i32
      %lt3A_80 = arith.cmpi slt, %squeeze3A_71, %add3A_79 : i32
      %ge3A_81 = arith.cmpi sge, %squeeze3A_77, %mul3A_35 : i32
      %and3A_82 = arith.andi %lt3A_80, %ge3A_81 : i1
      %convert_element_type3A_83 = arith.extui %and3A_82 : i1 to i32
      %cond3A_84 = arith.constant 0 : i32
      %cond3A_85 = arith.cmpi ne, %convert_element_type3A_83, %cond3A_84 : i32
      scf.if %cond3A_85 {
        %dma_wait3A_116 = arith.constant 124 : i32
        %dma_wait3A_117 = arith.constant 0 : i32
        %dma_wait3A_118 = arith.constant 0 : i32
        %dma_wait3A_119 = arith.constant 0 : i32
        %dma_wait3A_120 = tpu.memref_slice %arg15[%dma_wait3A_117, %dma_wait3A_118, %dma_wait3A_119] : memref<2x80x128xf32, #tpu.memory_space<vmem>> -> memref<1x80x128xf32, #tpu.memory_space<vmem>>
        %dma_wait3A_121 = tpu.memref_squeeze %dma_wait3A_120 : memref<1x80x128xf32, #tpu.memory_space<vmem>> -> memref<80x128xf32, #tpu.memory_space<vmem>>
        %dma_wait3A_122 = arith.constant 0 : i32
        %dma_wait3A_123 = tpu.memref_slice %arg14[%dma_wait3A_116, %dma_wait3A_122] : memref<125x80xi32, #tpu.memory_space<vmem>> -> memref<1x80xi32, #tpu.memory_space<vmem>>
        %dma_wait3A_124 = tpu.memref_squeeze %dma_wait3A_123 : memref<1x80xi32, #tpu.memory_space<vmem>> -> memref<80xi32, #tpu.memory_space<vmem>>
        %dma_wait3A_125 = arith.constant 0 : i32
        %dma_wait3A_126 = arith.constant 0 : i32
        %dma_wait3A_127 = tpu.memref_slice %arg2[%dma_wait3A_125, %dma_wait3A_126] : memref<10000x128xf32, #tpu.memory_space<hbm>> -> memref<10000x128xf32, #tpu.memory_space<hbm>>
        tpu.wait_indirect_dma semaphore(%arg20 : memref<!tpu.dma_semaphore, #tpu.memory_space<semaphore_mem>>) src(%dma_wait3A_127 : memref<10000x128xf32, #tpu.memory_space<hbm>>) dst(%dma_wait3A_121 : memref<80x128xf32, #tpu.memory_space<vmem>>)
        %dma_wait3A_128 = arith.constant 124 : i32
        %dma_wait3A_129 = arith.constant 0 : i32
        %dma_wait3A_130 = arith.constant 0 : i32
        %dma_wait3A_131 = arith.constant 0 : i32
        %dma_wait3A_132 = tpu.memref_slice %arg16[%dma_wait3A_129, %dma_wait3A_130, %dma_wait3A_131] : memref<2x80x256xf32, #tpu.memory_space<vmem>> -> memref<1x80x256xf32, #tpu.memory_space<vmem>>
        %dma_wait3A_133 = tpu.memref_squeeze %dma_wait3A_132 : memref<1x80x256xf32, #tpu.memory_space<vmem>> -> memref<80x256xf32, #tpu.memory_space<vmem>>
        %dma_wait3A_134 = arith.constant 0 : i32
        %dma_wait3A_135 = tpu.memref_slice %arg13[%dma_wait3A_128, %dma_wait3A_134] : memref<125x80xi32, #tpu.memory_space<vmem>> -> memref<1x80xi32, #tpu.memory_space<vmem>>
        %dma_wait3A_136 = tpu.memref_squeeze %dma_wait3A_135 : memref<1x80xi32, #tpu.memory_space<vmem>> -> memref<80xi32, #tpu.memory_space<vmem>>
        %dma_wait3A_137 = arith.constant 0 : i32
        %dma_wait3A_138 = arith.constant 0 : i32
        %dma_wait3A_139 = tpu.memref_slice %arg3[%dma_wait3A_137, %dma_wait3A_138] : memref<10000x256xf32, #tpu.memory_space<hbm>> -> memref<10000x256xf32, #tpu.memory_space<hbm>>
        tpu.wait_indirect_dma semaphore(%arg20 : memref<!tpu.dma_semaphore, #tpu.memory_space<semaphore_mem>>) src(%dma_wait3A_139 : memref<10000x256xf32, #tpu.memory_space<hbm>>) dst(%dma_wait3A_133 : memref<80x256xf32, #tpu.memory_space<vmem>>)
        %add3A_140 = arith.constant 124 : i32
        %add3A_141 = arith.addi %mul3A_2, %add3A_140 : i32
        %mul3A_142 = arith.constant 80 : i32
        %mul3A_143 = arith.muli %add3A_141, %mul3A_142 : i32
        %dma_wait3A_144 = arith.constant 0 : i32
        %dma_wait3A_145 = arith.constant 0 : i32
        %dma_wait3A_146 = arith.constant 0 : i32
        %dma_wait3A_147 = tpu.memref_slice %arg17[%dma_wait3A_144, %dma_wait3A_145, %dma_wait3A_146] : memref<2x80x128xf32, #tpu.memory_space<vmem>> -> memref<1x80x128xf32, #tpu.memory_space<vmem>>
        %dma_wait3A_148 = tpu.memref_squeeze %dma_wait3A_147 : memref<1x80x128xf32, #tpu.memory_space<vmem>> -> memref<80x128xf32, #tpu.memory_space<vmem>>
        %dma_wait3A_149 = arith.constant 0 : i32
        %dma_wait3A_150 = tpu.memref_slice %arg4[%mul3A_143, %dma_wait3A_149] : memref<320000x128xf32, #tpu.memory_space<hbm>> -> memref<80x128xf32, #tpu.memory_space<hbm>>
        %dma_wait3A_151 = arith.constant 0 : i32
        %dma_wait3A_152 = arith.constant 0 : i32
        %dma_wait3A_153 = tpu.memref_slice %arg17[%dma_wait3A_144, %dma_wait3A_151, %dma_wait3A_152] : memref<2x80x128xf32, #tpu.memory_space<vmem>> -> memref<1x80x128xf32, #tpu.memory_space<vmem>>
        %dma_wait3A_154 = tpu.memref_squeeze %dma_wait3A_153 : memref<1x80x128xf32, #tpu.memory_space<vmem>> -> memref<80x128xf32, #tpu.memory_space<vmem>>
        %dma_wait3A_155 = arith.constant 0 : i32
        %dma_wait3A_156 = tpu.memref_slice %arg4[%mul3A_143, %dma_wait3A_155] : memref<320000x128xf32, #tpu.memory_space<hbm>> -> memref<80x128xf32, #tpu.memory_space<hbm>>
        tpu.wait_dma2 semaphore(%arg20 : memref<!tpu.dma_semaphore, #tpu.memory_space<semaphore_mem>>) src(%dma_wait3A_156 : memref<80x128xf32, #tpu.memory_space<hbm>>) dst(%dma_wait3A_154 : memref<80x128xf32, #tpu.memory_space<vmem>>)
        %get3A_157 = arith.constant 124 : i32
        %get3A_158 = arith.index_cast %get3A_157 : i32 to index
        %get3A_159 = arith.constant 0 : index
        %get3A_160 = tpu.vector_load %arg14[%get3A_158, %get3A_159] {strides = array<i32>} : memref<125x80xi32, #tpu.memory_space<vmem>>, vector<16xi32>,
        %sub3A = vector.broadcast %mul3A_35 : i32 to vector<16xi32>
        %sub3A_161 = arith.subi %get3A_160, %sub3A : vector<16xi32>
        %add3A_162 = arith.constant 8 : i32
        %add3A_163 = vector.broadcast %add3A_162 : i32 to vector<16xi32>
        %add3A_164 = arith.addi %sub3A_161, %add3A_163 : vector<16xi32>
        %ge3A_165 = arith.constant 8 : i32
        %ge3A_166 = vector.broadcast %ge3A_165 : i32 to vector<16xi32>
        %ge3A_167 = arith.cmpi sge, %add3A_164, %ge3A_166 : vector<16xi32>
        %lt3A_168 = arith.constant 2568 : i32
        %lt3A_169 = vector.broadcast %lt3A_168 : i32 to vector<16xi32>
        %lt3A_170 = arith.cmpi slt, %add3A_164, %lt3A_169 : vector<16xi32>
        %and3A_171 = arith.andi %ge3A_167, %lt3A_170 : vector<16xi1>
        %jit3A = arith.constant 0 : i32
        %broadcast_in_dim3A = vector.broadcast %jit3A : i32 to vector<16xi32>
        %select_n3A = arith.select %and3A_171, %add3A_164, %broadcast_in_dim3A : vector<16xi1>, vector<16xi32>
        %swap3A = arith.constant 0 : index
        %swap3A_172 = tpu.vector_load %arg19[%swap3A] {strides = array<i32>} : memref<80xi32, #tpu.memory_space<vmem>>, vector<16xi32>,
        tpu.vector_store %arg19[%swap3A], %select_n3A {strides = array<i32>} : memref<80xi32, #tpu.memory_space<vmem>>, vector<16xi32>,
        %get3A_173 = arith.constant 124 : i32
        %get3A_174 = arith.index_cast %get3A_173 : i32 to index
        %get3A_175 = arith.constant 16 : index
        %get3A_176 = tpu.vector_load %arg14[%get3A_174, %get3A_175] {strides = array<i32>} : memref<125x80xi32, #tpu.memory_space<vmem>>, vector<16xi32>,
        %sub3A_177 = vector.broadcast %mul3A_35 : i32 to vector<16xi32>
        %sub3A_178 = arith.subi %get3A_176, %sub3A_177 : vector<16xi32>
        %add3A_179 = arith.constant 8 : i32
        %add3A_180 = vector.broadcast %add3A_179 : i32 to vector<16xi32>
        %add3A_181 = arith.addi %sub3A_178, %add3A_180 : vector<16xi32>
        %ge3A_182 = arith.constant 8 : i32
        %ge3A_183 = vector.broadcast %ge3A_182 : i32 to vector<16xi32>
        %ge3A_184 = arith.cmpi sge, %add3A_181, %ge3A_183 : vector<16xi32>
        %lt3A_185 = arith.constant 2568 : i32
        %lt3A_186 = vector.broadcast %lt3A_185 : i32 to vector<16xi32>
        %lt3A_187 = arith.cmpi slt, %add3A_181, %lt3A_186 : vector<16xi32>
        %and3A_188 = arith.andi %ge3A_184, %lt3A_187 : vector<16xi1>
        %jit3A_189 = arith.constant 0 : i32
        %broadcast_in_dim3A_190 = vector.broadcast %jit3A_189 : i32 to vector<16xi32>
        %select_n3A_191 = arith.select %and3A_188, %add3A_181, %broadcast_in_dim3A_190 : vector<16xi1>, vector<16xi32>
        %swap3A_192 = arith.constant 16 : index
        %swap3A_193 = tpu.vector_load %arg19[%swap3A_192] {strides = array<i32>} : memref<80xi32, #tpu.memory_space<vmem>>, vector<16xi32>,
        tpu.vector_store %arg19[%swap3A_192], %select_n3A_191 {strides = array<i32>} : memref<80xi32, #tpu.memory_space<vmem>>, vector<16xi32>,
        %get3A_194 = arith.constant 124 : i32
        %get3A_195 = arith.index_cast %get3A_194 : i32 to index
        %get3A_196 = arith.constant 32 : index
        %get3A_197 = tpu.vector_load %arg14[%get3A_195, %get3A_196] {strides = array<i32>} : memref<125x80xi32, #tpu.memory_space<vmem>>, vector<16xi32>,
        %sub3A_198 = vector.broadcast %mul3A_35 : i32 to vector<16xi32>
        %sub3A_199 = arith.subi %get3A_197, %sub3A_198 : vector<16xi32>
        %add3A_200 = arith.constant 8 : i32
        %add3A_201 = vector.broadcast %add3A_200 : i32 to vector<16xi32>
        %add3A_202 = arith.addi %sub3A_199, %add3A_201 : vector<16xi32>
        %ge3A_203 = arith.constant 8 : i32
        %ge3A_204 = vector.broadcast %ge3A_203 : i32 to vector<16xi32>
        %ge3A_205 = arith.cmpi sge, %add3A_202, %ge3A_204 : vector<16xi32>
        %lt3A_206 = arith.constant 2568 : i32
        %lt3A_207 = vector.broadcast %lt3A_206 : i32 to vector<16xi32>
        %lt3A_208 = arith.cmpi slt, %add3A_202, %lt3A_207 : vector<16xi32>
        %and3A_209 = arith.andi %ge3A_205, %lt3A_208 : vector<16xi1>
        %jit3A_210 = arith.constant 0 : i32
        %broadcast_in_dim3A_211 = vector.broadcast %jit3A_210 : i32 to vector<16xi32>
        %select_n3A_212 = arith.select %and3A_209, %add3A_202, %broadcast_in_dim3A_211 : vector<16xi1>, vector<16xi32>
        %swap3A_213 = arith.constant 32 : index
        %swap3A_214 = tpu.vector_load %arg19[%swap3A_213] {strides = array<i32>} : memref<80xi32, #tpu.memory_space<vmem>>, vector<16xi32>,
        tpu.vector_store %arg19[%swap3A_213], %select_n3A_212 {strides = array<i32>} : memref<80xi32, #tpu.memory_space<vmem>>, vector<16xi32>,
        %get3A_215 = arith.constant 124 : i32
        %get3A_216 = arith.index_cast %get3A_215 : i32 to index
        %get3A_217 = arith.constant 48 : index
        %get3A_218 = tpu.vector_load %arg14[%get3A_216, %get3A_217] {strides = array<i32>} : memref<125x80xi32, #tpu.memory_space<vmem>>, vector<16xi32>,
        %sub3A_219 = vector.broadcast %mul3A_35 : i32 to vector<16xi32>
        %sub3A_220 = arith.subi %get3A_218, %sub3A_219 : vector<16xi32>
        %add3A_221 = arith.constant 8 : i32
        %add3A_222 = vector.broadcast %add3A_221 : i32 to vector<16xi32>
        %add3A_223 = arith.addi %sub3A_220, %add3A_222 : vector<16xi32>
        %ge3A_224 = arith.constant 8 : i32
        %ge3A_225 = vector.broadcast %ge3A_224 : i32 to vector<16xi32>
        %ge3A_226 = arith.cmpi sge, %add3A_223, %ge3A_225 : vector<16xi32>
        %lt3A_227 = arith.constant 2568 : i32
        %lt3A_228 = vector.broadcast %lt3A_227 : i32 to vector<16xi32>
        %lt3A_229 = arith.cmpi slt, %add3A_223, %lt3A_228 : vector<16xi32>
        %and3A_230 = arith.andi %ge3A_226, %lt3A_229 : vector<16xi1>
        %jit3A_231 = arith.constant 0 : i32
        %broadcast_in_dim3A_232 = vector.broadcast %jit3A_231 : i32 to vector<16xi32>
        %select_n3A_233 = arith.select %and3A_230, %add3A_223, %broadcast_in_dim3A_232 : vector<16xi1>, vector<16xi32>
        %swap3A_234 = arith.constant 48 : index
        %swap3A_235 = tpu.vector_load %arg19[%swap3A_234] {strides = array<i32>} : memref<80xi32, #tpu.memory_space<vmem>>, vector<16xi32>,
        tpu.vector_store %arg19[%swap3A_234], %select_n3A_233 {strides = array<i32>} : memref<80xi32, #tpu.memory_space<vmem>>, vector<16xi32>,
        %get3A_236 = arith.constant 124 : i32
        %get3A_237 = arith.index_cast %get3A_236 : i32 to index
        %get3A_238 = arith.constant 64 : index
        %get3A_239 = tpu.vector_load %arg14[%get3A_237, %get3A_238] {strides = array<i32>} : memref<125x80xi32, #tpu.memory_space<vmem>>, vector<16xi32>,
        %sub3A_240 = vector.broadcast %mul3A_35 : i32 to vector<16xi32>
        %sub3A_241 = arith.subi %get3A_239, %sub3A_240 : vector<16xi32>
        %add3A_242 = arith.constant 8 : i32
        %add3A_243 = vector.broadcast %add3A_242 : i32 to vector<16xi32>
        %add3A_244 = arith.addi %sub3A_241, %add3A_243 : vector<16xi32>
        %ge3A_245 = arith.constant 8 : i32
        %ge3A_246 = vector.broadcast %ge3A_245 : i32 to vector<16xi32>
        %ge3A_247 = arith.cmpi sge, %add3A_244, %ge3A_246 : vector<16xi32>
        %lt3A_248 = arith.constant 2568 : i32
        %lt3A_249 = vector.broadcast %lt3A_248 : i32 to vector<16xi32>
        %lt3A_250 = arith.cmpi slt, %add3A_244, %lt3A_249 : vector<16xi32>
        %and3A_251 = arith.andi %ge3A_247, %lt3A_250 : vector<16xi1>
        %jit3A_252 = arith.constant 0 : i32
        %broadcast_in_dim3A_253 = vector.broadcast %jit3A_252 : i32 to vector<16xi32>
        %select_n3A_254 = arith.select %and3A_251, %add3A_244, %broadcast_in_dim3A_253 : vector<16xi1>, vector<16xi32>
        %swap3A_255 = arith.constant 64 : index
        %swap3A_256 = tpu.vector_load %arg19[%swap3A_255] {strides = array<i32>} : memref<80xi32, #tpu.memory_space<vmem>>, vector<16xi32>,
        tpu.vector_store %arg19[%swap3A_255], %select_n3A_254 {strides = array<i32>} : memref<80xi32, #tpu.memory_space<vmem>>, vector<16xi32>,
        %parallel_loop3A = arith.constant 0 : i32
        %parallel_loop3A_257 = arith.constant 80 : i32
        %parallel_loop3A_258 = arith.constant 1 : i32
        scf.for %parallel_loop3A_259 = %parallel_loop3A to %parallel_loop3A_257 step %parallel_loop3A_258  : i32 {
          %parallel_loop3A_260 = vector.broadcast %parallel_loop3A_259 : i32 to vector<16xi32>
          %parallel_loop3A_261 = tpu.vector_load_idx %arg19[%parallel_loop3A_260] : memref<80xi32, #tpu.memory_space<vmem>>[vector<16xi32>], vector<16xi32>,
          %parallel_loop3A_262 = arith.constant 0 : i32
          %parallel_loop3A_263 = vector.broadcast %parallel_loop3A_262 : i32 to vector<16xi32>
          %parallel_loop3A_264 = arith.cmpi sgt, %parallel_loop3A_261, %parallel_loop3A_263 : vector<16xi32>
          %parallel_loop3A_265 = arith.constant 1.000000e+00 : f32
          %parallel_loop3A_266 = arith.constant 0.000000e+00 : f32
          %parallel_loop3A_267 = vector.broadcast %parallel_loop3A_265 : f32 to vector<16xf32>
          %parallel_loop3A_268 = vector.broadcast %parallel_loop3A_266 : f32 to vector<16xf32>
          %parallel_loop3A_269 = arith.select %parallel_loop3A_264, %parallel_loop3A_267, %parallel_loop3A_268 : vector<16xi1>, vector<16xf32>
          %parallel_loop3A_270 = arith.constant 0 : i32
          %parallel_loop3A_271 = arith.index_cast %parallel_loop3A_270 : i32 to index
          %parallel_loop3A_272 = arith.index_cast %parallel_loop3A_259 : i32 to index
          %parallel_loop3A_273 = arith.constant 0 : index
          %parallel_loop3A_274 = tpu.vector_load %arg15[%parallel_loop3A_271, %parallel_loop3A_272, %parallel_loop3A_273] {strides = array<i32>} : memref<2x80x128xf32, #tpu.memory_space<vmem>>, vector<16xf32>,
          %parallel_loop3A_275 = arith.constant 0 : i32
          %parallel_loop3A_276 = arith.index_cast %parallel_loop3A_275 : i32 to index
          %parallel_loop3A_277 = arith.index_cast %parallel_loop3A_259 : i32 to index
          %parallel_loop3A_278 = arith.constant 0 : index
          %parallel_loop3A_279 = tpu.vector_load %arg16[%parallel_loop3A_276, %parallel_loop3A_277, %parallel_loop3A_278] {strides = array<i32>} : memref<2x80x256xf32, #tpu.memory_space<vmem>>, vector<16xf32>,
          %parallel_loop3A_280 = arith.mulf %parallel_loop3A_274, %parallel_loop3A_279 : vector<16xf32>
          %parallel_loop3A_281 = arith.constant 0 : i32
          %parallel_loop3A_282 = arith.index_cast %parallel_loop3A_281 : i32 to index
          %parallel_loop3A_283 = arith.index_cast %parallel_loop3A_259 : i32 to index
          %parallel_loop3A_284 = arith.constant 16 : index
          %parallel_loop3A_285 = tpu.vector_load %arg15[%parallel_loop3A_282, %parallel_loop3A_283, %parallel_loop3A_284] {strides = array<i32>} : memref<2x80x128xf32, #tpu.memory_space<vmem>>, vector<16xf32>,
          %parallel_loop3A_286 = arith.constant 0 : i32
          %parallel_loop3A_287 = arith.index_cast %parallel_loop3A_286 : i32 to index
          %parallel_loop3A_288 = arith.index_cast %parallel_loop3A_259 : i32 to index
          %parallel_loop3A_289 = arith.constant 16 : index
          %parallel_loop3A_290 = tpu.vector_load %arg16[%parallel_loop3A_287, %parallel_loop3A_288, %parallel_loop3A_289] {strides = array<i32>} : memref<2x80x256xf32, #tpu.memory_space<vmem>>, vector<16xf32>,
          %parallel_loop3A_291 = arith.mulf %parallel_loop3A_285, %parallel_loop3A_290 : vector<16xf32>
          %parallel_loop3A_292 = arith.addf %parallel_loop3A_280, %parallel_loop3A_291 : vector<16xf32>
          %parallel_loop3A_293 = vector.shape_cast %xor3A_18 : vector<16xi32> to vector<16x1xi32>
          %parallel_loop3A_294 = vector.shape_cast %parallel_loop3A_293 : vector<16x1xi32> to vector<16xi32>
          %parallel_loop3A_295 = tpu.dynamic_gather %parallel_loop3A_292[%parallel_loop3A_294] in [0] : vector<16xf32>, vector<16xi32> -> vector<16xf32>
          %parallel_loop3A_296 = arith.addf %parallel_loop3A_292, %parallel_loop3A_295 : vector<16xf32>
          %parallel_loop3A_297 = vector.shape_cast %xor3A_21 : vector<16xi32> to vector<16x1xi32>
          %parallel_loop3A_298 = vector.shape_cast %parallel_loop3A_297 : vector<16x1xi32> to vector<16xi32>
          %parallel_loop3A_299 = tpu.dynamic_gather %parallel_loop3A_296[%parallel_loop3A_298] in [0] : vector<16xf32>, vector<16xi32> -> vector<16xf32>
          %parallel_loop3A_300 = arith.addf %parallel_loop3A_296, %parallel_loop3A_299 : vector<16xf32>
          %parallel_loop3A_301 = vector.shape_cast %xor3A_24 : vector<16xi32> to vector<16x1xi32>
          %parallel_loop3A_302 = vector.shape_cast %parallel_loop3A_301 : vector<16x1xi32> to vector<16xi32>
          %parallel_loop3A_303 = tpu.dynamic_gather %parallel_loop3A_300[%parallel_loop3A_302] in [0] : vector<16xf32>, vector<16xi32> -> vector<16xf32>
          %parallel_loop3A_304 = arith.addf %parallel_loop3A_300, %parallel_loop3A_303 : vector<16xf32>
          %parallel_loop3A_305 = vector.shape_cast %xor3A_27 : vector<16xi32> to vector<16x1xi32>
          %parallel_loop3A_306 = vector.shape_cast %parallel_loop3A_305 : vector<16x1xi32> to vector<16xi32>
          %parallel_loop3A_307 = tpu.dynamic_gather %parallel_loop3A_304[%parallel_loop3A_306] in [0] : vector<16xf32>, vector<16xi32> -> vector<16xf32>
          %parallel_loop3A_308 = arith.addf %parallel_loop3A_304, %parallel_loop3A_307 : vector<16xf32>
          %parallel_loop3A_309 = arith.constant 0.176776692 : f32
          %parallel_loop3A_310 = vector.broadcast %parallel_loop3A_309 : f32 to vector<16xf32>
          %parallel_loop3A_311 = arith.mulf %parallel_loop3A_308, %parallel_loop3A_310 : vector<16xf32>
          %parallel_loop3A_312 = math.exp %parallel_loop3A_311 : vector<16xf32>
          %parallel_loop3A_313 = arith.mulf %parallel_loop3A_312, %parallel_loop3A_269 : vector<16xf32>
          %parallel_loop3A_314 = arith.constant 0 : i32
          %parallel_loop3A_315 = arith.index_cast %parallel_loop3A_314 : i32 to index
          %parallel_loop3A_316 = arith.index_cast %parallel_loop3A_259 : i32 to index
          %parallel_loop3A_317 = arith.constant 32 : index
          %parallel_loop3A_318 = tpu.vector_load %arg15[%parallel_loop3A_315, %parallel_loop3A_316, %parallel_loop3A_317] {strides = array<i32>} : memref<2x80x128xf32, #tpu.memory_space<vmem>>, vector<16xf32>,
          %parallel_loop3A_319 = arith.constant 0 : i32
          %parallel_loop3A_320 = arith.index_cast %parallel_loop3A_319 : i32 to index
          %parallel_loop3A_321 = arith.index_cast %parallel_loop3A_259 : i32 to index
          %parallel_loop3A_322 = arith.constant 32 : index
          %parallel_loop3A_323 = tpu.vector_load %arg16[%parallel_loop3A_320, %parallel_loop3A_321, %parallel_loop3A_322] {strides = array<i32>} : memref<2x80x256xf32, #tpu.memory_space<vmem>>, vector<16xf32>,
          %parallel_loop3A_324 = arith.mulf %parallel_loop3A_318, %parallel_loop3A_323 : vector<16xf32>
          %parallel_loop3A_325 = arith.constant 0 : i32
          %parallel_loop3A_326 = arith.index_cast %parallel_loop3A_325 : i32 to index
          %parallel_loop3A_327 = arith.index_cast %parallel_loop3A_259 : i32 to index
          %parallel_loop3A_328 = arith.constant 48 : index
          %parallel_loop3A_329 = tpu.vector_load %arg15[%parallel_loop3A_326, %parallel_loop3A_327, %parallel_loop3A_328] {strides = array<i32>} : memref<2x80x128xf32, #tpu.memory_space<vmem>>, vector<16xf32>,
          %parallel_loop3A_330 = arith.constant 0 : i32
          %parallel_loop3A_331 = arith.index_cast %parallel_loop3A_330 : i32 to index
          %parallel_loop3A_332 = arith.index_cast %parallel_loop3A_259 : i32 to index
          %parallel_loop3A_333 = arith.constant 48 : index
          %parallel_loop3A_334 = tpu.vector_load %arg16[%parallel_loop3A_331, %parallel_loop3A_332, %parallel_loop3A_333] {strides = array<i32>} : memref<2x80x256xf32, #tpu.memory_space<vmem>>, vector<16xf32>,
          %parallel_loop3A_335 = arith.mulf %parallel_loop3A_329, %parallel_loop3A_334 : vector<16xf32>
          %parallel_loop3A_336 = arith.addf %parallel_loop3A_324, %parallel_loop3A_335 : vector<16xf32>
          %parallel_loop3A_337 = vector.shape_cast %xor3A_18 : vector<16xi32> to vector<16x1xi32>
          %parallel_loop3A_338 = vector.shape_cast %parallel_loop3A_337 : vector<16x1xi32> to vector<16xi32>
          %parallel_loop3A_339 = tpu.dynamic_gather %parallel_loop3A_336[%parallel_loop3A_338] in [0] : vector<16xf32>, vector<16xi32> -> vector<16xf32>
          %parallel_loop3A_340 = arith.addf %parallel_loop3A_336, %parallel_loop3A_339 : vector<16xf32>
          %parallel_loop3A_341 = vector.shape_cast %xor3A_21 : vector<16xi32> to vector<16x1xi32>
          %parallel_loop3A_342 = vector.shape_cast %parallel_loop3A_341 : vector<16x1xi32> to vector<16xi32>
          %parallel_loop3A_343 = tpu.dynamic_gather %parallel_loop3A_340[%parallel_loop3A_342] in [0] : vector<16xf32>, vector<16xi32> -> vector<16xf32>
          %parallel_loop3A_344 = arith.addf %parallel_loop3A_340, %parallel_loop3A_343 : vector<16xf32>
          %parallel_loop3A_345 = vector.shape_cast %xor3A_24 : vector<16xi32> to vector<16x1xi32>
          %parallel_loop3A_346 = vector.shape_cast %parallel_loop3A_345 : vector<16x1xi32> to vector<16xi32>
          %parallel_loop3A_347 = tpu.dynamic_gather %parallel_loop3A_344[%parallel_loop3A_346] in [0] : vector<16xf32>, vector<16xi32> -> vector<16xf32>
          %parallel_loop3A_348 = arith.addf %parallel_loop3A_344, %parallel_loop3A_347 : vector<16xf32>
          %parallel_loop3A_349 = vector.shape_cast %xor3A_27 : vector<16xi32> to vector<16x1xi32>
          %parallel_loop3A_350 = vector.shape_cast %parallel_loop3A_349 : vector<16x1xi32> to vector<16xi32>
          %parallel_loop3A_351 = tpu.dynamic_gather %parallel_loop3A_348[%parallel_loop3A_350] in [0] : vector<16xf32>, vector<16xi32> -> vector<16xf32>
          %parallel_loop3A_352 = arith.addf %parallel_loop3A_348, %parallel_loop3A_351 : vector<16xf32>
          %parallel_loop3A_353 = arith.constant 0.176776692 : f32
          %parallel_loop3A_354 = vector.broadcast %parallel_loop3A_353 : f32 to vector<16xf32>
          %parallel_loop3A_355 = arith.mulf %parallel_loop3A_352, %parallel_loop3A_354 : vector<16xf32>
          %parallel_loop3A_356 = math.exp %parallel_loop3A_355 : vector<16xf32>
          %parallel_loop3A_357 = arith.mulf %parallel_loop3A_356, %parallel_loop3A_269 : vector<16xf32>
          %parallel_loop3A_358 = arith.constant 0 : i32
          %parallel_loop3A_359 = arith.index_cast %parallel_loop3A_358 : i32 to index
          %parallel_loop3A_360 = arith.index_cast %parallel_loop3A_259 : i32 to index
          %parallel_loop3A_361 = arith.constant 64 : index
          %parallel_loop3A_362 = tpu.vector_load %arg15[%parallel_loop3A_359, %parallel_loop3A_360, %parallel_loop3A_361] {strides = array<i32>} : memref<2x80x128xf32, #tpu.memory_space<vmem>>, vector<16xf32>,
          %parallel_loop3A_363 = arith.constant 0 : i32
          %parallel_loop3A_364 = arith.index_cast %parallel_loop3A_363 : i32 to index
          %parallel_loop3A_365 = arith.index_cast %parallel_loop3A_259 : i32 to index
          %parallel_loop3A_366 = arith.constant 64 : index
          %parallel_loop3A_367 = tpu.vector_load %arg16[%parallel_loop3A_364, %parallel_loop3A_365, %parallel_loop3A_366] {strides = array<i32>} : memref<2x80x256xf32, #tpu.memory_space<vmem>>, vector<16xf32>,
          %parallel_loop3A_368 = arith.mulf %parallel_loop3A_362, %parallel_loop3A_367 : vector<16xf32>
          %parallel_loop3A_369 = arith.constant 0 : i32
          %parallel_loop3A_370 = arith.index_cast %parallel_loop3A_369 : i32 to index
          %parallel_loop3A_371 = arith.index_cast %parallel_loop3A_259 : i32 to index
          %parallel_loop3A_372 = arith.constant 80 : index
          %parallel_loop3A_373 = tpu.vector_load %arg15[%parallel_loop3A_370, %parallel_loop3A_371, %parallel_loop3A_372] {strides = array<i32>} : memref<2x80x128xf32, #tpu.memory_space<vmem>>, vector<16xf32>,
          %parallel_loop3A_374 = arith.constant 0 : i32
          %parallel_loop3A_375 = arith.index_cast %parallel_loop3A_374 : i32 to index
          %parallel_loop3A_376 = arith.index_cast %parallel_loop3A_259 : i32 to index
          %parallel_loop3A_377 = arith.constant 80 : index
          %parallel_loop3A_378 = tpu.vector_load %arg16[%parallel_loop3A_375, %parallel_loop3A_376, %parallel_loop3A_377] {strides = array<i32>} : memref<2x80x256xf32, #tpu.memory_space<vmem>>, vector<16xf32>,
          %parallel_loop3A_379 = arith.mulf %parallel_loop3A_373, %parallel_loop3A_378 : vector<16xf32>
          %parallel_loop3A_380 = arith.addf %parallel_loop3A_368, %parallel_loop3A_379 : vector<16xf32>
          %parallel_loop3A_381 = vector.shape_cast %xor3A_18 : vector<16xi32> to vector<16x1xi32>
          %parallel_loop3A_382 = vector.shape_cast %parallel_loop3A_381 : vector<16x1xi32> to vector<16xi32>
          %parallel_loop3A_383 = tpu.dynamic_gather %parallel_loop3A_380[%parallel_loop3A_382] in [0] : vector<16xf32>, vector<16xi32> -> vector<16xf32>
          %parallel_loop3A_384 = arith.addf %parallel_loop3A_380, %parallel_loop3A_383 : vector<16xf32>
          %parallel_loop3A_385 = vector.shape_cast %xor3A_21 : vector<16xi32> to vector<16x1xi32>
          %parallel_loop3A_386 = vector.shape_cast %parallel_loop3A_385 : vector<16x1xi32> to vector<16xi32>
          %parallel_loop3A_387 = tpu.dynamic_gather %parallel_loop3A_384[%parallel_loop3A_386] in [0] : vector<16xf32>, vector<16xi32> -> vector<16xf32>
          %parallel_loop3A_388 = arith.addf %parallel_loop3A_384, %parallel_loop3A_387 : vector<16xf32>
          %parallel_loop3A_389 = vector.shape_cast %xor3A_24 : vector<16xi32> to vector<16x1xi32>
          %parallel_loop3A_390 = vector.shape_cast %parallel_loop3A_389 : vector<16x1xi32> to vector<16xi32>
          %parallel_loop3A_391 = tpu.dynamic_gather %parallel_loop3A_388[%parallel_loop3A_390] in [0] : vector<16xf32>, vector<16xi32> -> vector<16xf32>
          %parallel_loop3A_392 = arith.addf %parallel_loop3A_388, %parallel_loop3A_391 : vector<16xf32>
          %parallel_loop3A_393 = vector.shape_cast %xor3A_27 : vector<16xi32> to vector<16x1xi32>
          %parallel_loop3A_394 = vector.shape_cast %parallel_loop3A_393 : vector<16x1xi32> to vector<16xi32>
          %parallel_loop3A_395 = tpu.dynamic_gather %parallel_loop3A_392[%parallel_loop3A_394] in [0] : vector<16xf32>, vector<16xi32> -> vector<16xf32>
          %parallel_loop3A_396 = arith.addf %parallel_loop3A_392, %parallel_loop3A_395 : vector<16xf32>
          %parallel_loop3A_397 = arith.constant 0.176776692 : f32
          %parallel_loop3A_398 = vector.broadcast %parallel_loop3A_397 : f32 to vector<16xf32>
          %parallel_loop3A_399 = arith.mulf %parallel_loop3A_396, %parallel_loop3A_398 : vector<16xf32>
          %parallel_loop3A_400 = math.exp %parallel_loop3A_399 : vector<16xf32>
          %parallel_loop3A_401 = arith.mulf %parallel_loop3A_400, %parallel_loop3A_269 : vector<16xf32>
          %parallel_loop3A_402 = arith.constant 0 : i32
          %parallel_loop3A_403 = arith.index_cast %parallel_loop3A_402 : i32 to index
          %parallel_loop3A_404 = arith.index_cast %parallel_loop3A_259 : i32 to index
          %parallel_loop3A_405 = arith.constant 96 : index
          %parallel_loop3A_406 = tpu.vector_load %arg15[%parallel_loop3A_403, %parallel_loop3A_404, %parallel_loop3A_405] {strides = array<i32>} : memref<2x80x128xf32, #tpu.memory_space<vmem>>, vector<16xf32>,
          %parallel_loop3A_407 = arith.constant 0 : i32
          %parallel_loop3A_408 = arith.index_cast %parallel_loop3A_407 : i32 to index
          %parallel_loop3A_409 = arith.index_cast %parallel_loop3A_259 : i32 to index
          %parallel_loop3A_410 = arith.constant 96 : index
          %parallel_loop3A_411 = tpu.vector_load %arg16[%parallel_loop3A_408, %parallel_loop3A_409, %parallel_loop3A_410] {strides = array<i32>} : memref<2x80x256xf32, #tpu.memory_space<vmem>>, vector<16xf32>,
          %parallel_loop3A_412 = arith.mulf %parallel_loop3A_406, %parallel_loop3A_411 : vector<16xf32>
          %parallel_loop3A_413 = arith.constant 0 : i32
          %parallel_loop3A_414 = arith.index_cast %parallel_loop3A_413 : i32 to index
          %parallel_loop3A_415 = arith.index_cast %parallel_loop3A_259 : i32 to index
          %parallel_loop3A_416 = arith.constant 112 : index
          %parallel_loop3A_417 = tpu.vector_load %arg15[%parallel_loop3A_414, %parallel_loop3A_415, %parallel_loop3A_416] {strides = array<i32>} : memref<2x80x128xf32, #tpu.memory_space<vmem>>, vector<16xf32>,
          %parallel_loop3A_418 = arith.constant 0 : i32
          %parallel_loop3A_419 = arith.index_cast %parallel_loop3A_418 : i32 to index
          %parallel_loop3A_420 = arith.index_cast %parallel_loop3A_259 : i32 to index
          %parallel_loop3A_421 = arith.constant 112 : index
          %parallel_loop3A_422 = tpu.vector_load %arg16[%parallel_loop3A_419, %parallel_loop3A_420, %parallel_loop3A_421] {strides = array<i32>} : memref<2x80x256xf32, #tpu.memory_space<vmem>>, vector<16xf32>,
          %parallel_loop3A_423 = arith.mulf %parallel_loop3A_417, %parallel_loop3A_422 : vector<16xf32>
          %parallel_loop3A_424 = arith.addf %parallel_loop3A_412, %parallel_loop3A_423 : vector<16xf32>
          %parallel_loop3A_425 = vector.shape_cast %xor3A_18 : vector<16xi32> to vector<16x1xi32>
          %parallel_loop3A_426 = vector.shape_cast %parallel_loop3A_425 : vector<16x1xi32> to vector<16xi32>
          %parallel_loop3A_427 = tpu.dynamic_gather %parallel_loop3A_424[%parallel_loop3A_426] in [0] : vector<16xf32>, vector<16xi32> -> vector<16xf32>
          %parallel_loop3A_428 = arith.addf %parallel_loop3A_424, %parallel_loop3A_427 : vector<16xf32>
          %parallel_loop3A_429 = vector.shape_cast %xor3A_21 : vector<16xi32> to vector<16x1xi32>
          %parallel_loop3A_430 = vector.shape_cast %parallel_loop3A_429 : vector<16x1xi32> to vector<16xi32>
          %parallel_loop3A_431 = tpu.dynamic_gather %parallel_loop3A_428[%parallel_loop3A_430] in [0] : vector<16xf32>, vector<16xi32> -> vector<16xf32>
          %parallel_loop3A_432 = arith.addf %parallel_loop3A_428, %parallel_loop3A_431 : vector<16xf32>
          %parallel_loop3A_433 = vector.shape_cast %xor3A_24 : vector<16xi32> to vector<16x1xi32>
          %parallel_loop3A_434 = vector.shape_cast %parallel_loop3A_433 : vector<16x1xi32> to vector<16xi32>
          %parallel_loop3A_435 = tpu.dynamic_gather %parallel_loop3A_432[%parallel_loop3A_434] in [0] : vector<16xf32>, vector<16xi32> -> vector<16xf32>
          %parallel_loop3A_436 = arith.addf %parallel_loop3A_432, %parallel_loop3A_435 : vector<16xf32>
          %parallel_loop3A_437 = vector.shape_cast %xor3A_27 : vector<16xi32> to vector<16x1xi32>
          %parallel_loop3A_438 = vector.shape_cast %parallel_loop3A_437 : vector<16x1xi32> to vector<16xi32>
          %parallel_loop3A_439 = tpu.dynamic_gather %parallel_loop3A_436[%parallel_loop3A_438] in [0] : vector<16xf32>, vector<16xi32> -> vector<16xf32>
          %parallel_loop3A_440 = arith.addf %parallel_loop3A_436, %parallel_loop3A_439 : vector<16xf32>
          %parallel_loop3A_441 = arith.constant 0.176776692 : f32
          %parallel_loop3A_442 = vector.broadcast %parallel_loop3A_441 : f32 to vector<16xf32>
          %parallel_loop3A_443 = arith.mulf %parallel_loop3A_440, %parallel_loop3A_442 : vector<16xf32>
          %parallel_loop3A_444 = math.exp %parallel_loop3A_443 : vector<16xf32>
          %parallel_loop3A_445 = arith.mulf %parallel_loop3A_444, %parallel_loop3A_269 : vector<16xf32>
          %parallel_loop3A_446 = arith.constant 0 : i32
          %parallel_loop3A_447 = arith.index_cast %parallel_loop3A_446 : i32 to index
          %parallel_loop3A_448 = arith.index_cast %parallel_loop3A_259 : i32 to index
          %parallel_loop3A_449 = arith.constant 128 : index
          %parallel_loop3A_450 = tpu.vector_load %arg16[%parallel_loop3A_447, %parallel_loop3A_448, %parallel_loop3A_449] {strides = array<i32>} : memref<2x80x256xf32, #tpu.memory_space<vmem>>, vector<16xf32>,
          %parallel_loop3A_451 = arith.constant 0 : i32
          %parallel_loop3A_452 = arith.index_cast %parallel_loop3A_451 : i32 to index
          %parallel_loop3A_453 = arith.index_cast %parallel_loop3A_259 : i32 to index
          %parallel_loop3A_454 = arith.constant 0 : index
          %parallel_loop3A_455 = tpu.vector_load %arg17[%parallel_loop3A_452, %parallel_loop3A_453, %parallel_loop3A_454] {strides = array<i32>} : memref<2x80x128xf32, #tpu.memory_space<vmem>>, vector<16xf32>,
          %parallel_loop3A_456 = arith.addf %parallel_loop3A_450, %parallel_loop3A_455 : vector<16xf32>
          %parallel_loop3A_457 = arith.mulf %parallel_loop3A_313, %parallel_loop3A_456 : vector<16xf32>
          %parallel_loop3A_458 = arith.constant 0 : i32
          %parallel_loop3A_459 = arith.index_cast %parallel_loop3A_458 : i32 to index
          %parallel_loop3A_460 = arith.index_cast %parallel_loop3A_259 : i32 to index
          %parallel_loop3A_461 = arith.constant 0 : index
          %parallel_loop3A_462 = tpu.vector_load %arg15[%parallel_loop3A_459, %parallel_loop3A_460, %parallel_loop3A_461] {strides = array<i32>} : memref<2x80x128xf32, #tpu.memory_space<vmem>>, vector<16xf32>,
          tpu.vector_store %arg15[%parallel_loop3A_459, %parallel_loop3A_460, %parallel_loop3A_461], %parallel_loop3A_457 {strides = array<i32>} : memref<2x80x128xf32, #tpu.memory_space<vmem>>, vector<16xf32>,
          %parallel_loop3A_463 = arith.constant 0 : i32
          %parallel_loop3A_464 = arith.index_cast %parallel_loop3A_463 : i32 to index
          %parallel_loop3A_465 = arith.index_cast %parallel_loop3A_259 : i32 to index
          %parallel_loop3A_466 = arith.constant 144 : index
          %parallel_loop3A_467 = tpu.vector_load %arg16[%parallel_loop3A_464, %parallel_loop3A_465, %parallel_loop3A_466] {strides = array<i32>} : memref<2x80x256xf32, #tpu.memory_space<vmem>>, vector<16xf32>,
          %parallel_loop3A_468 = arith.constant 0 : i32
          %parallel_loop3A_469 = arith.index_cast %parallel_loop3A_468 : i32 to index
          %parallel_loop3A_470 = arith.index_cast %parallel_loop3A_259 : i32 to index
          %parallel_loop3A_471 = arith.constant 16 : index
          %parallel_loop3A_472 = tpu.vector_load %arg17[%parallel_loop3A_469, %parallel_loop3A_470, %parallel_loop3A_471] {strides = array<i32>} : memref<2x80x128xf32, #tpu.memory_space<vmem>>, vector<16xf32>,
          %parallel_loop3A_473 = arith.addf %parallel_loop3A_467, %parallel_loop3A_472 : vector<16xf32>
          %parallel_loop3A_474 = arith.mulf %parallel_loop3A_313, %parallel_loop3A_473 : vector<16xf32>
          %parallel_loop3A_475 = arith.constant 0 : i32
          %parallel_loop3A_476 = arith.index_cast %parallel_loop3A_475 : i32 to index
          %parallel_loop3A_477 = arith.index_cast %parallel_loop3A_259 : i32 to index
          %parallel_loop3A_478 = arith.constant 16 : index
          %parallel_loop3A_479 = tpu.vector_load %arg15[%parallel_loop3A_476, %parallel_loop3A_477, %parallel_loop3A_478] {strides = array<i32>} : memref<2x80x128xf32, #tpu.memory_space<vmem>>, vector<16xf32>,
          tpu.vector_store %arg15[%parallel_loop3A_476, %parallel_loop3A_477, %parallel_loop3A_478], %parallel_loop3A_474 {strides = array<i32>} : memref<2x80x128xf32, #tpu.memory_space<vmem>>, vector<16xf32>,
          %parallel_loop3A_480 = arith.constant 0 : i32
          %parallel_loop3A_481 = arith.index_cast %parallel_loop3A_480 : i32 to index
          %parallel_loop3A_482 = arith.index_cast %parallel_loop3A_259 : i32 to index
          %parallel_loop3A_483 = arith.constant 160 : index
          %parallel_loop3A_484 = tpu.vector_load %arg16[%parallel_loop3A_481, %parallel_loop3A_482, %parallel_loop3A_483] {strides = array<i32>} : memref<2x80x256xf32, #tpu.memory_space<vmem>>, vector<16xf32>,
          %parallel_loop3A_485 = arith.constant 0 : i32
          %parallel_loop3A_486 = arith.index_cast %parallel_loop3A_485 : i32 to index
          %parallel_loop3A_487 = arith.index_cast %parallel_loop3A_259 : i32 to index
          %parallel_loop3A_488 = arith.constant 32 : index
          %parallel_loop3A_489 = tpu.vector_load %arg17[%parallel_loop3A_486, %parallel_loop3A_487, %parallel_loop3A_488] {strides = array<i32>} : memref<2x80x128xf32, #tpu.memory_space<vmem>>, vector<16xf32>,
          %parallel_loop3A_490 = arith.addf %parallel_loop3A_484, %parallel_loop3A_489 : vector<16xf32>
          %parallel_loop3A_491 = arith.mulf %parallel_loop3A_357, %parallel_loop3A_490 : vector<16xf32>
          %parallel_loop3A_492 = arith.constant 0 : i32
          %parallel_loop3A_493 = arith.index_cast %parallel_loop3A_492 : i32 to index
          %parallel_loop3A_494 = arith.index_cast %parallel_loop3A_259 : i32 to index
          %parallel_loop3A_495 = arith.constant 32 : index
          %parallel_loop3A_496 = tpu.vector_load %arg15[%parallel_loop3A_493, %parallel_loop3A_494, %parallel_loop3A_495] {strides = array<i32>} : memref<2x80x128xf32, #tpu.memory_space<vmem>>, vector<16xf32>,
          tpu.vector_store %arg15[%parallel_loop3A_493, %parallel_loop3A_494, %parallel_loop3A_495], %parallel_loop3A_491 {strides = array<i32>} : memref<2x80x128xf32, #tpu.memory_space<vmem>>, vector<16xf32>,
          %parallel_loop3A_497 = arith.constant 0 : i32
          %parallel_loop3A_498 = arith.index_cast %parallel_loop3A_497 : i32 to index
          %parallel_loop3A_499 = arith.index_cast %parallel_loop3A_259 : i32 to index
          %parallel_loop3A_500 = arith.constant 176 : index
          %parallel_loop3A_501 = tpu.vector_load %arg16[%parallel_loop3A_498, %parallel_loop3A_499, %parallel_loop3A_500] {strides = array<i32>} : memref<2x80x256xf32, #tpu.memory_space<vmem>>, vector<16xf32>,
          %parallel_loop3A_502 = arith.constant 0 : i32
          %parallel_loop3A_503 = arith.index_cast %parallel_loop3A_502 : i32 to index
          %parallel_loop3A_504 = arith.index_cast %parallel_loop3A_259 : i32 to index
          %parallel_loop3A_505 = arith.constant 48 : index
          %parallel_loop3A_506 = tpu.vector_load %arg17[%parallel_loop3A_503, %parallel_loop3A_504, %parallel_loop3A_505] {strides = array<i32>} : memref<2x80x128xf32, #tpu.memory_space<vmem>>, vector<16xf32>,
          %parallel_loop3A_507 = arith.addf %parallel_loop3A_501, %parallel_loop3A_506 : vector<16xf32>
          %parallel_loop3A_508 = arith.mulf %parallel_loop3A_357, %parallel_loop3A_507 : vector<16xf32>
          %parallel_loop3A_509 = arith.constant 0 : i32
          %parallel_loop3A_510 = arith.index_cast %parallel_loop3A_509 : i32 to index
          %parallel_loop3A_511 = arith.index_cast %parallel_loop3A_259 : i32 to index
          %parallel_loop3A_512 = arith.constant 48 : index
          %parallel_loop3A_513 = tpu.vector_load %arg15[%parallel_loop3A_510, %parallel_loop3A_511, %parallel_loop3A_512] {strides = array<i32>} : memref<2x80x128xf32, #tpu.memory_space<vmem>>, vector<16xf32>,
          tpu.vector_store %arg15[%parallel_loop3A_510, %parallel_loop3A_511, %parallel_loop3A_512], %parallel_loop3A_508 {strides = array<i32>} : memref<2x80x128xf32, #tpu.memory_space<vmem>>, vector<16xf32>,
          %parallel_loop3A_514 = arith.constant 0 : i32
          %parallel_loop3A_515 = arith.index_cast %parallel_loop3A_514 : i32 to index
          %parallel_loop3A_516 = arith.index_cast %parallel_loop3A_259 : i32 to index
          %parallel_loop3A_517 = arith.constant 192 : index
          %parallel_loop3A_518 = tpu.vector_load %arg16[%parallel_loop3A_515, %parallel_loop3A_516, %parallel_loop3A_517] {strides = array<i32>} : memref<2x80x256xf32, #tpu.memory_space<vmem>>, vector<16xf32>,
          %parallel_loop3A_519 = arith.constant 0 : i32
          %parallel_loop3A_520 = arith.index_cast %parallel_loop3A_519 : i32 to index
          %parallel_loop3A_521 = arith.index_cast %parallel_loop3A_259 : i32 to index
          %parallel_loop3A_522 = arith.constant 64 : index
          %parallel_loop3A_523 = tpu.vector_load %arg17[%parallel_loop3A_520, %parallel_loop3A_521, %parallel_loop3A_522] {strides = array<i32>} : memref<2x80x128xf32, #tpu.memory_space<vmem>>, vector<16xf32>,
          %parallel_loop3A_524 = arith.addf %parallel_loop3A_518, %parallel_loop3A_523 : vector<16xf32>
          %parallel_loop3A_525 = arith.mulf %parallel_loop3A_401, %parallel_loop3A_524 : vector<16xf32>
          %parallel_loop3A_526 = arith.constant 0 : i32
          %parallel_loop3A_527 = arith.index_cast %parallel_loop3A_526 : i32 to index
          %parallel_loop3A_528 = arith.index_cast %parallel_loop3A_259 : i32 to index
          %parallel_loop3A_529 = arith.constant 64 : index
          %parallel_loop3A_530 = tpu.vector_load %arg15[%parallel_loop3A_527, %parallel_loop3A_528, %parallel_loop3A_529] {strides = array<i32>} : memref<2x80x128xf32, #tpu.memory_space<vmem>>, vector<16xf32>,
          tpu.vector_store %arg15[%parallel_loop3A_527, %parallel_loop3A_528, %parallel_loop3A_529], %parallel_loop3A_525 {strides = array<i32>} : memref<2x80x128xf32, #tpu.memory_space<vmem>>, vector<16xf32>,
          %parallel_loop3A_531 = arith.constant 0 : i32
          %parallel_loop3A_532 = arith.index_cast %parallel_loop3A_531 : i32 to index
          %parallel_loop3A_533 = arith.index_cast %parallel_loop3A_259 : i32 to index
          %parallel_loop3A_534 = arith.constant 208 : index
          %parallel_loop3A_535 = tpu.vector_load %arg16[%parallel_loop3A_532, %parallel_loop3A_533, %parallel_loop3A_534] {strides = array<i32>} : memref<2x80x256xf32, #tpu.memory_space<vmem>>, vector<16xf32>,
          %parallel_loop3A_536 = arith.constant 0 : i32
          %parallel_loop3A_537 = arith.index_cast %parallel_loop3A_536 : i32 to index
          %parallel_loop3A_538 = arith.index_cast %parallel_loop3A_259 : i32 to index
          %parallel_loop3A_539 = arith.constant 80 : index
          %parallel_loop3A_540 = tpu.vector_load %arg17[%parallel_loop3A_537, %parallel_loop3A_538, %parallel_loop3A_539] {strides = array<i32>} : memref<2x80x128xf32, #tpu.memory_space<vmem>>, vector<16xf32>,
          %parallel_loop3A_541 = arith.addf %parallel_loop3A_535, %parallel_loop3A_540 : vector<16xf32>
          %parallel_loop3A_542 = arith.mulf %parallel_loop3A_401, %parallel_loop3A_541 : vector<16xf32>
          %parallel_loop3A_543 = arith.constant 0 : i32
          %parallel_loop3A_544 = arith.index_cast %parallel_loop3A_543 : i32 to index
          %parallel_loop3A_545 = arith.index_cast %parallel_loop3A_259 : i32 to index
          %parallel_loop3A_546 = arith.constant 80 : index
          %parallel_loop3A_547 = tpu.vector_load %arg15[%parallel_loop3A_544, %parallel_loop3A_545, %parallel_loop3A_546] {strides = array<i32>} : memref<2x80x128xf32, #tpu.memory_space<vmem>>, vector<16xf32>,
          tpu.vector_store %arg15[%parallel_loop3A_544, %parallel_loop3A_545, %parallel_loop3A_546], %parallel_loop3A_542 {strides = array<i32>} : memref<2x80x128xf32, #tpu.memory_space<vmem>>, vector<16xf32>,
          %parallel_loop3A_548 = arith.constant 0 : i32
          %parallel_loop3A_549 = arith.index_cast %parallel_loop3A_548 : i32 to index
          %parallel_loop3A_550 = arith.index_cast %parallel_loop3A_259 : i32 to index
          %parallel_loop3A_551 = arith.constant 224 : index
          %parallel_loop3A_552 = tpu.vector_load %arg16[%parallel_loop3A_549, %parallel_loop3A_550, %parallel_loop3A_551] {strides = array<i32>} : memref<2x80x256xf32, #tpu.memory_space<vmem>>, vector<16xf32>,
          %parallel_loop3A_553 = arith.constant 0 : i32
          %parallel_loop3A_554 = arith.index_cast %parallel_loop3A_553 : i32 to index
          %parallel_loop3A_555 = arith.index_cast %parallel_loop3A_259 : i32 to index
          %parallel_loop3A_556 = arith.constant 96 : index
          %parallel_loop3A_557 = tpu.vector_load %arg17[%parallel_loop3A_554, %parallel_loop3A_555, %parallel_loop3A_556] {strides = array<i32>} : memref<2x80x128xf32, #tpu.memory_space<vmem>>, vector<16xf32>,
          %parallel_loop3A_558 = arith.addf %parallel_loop3A_552, %parallel_loop3A_557 : vector<16xf32>
          %parallel_loop3A_559 = arith.mulf %parallel_loop3A_445, %parallel_loop3A_558 : vector<16xf32>
          %parallel_loop3A_560 = arith.constant 0 : i32
          %parallel_loop3A_561 = arith.index_cast %parallel_loop3A_560 : i32 to index
          %parallel_loop3A_562 = arith.index_cast %parallel_loop3A_259 : i32 to index
          %parallel_loop3A_563 = arith.constant 96 : index
          %parallel_loop3A_564 = tpu.vector_load %arg15[%parallel_loop3A_561, %parallel_loop3A_562, %parallel_loop3A_563] {strides = array<i32>} : memref<2x80x128xf32, #tpu.memory_space<vmem>>, vector<16xf32>,
          tpu.vector_store %arg15[%parallel_loop3A_561, %parallel_loop3A_562, %parallel_loop3A_563], %parallel_loop3A_559 {strides = array<i32>} : memref<2x80x128xf32, #tpu.memory_space<vmem>>, vector<16xf32>,
          %parallel_loop3A_565 = arith.constant 0 : i32
          %parallel_loop3A_566 = arith.index_cast %parallel_loop3A_565 : i32 to index
          %parallel_loop3A_567 = arith.index_cast %parallel_loop3A_259 : i32 to index
          %parallel_loop3A_568 = arith.constant 240 : index
          %parallel_loop3A_569 = tpu.vector_load %arg16[%parallel_loop3A_566, %parallel_loop3A_567, %parallel_loop3A_568] {strides = array<i32>} : memref<2x80x256xf32, #tpu.memory_space<vmem>>, vector<16xf32>,
          %parallel_loop3A_570 = arith.constant 0 : i32
          %parallel_loop3A_571 = arith.index_cast %parallel_loop3A_570 : i32 to index
          %parallel_loop3A_572 = arith.index_cast %parallel_loop3A_259 : i32 to index
          %parallel_loop3A_573 = arith.constant 112 : index
          %parallel_loop3A_574 = tpu.vector_load %arg17[%parallel_loop3A_571, %parallel_loop3A_572, %parallel_loop3A_573] {strides = array<i32>} : memref<2x80x128xf32, #tpu.memory_space<vmem>>, vector<16xf32>,
          %parallel_loop3A_575 = arith.addf %parallel_loop3A_569, %parallel_loop3A_574 : vector<16xf32>
          %parallel_loop3A_576 = arith.mulf %parallel_loop3A_445, %parallel_loop3A_575 : vector<16xf32>
          %parallel_loop3A_577 = arith.constant 0 : i32
          %parallel_loop3A_578 = arith.index_cast %parallel_loop3A_577 : i32 to index
          %parallel_loop3A_579 = arith.index_cast %parallel_loop3A_259 : i32 to index
          %parallel_loop3A_580 = arith.constant 112 : index
          %parallel_loop3A_581 = tpu.vector_load %arg15[%parallel_loop3A_578, %parallel_loop3A_579, %parallel_loop3A_580] {strides = array<i32>} : memref<2x80x128xf32, #tpu.memory_space<vmem>>, vector<16xf32>,
          tpu.vector_store %arg15[%parallel_loop3A_578, %parallel_loop3A_579, %parallel_loop3A_580], %parallel_loop3A_576 {strides = array<i32>} : memref<2x80x128xf32, #tpu.memory_space<vmem>>, vector<16xf32>,
          %parallel_loop3A_582 = arith.constant 0 : i32
          %parallel_loop3A_583 = vector.broadcast %parallel_loop3A_582 : i32 to vector<16xi32>
          %parallel_loop3A_584 = arith.cmpi eq, %iota3A, %parallel_loop3A_583 : vector<16xi32>
          %parallel_loop3A_585 = arith.constant 0.000000e+00 : f32
          %parallel_loop3A_586 = vector.broadcast %parallel_loop3A_585 : f32 to vector<16xf32>
          %parallel_loop3A_587 = arith.select %parallel_loop3A_584, %parallel_loop3A_313, %parallel_loop3A_586 : vector<16xi1>, vector<16xf32>
          %parallel_loop3A_588 = arith.constant 1 : i32
          %parallel_loop3A_589 = vector.broadcast %parallel_loop3A_588 : i32 to vector<16xi32>
          %parallel_loop3A_590 = arith.cmpi eq, %iota3A, %parallel_loop3A_589 : vector<16xi32>
          %parallel_loop3A_591 = arith.constant 0.000000e+00 : f32
          %parallel_loop3A_592 = vector.broadcast %parallel_loop3A_591 : f32 to vector<16xf32>
          %parallel_loop3A_593 = arith.select %parallel_loop3A_590, %parallel_loop3A_357, %parallel_loop3A_592 : vector<16xi1>, vector<16xf32>
          %parallel_loop3A_594 = arith.addf %parallel_loop3A_587, %parallel_loop3A_593 : vector<16xf32>
          %parallel_loop3A_595 = arith.constant 2 : i32
          %parallel_loop3A_596 = vector.broadcast %parallel_loop3A_595 : i32 to vector<16xi32>
          %parallel_loop3A_597 = arith.cmpi eq, %iota3A, %parallel_loop3A_596 : vector<16xi32>
          %parallel_loop3A_598 = arith.constant 0.000000e+00 : f32
          %parallel_loop3A_599 = vector.broadcast %parallel_loop3A_598 : f32 to vector<16xf32>
          %parallel_loop3A_600 = arith.select %parallel_loop3A_597, %parallel_loop3A_401, %parallel_loop3A_599 : vector<16xi1>, vector<16xf32>
          %parallel_loop3A_601 = arith.addf %parallel_loop3A_594, %parallel_loop3A_600 : vector<16xf32>
          %parallel_loop3A_602 = arith.constant 3 : i32
          %parallel_loop3A_603 = vector.broadcast %parallel_loop3A_602 : i32 to vector<16xi32>
          %parallel_loop3A_604 = arith.cmpi eq, %iota3A, %parallel_loop3A_603 : vector<16xi32>
          %parallel_loop3A_605 = arith.constant 0.000000e+00 : f32
          %parallel_loop3A_606 = vector.broadcast %parallel_loop3A_605 : f32 to vector<16xf32>
          %parallel_loop3A_607 = arith.select %parallel_loop3A_604, %parallel_loop3A_445, %parallel_loop3A_606 : vector<16xi1>, vector<16xf32>
          %parallel_loop3A_608 = arith.addf %parallel_loop3A_601, %parallel_loop3A_607 : vector<16xf32>
          %parallel_loop3A_609 = arith.index_cast %parallel_loop3A_259 : i32 to index
          %parallel_loop3A_610 = arith.constant 0 : index
          %parallel_loop3A_611 = tpu.vector_load %arg18[%parallel_loop3A_609, %parallel_loop3A_610] {strides = array<i32>} : memref<80x16xf32, #tpu.memory_space<vmem>>, vector<16xf32>,
          tpu.vector_store %arg18[%parallel_loop3A_609, %parallel_loop3A_610], %parallel_loop3A_608 {strides = array<i32>} : memref<80x16xf32, #tpu.memory_space<vmem>>, vector<16xf32>,
        } {sc.loop_unroll_factor = 4 : i64, sc.parallel_access}
        %run_scoped3A = arith.constant 0 : i32
        "tpu.region"() ({
          %run_scoped3A_259 = tpu.sem_alloc : memref<!tpu.dma_semaphore, #tpu.memory_space<semaphore_mem>>
          %dma_start3A_260 = arith.constant 0 : i32
          %dma_start3A_261 = arith.constant 0 : i32
          %dma_start3A_262 = tpu.memref_slice %arg15[%run_scoped3A, %dma_start3A_260, %dma_start3A_261] : memref<2x80x128xf32, #tpu.memory_space<vmem>> -> memref<1x80x128xf32, #tpu.memory_space<vmem>>
          %dma_start3A_263 = tpu.memref_squeeze %dma_start3A_262 : memref<1x80x128xf32, #tpu.memory_space<vmem>> -> memref<80x128xf32, #tpu.memory_space<vmem>>
          %dma_start3A_264 = arith.constant 0 : i32
          %dma_start3A_265 = arith.constant 0 : i32
          %dma_start3A_266 = tpu.memref_slice %arg11[%dma_start3A_264, %dma_start3A_265] : memref<2688x128xf32, #tpu.memory_space<vmem_shared>> -> memref<2688x128xf32, #tpu.memory_space<vmem_shared>>
          tpu.enqueue_indirect_dma source(%dma_start3A_263 : memref<80x128xf32, #tpu.memory_space<vmem>>) target(%dma_start3A_266 : memref<2688x128xf32, #tpu.memory_space<vmem_shared>>) offsets(%arg19 : memref<80xi32, #tpu.memory_space<vmem>>) semaphore(%run_scoped3A_259 : memref<!tpu.dma_semaphore, #tpu.memory_space<semaphore_mem>>) {add = true}
          %dma_wait3A_267 = arith.constant 0 : i32
          %dma_wait3A_268 = arith.constant 0 : i32
          %dma_wait3A_269 = tpu.memref_slice %arg15[%run_scoped3A, %dma_wait3A_267, %dma_wait3A_268] : memref<2x80x128xf32, #tpu.memory_space<vmem>> -> memref<1x80x128xf32, #tpu.memory_space<vmem>>
          %dma_wait3A_270 = tpu.memref_squeeze %dma_wait3A_269 : memref<1x80x128xf32, #tpu.memory_space<vmem>> -> memref<80x128xf32, #tpu.memory_space<vmem>>
          %dma_wait3A_271 = arith.constant 0 : i32
          %dma_wait3A_272 = arith.constant 0 : i32
          %dma_wait3A_273 = tpu.memref_slice %arg11[%dma_wait3A_271, %dma_wait3A_272] : memref<2688x128xf32, #tpu.memory_space<vmem_shared>> -> memref<2688x128xf32, #tpu.memory_space<vmem_shared>>
          tpu.wait_indirect_dma semaphore(%run_scoped3A_259 : memref<!tpu.dma_semaphore, #tpu.memory_space<semaphore_mem>>) src(%dma_wait3A_270 : memref<80x128xf32, #tpu.memory_space<vmem>>) dst(%dma_wait3A_273 : memref<2688x128xf32, #tpu.memory_space<vmem_shared>>)
          tpu.yield
        }) : () -> ()
        "tpu.region"() ({
          %run_scoped3A_259 = tpu.sem_alloc : memref<!tpu.dma_semaphore, #tpu.memory_space<semaphore_mem>>
          %dma_start3A_260 = arith.constant 0 : i32
          %dma_start3A_261 = arith.constant 0 : i32
          %dma_start3A_262 = tpu.memref_slice %arg12[%dma_start3A_260, %dma_start3A_261] : memref<2688x16xf32, #tpu.memory_space<vmem_shared>> -> memref<2688x16xf32, #tpu.memory_space<vmem_shared>>
          tpu.enqueue_indirect_dma source(%arg18 : memref<80x16xf32, #tpu.memory_space<vmem>>) target(%dma_start3A_262 : memref<2688x16xf32, #tpu.memory_space<vmem_shared>>) offsets(%arg19 : memref<80xi32, #tpu.memory_space<vmem>>) semaphore(%run_scoped3A_259 : memref<!tpu.dma_semaphore, #tpu.memory_space<semaphore_mem>>) {add = true}
          %dma_wait3A_263 = arith.constant 0 : i32
          %dma_wait3A_264 = arith.constant 0 : i32
          %dma_wait3A_265 = tpu.memref_slice %arg12[%dma_wait3A_263, %dma_wait3A_264] : memref<2688x16xf32, #tpu.memory_space<vmem_shared>> -> memref<2688x16xf32, #tpu.memory_space<vmem_shared>>
          tpu.wait_indirect_dma semaphore(%run_scoped3A_259 : memref<!tpu.dma_semaphore, #tpu.memory_space<semaphore_mem>>) src(%arg18 : memref<80x16xf32, #tpu.memory_space<vmem>>) dst(%dma_wait3A_265 : memref<2688x16xf32, #tpu.memory_space<vmem_shared>>)
          tpu.yield
        }) : () -> ()
      } else {
      }
      %barrier3A_86 = arith.constant 0 : index
      tpu.barrier barrier_id(%barrier3A_86)
      %mul3A_87 = arith.constant 168 : i32
      %mul3A_88 = arith.muli %arg1, %mul3A_87 : i32
      %mul3A_89 = arith.constant 168 : i32
      %mul3A_90 = arith.muli %arg1, %mul3A_89 : i32
      %dma_start3A_91 = arith.constant 0 : i32
      %dma_start3A_92 = tpu.memref_slice %arg9[%arg0, %scan3A_33, %mul3A_90, %dma_start3A_91] : memref<2x4x2688x128xf32, #tpu.memory_space<hbm>> -> memref<1x1x168x128xf32, #tpu.memory_space<hbm>>
      %dma_start3A_93 = tpu.memref_squeeze %dma_start3A_92 : memref<1x1x168x128xf32, #tpu.memory_space<hbm>> -> memref<168x128xf32, #tpu.memory_space<hbm>>
      %dma_start3A_94 = arith.constant 0 : i32
      %dma_start3A_95 = tpu.memref_slice %arg11[%mul3A_88, %dma_start3A_94] : memref<2688x128xf32, #tpu.memory_space<vmem_shared>> -> memref<168x128xf32, #tpu.memory_space<vmem_shared>>
      tpu.enqueue_dma source(%dma_start3A_95 : memref<168x128xf32, #tpu.memory_space<vmem_shared>>) target(%dma_start3A_93 : memref<168x128xf32, #tpu.memory_space<hbm>>) target_semaphore(%arg22 : memref<!tpu.dma_semaphore, #tpu.memory_space<semaphore_mem>>)
      %dma_wait3A_96 = arith.constant 0 : i32
      %dma_wait3A_97 = tpu.memref_slice %arg9[%arg0, %scan3A_33, %mul3A_90, %dma_wait3A_96] : memref<2x4x2688x128xf32, #tpu.memory_space<hbm>> -> memref<1x1x168x128xf32, #tpu.memory_space<hbm>>
      %dma_wait3A_98 = tpu.memref_squeeze %dma_wait3A_97 : memref<1x1x168x128xf32, #tpu.memory_space<hbm>> -> memref<168x128xf32, #tpu.memory_space<hbm>>
      %dma_wait3A_99 = arith.constant 0 : i32
      %dma_wait3A_100 = tpu.memref_slice %arg11[%mul3A_88, %dma_wait3A_99] : memref<2688x128xf32, #tpu.memory_space<vmem_shared>> -> memref<168x128xf32, #tpu.memory_space<vmem_shared>>
      tpu.wait_dma2 semaphore(%arg22 : memref<!tpu.dma_semaphore, #tpu.memory_space<semaphore_mem>>) src(%dma_wait3A_100 : memref<168x128xf32, #tpu.memory_space<vmem_shared>>) dst(%dma_wait3A_98 : memref<168x128xf32, #tpu.memory_space<hbm>>)
      %mul3A_101 = arith.constant 168 : i32
      %mul3A_102 = arith.muli %arg1, %mul3A_101 : i32
      %mul3A_103 = arith.constant 168 : i32
      %mul3A_104 = arith.muli %arg1, %mul3A_103 : i32
      %dma_start3A_105 = arith.constant 0 : i32
      %dma_start3A_106 = tpu.memref_slice %arg10[%arg0, %scan3A_33, %mul3A_104, %dma_start3A_105] : memref<2x4x2688x16xf32, #tpu.memory_space<hbm>> -> memref<1x1x168x16xf32, #tpu.memory_space<hbm>>
      %dma_start3A_107 = tpu.memref_squeeze %dma_start3A_106 : memref<1x1x168x16xf32, #tpu.memory_space<hbm>> -> memref<168x16xf32, #tpu.memory_space<hbm>>
      %dma_start3A_108 = arith.constant 0 : i32
      %dma_start3A_109 = tpu.memref_slice %arg12[%mul3A_102, %dma_start3A_108] : memref<2688x16xf32, #tpu.memory_space<vmem_shared>> -> memref<168x16xf32, #tpu.memory_space<vmem_shared>>
      tpu.enqueue_dma source(%dma_start3A_109 : memref<168x16xf32, #tpu.memory_space<vmem_shared>>) target(%dma_start3A_107 : memref<168x16xf32, #tpu.memory_space<hbm>>) target_semaphore(%arg22 : memref<!tpu.dma_semaphore, #tpu.memory_space<semaphore_mem>>)
      %dma_wait3A_110 = arith.constant 0 : i32
      %dma_wait3A_111 = tpu.memref_slice %arg10[%arg0, %scan3A_33, %mul3A_104, %dma_wait3A_110] : memref<2x4x2688x16xf32, #tpu.memory_space<hbm>> -> memref<1x1x168x16xf32, #tpu.memory_space<hbm>>
      %dma_wait3A_112 = tpu.memref_squeeze %dma_wait3A_111 : memref<1x1x168x16xf32, #tpu.memory_space<hbm>> -> memref<168x16xf32, #tpu.memory_space<hbm>>
      %dma_wait3A_113 = arith.constant 0 : i32
      %dma_wait3A_114 = tpu.memref_slice %arg12[%mul3A_102, %dma_wait3A_113] : memref<2688x16xf32, #tpu.memory_space<vmem_shared>> -> memref<168x16xf32, #tpu.memory_space<vmem_shared>>
      tpu.wait_dma2 semaphore(%arg22 : memref<!tpu.dma_semaphore, #tpu.memory_space<semaphore_mem>>) src(%dma_wait3A_114 : memref<168x16xf32, #tpu.memory_space<vmem_shared>>) dst(%dma_wait3A_112 : memref<168x16xf32, #tpu.memory_space<hbm>>)
      %barrier3A_115 = arith.constant 0 : index
      tpu.barrier barrier_id(%barrier3A_115)
    }
    %scan3A_32 = arith.constant 4 : i32
    return
  }
}

module attributes {stable_mosaic.version = 14 : i64} {
  func.func @_tables_body(%arg0: i32, %arg1: memref<2000x128xf32, #tpu.memory_space<vmem>>, %arg2: memref<128x128xf32, #tpu.memory_space<vmem>>, %arg3: memref<1x128xf32, #tpu.memory_space<vmem>>, %arg4: memref<128x128xf32, #tpu.memory_space<vmem>>, %arg5: memref<1x128xf32, #tpu.memory_space<vmem>>, %arg6: memref<128x128xf32, #tpu.memory_space<vmem>>, %arg7: memref<1x128xf32, #tpu.memory_space<vmem>>, %arg8: memref<2000x128xf32, #tpu.memory_space<vmem>>, %arg9: memref<2000x256xf32, #tpu.memory_space<vmem>>) attributes {dimension_semantics = [#tpu.dimension_semantics<arbitrary>], iteration_bounds = array<i64: 5>, scalar_prefetch = 0 : i64, scratch_operands = 0 : i64, tpu.core_type = #tpu.core_type<tc>, window_params = [{transform_indices = @transform_0, window_bounds = array<i64: 2000, 128>}, {pipeline_mode = #tpu.pipeline_mode<synchronous>, transform_indices = @transform_1, window_bounds = array<i64: 128, 128>}, {pipeline_mode = #tpu.pipeline_mode<synchronous>, transform_indices = @transform_2, window_bounds = array<i64: 1, 128>}, {pipeline_mode = #tpu.pipeline_mode<synchronous>, transform_indices = @transform_3, window_bounds = array<i64: 128, 128>}, {pipeline_mode = #tpu.pipeline_mode<synchronous>, transform_indices = @transform_4, window_bounds = array<i64: 1, 128>}, {pipeline_mode = #tpu.pipeline_mode<synchronous>, transform_indices = @transform_5, window_bounds = array<i64: 128, 128>}, {pipeline_mode = #tpu.pipeline_mode<synchronous>, transform_indices = @transform_6, window_bounds = array<i64: 1, 128>}, {transform_indices = @transform_7, window_bounds = array<i64: 2000, 128>}, {transform_indices = @transform_8, window_bounds = array<i64: 2000, 256>}]} {
    %get3A = arith.constant 0 : index
    %get3A_0 = arith.constant 0 : index
    %get3A_1 = vector.load %arg1[%get3A, %get3A_0] : memref<2000x128xf32, #tpu.memory_space<vmem>>, vector<2000x128xf32>
    %get3A_2 = arith.constant 0 : index
    %get3A_3 = arith.constant 0 : index
    %get3A_4 = vector.load %arg2[%get3A_2, %get3A_3] : memref<128x128xf32, #tpu.memory_space<vmem>>, vector<128x128xf32>
    %dot_general3A = arith.constant dense<0.000000e+00> : vector<2000x128xf32>
    %dot_general3A_5 = tpu.matmul %get3A_1, %get3A_4, %dot_general3A {dimension_numbers = #tpu.dot_dimension_numbers<[1], [0], [0], [1], [0, 0, 1, 1], [], []>, precision = #tpu.contract_precision<fp32>, transpose_lhs_hint = false} : vector<2000x128xf32>, vector<128x128xf32>, vector<2000x128xf32> -> vector<2000x128xf32>
    %get3A_6 = arith.constant 0 : index
    %get3A_7 = arith.constant 0 : index
    %get3A_8 = vector.load %arg3[%get3A_6, %get3A_7] : memref<1x128xf32, #tpu.memory_space<vmem>>, vector<1x128xf32>
    %add3A = vector.broadcast %get3A_8 : vector<1x128xf32> to vector<2000x128xf32>
    %add3A_9 = arith.addf %dot_general3A_5, %add3A : vector<2000x128xf32>
    %get3A_10 = arith.constant 0 : index
    %get3A_11 = arith.constant 0 : index
    %get3A_12 = vector.load %arg4[%get3A_10, %get3A_11] : memref<128x128xf32, #tpu.memory_space<vmem>>, vector<128x128xf32>
    %dot_general3A_13 = arith.constant dense<0.000000e+00> : vector<2000x128xf32>
    %dot_general3A_14 = tpu.matmul %get3A_1, %get3A_12, %dot_general3A_13 {dimension_numbers = #tpu.dot_dimension_numbers<[1], [0], [0], [1], [0, 0, 1, 1], [], []>, precision = #tpu.contract_precision<fp32>, transpose_lhs_hint = false} : vector<2000x128xf32>, vector<128x128xf32>, vector<2000x128xf32> -> vector<2000x128xf32>
    %get3A_15 = arith.constant 0 : index
    %get3A_16 = arith.constant 0 : index
    %get3A_17 = vector.load %arg5[%get3A_15, %get3A_16] : memref<1x128xf32, #tpu.memory_space<vmem>>, vector<1x128xf32>
    %add3A_18 = vector.broadcast %get3A_17 : vector<1x128xf32> to vector<2000x128xf32>
    %add3A_19 = arith.addf %dot_general3A_14, %add3A_18 : vector<2000x128xf32>
    %get3A_20 = arith.constant 0 : index
    %get3A_21 = arith.constant 0 : index
    %get3A_22 = vector.load %arg6[%get3A_20, %get3A_21] : memref<128x128xf32, #tpu.memory_space<vmem>>, vector<128x128xf32>
    %dot_general3A_23 = arith.constant dense<0.000000e+00> : vector<2000x128xf32>
    %dot_general3A_24 = tpu.matmul %get3A_1, %get3A_22, %dot_general3A_23 {dimension_numbers = #tpu.dot_dimension_numbers<[1], [0], [0], [1], [0, 0, 1, 1], [], []>, precision = #tpu.contract_precision<fp32>, transpose_lhs_hint = false} : vector<2000x128xf32>, vector<128x128xf32>, vector<2000x128xf32> -> vector<2000x128xf32>
    %get3A_25 = arith.constant 0 : index
    %get3A_26 = arith.constant 0 : index
    %get3A_27 = vector.load %arg7[%get3A_25, %get3A_26] : memref<1x128xf32, #tpu.memory_space<vmem>>, vector<1x128xf32>
    %add3A_28 = vector.broadcast %get3A_27 : vector<1x128xf32> to vector<2000x128xf32>
    %add3A_29 = arith.addf %dot_general3A_24, %add3A_28 : vector<2000x128xf32>
    %swap3A = arith.constant 0 : index
    %swap3A_30 = arith.constant 0 : index
    %swap3A_31 = vector.load %arg8[%swap3A, %swap3A_30] : memref<2000x128xf32, #tpu.memory_space<vmem>>, vector<2000x128xf32>
    tpu.vector_store %arg8[%swap3A, %swap3A_30], %add3A_9 {strides = array<i32>} : memref<2000x128xf32, #tpu.memory_space<vmem>>, vector<2000x128xf32>,
    %concatenate3A = tpu.concatenate %add3A_19, %add3A_29 in 1 : vector<2000x128xf32>, vector<2000x128xf32> -> vector<2000x256xf32>
    %swap3A_32 = arith.constant 0 : index
    %swap3A_33 = arith.constant 0 : index
    %swap3A_34 = vector.load %arg9[%swap3A_32, %swap3A_33] : memref<2000x256xf32, #tpu.memory_space<vmem>>, vector<2000x256xf32>
    tpu.vector_store %arg9[%swap3A_32, %swap3A_33], %concatenate3A {strides = array<i32>} : memref<2000x256xf32, #tpu.memory_space<vmem>>, vector<2000x256xf32>,
    return
  }
  func.func @transform_0(%arg0: i32) -> (i32, i32) {
    %c0_i32 = arith.constant 0 : i32
    %c0_i32_0 = arith.constant 0 : i32
    return %arg0, %c0_i32 : i32, i32
  }
  func.func @transform_1(%arg0: i32) -> (i32, i32) {
    %c0_i32 = arith.constant 0 : i32
    %c0_i32_0 = arith.constant 0 : i32
    %c0_i32_1 = arith.constant 0 : i32
    return %c0_i32, %c0_i32_0 : i32, i32
  }
  func.func @transform_2(%arg0: i32) -> (i32, i32) {
    %c0_i32 = arith.constant 0 : i32
    %c0_i32_0 = arith.constant 0 : i32
    %c0_i32_1 = arith.constant 0 : i32
    return %c0_i32, %c0_i32_0 : i32, i32
  }
  func.func @transform_3(%arg0: i32) -> (i32, i32) {
    %c0_i32 = arith.constant 0 : i32
    %c0_i32_0 = arith.constant 0 : i32
    %c0_i32_1 = arith.constant 0 : i32
    return %c0_i32, %c0_i32_0 : i32, i32
  }
  func.func @transform_4(%arg0: i32) -> (i32, i32) {
    %c0_i32 = arith.constant 0 : i32
    %c0_i32_0 = arith.constant 0 : i32
    %c0_i32_1 = arith.constant 0 : i32
    return %c0_i32, %c0_i32_0 : i32, i32
  }
  func.func @transform_5(%arg0: i32) -> (i32, i32) {
    %c0_i32 = arith.constant 0 : i32
    %c0_i32_0 = arith.constant 0 : i32
    %c0_i32_1 = arith.constant 0 : i32
    return %c0_i32, %c0_i32_0 : i32, i32
  }
  func.func @transform_6(%arg0: i32) -> (i32, i32) {
    %c0_i32 = arith.constant 0 : i32
    %c0_i32_0 = arith.constant 0 : i32
    %c0_i32_1 = arith.constant 0 : i32
    return %c0_i32, %c0_i32_0 : i32, i32
  }
  func.func @transform_7(%arg0: i32) -> (i32, i32) {
    %c0_i32 = arith.constant 0 : i32
    %c0_i32_0 = arith.constant 0 : i32
    return %arg0, %c0_i32 : i32, i32
  }
  func.func @transform_8(%arg0: i32) -> (i32, i32) {
    %c0_i32 = arith.constant 0 : i32
    %c0_i32_0 = arith.constant 0 : i32
    return %arg0, %c0_i32 : i32, i32
  }
}

module attributes {stable_mosaic.version = 14 : i64} {
  func.func @_eproj_body(%arg0: i32, %arg1: memref<4000x16xf32, #tpu.memory_space<vmem>>, %arg2: memref<16x128xf32, #tpu.memory_space<vmem>>, %arg3: memref<4000x128xf32, #tpu.memory_space<vmem>>) attributes {dimension_semantics = [#tpu.dimension_semantics<arbitrary>], iteration_bounds = array<i64: 80>, scalar_prefetch = 0 : i64, scratch_operands = 0 : i64, tpu.core_type = #tpu.core_type<tc>, window_params = [{transform_indices = @transform_0, window_bounds = array<i64: 4000, 16>}, {pipeline_mode = #tpu.pipeline_mode<synchronous>, transform_indices = @transform_1, window_bounds = array<i64: 16, 128>}, {transform_indices = @transform_2, window_bounds = array<i64: 4000, 128>}]} {
    %get3A = arith.constant 0 : index
    %get3A_0 = arith.constant 0 : index
    %get3A_1 = vector.load %arg1[%get3A, %get3A_0] : memref<4000x16xf32, #tpu.memory_space<vmem>>, vector<4000x16xf32>
    %get3A_2 = arith.constant 0 : index
    %get3A_3 = arith.constant 0 : index
    %get3A_4 = vector.load %arg2[%get3A_2, %get3A_3] : memref<16x128xf32, #tpu.memory_space<vmem>>, vector<16x128xf32>
    %dot_general3A = arith.constant dense<0.000000e+00> : vector<4000x128xf32>
    %dot_general3A_5 = tpu.matmul %get3A_1, %get3A_4, %dot_general3A {dimension_numbers = #tpu.dot_dimension_numbers<[1], [0], [0], [1], [0, 0, 1, 1], [], []>, precision = #tpu.contract_precision<fp32>, transpose_lhs_hint = false} : vector<4000x16xf32>, vector<16x128xf32>, vector<4000x128xf32> -> vector<4000x128xf32>
    %swap3A = arith.constant 0 : index
    %swap3A_6 = arith.constant 0 : index
    %swap3A_7 = vector.load %arg3[%swap3A, %swap3A_6] : memref<4000x128xf32, #tpu.memory_space<vmem>>, vector<4000x128xf32>
    tpu.vector_store %arg3[%swap3A, %swap3A_6], %dot_general3A_5 {strides = array<i32>} : memref<4000x128xf32, #tpu.memory_space<vmem>>, vector<4000x128xf32>,
    return
  }
  func.func @transform_0(%arg0: i32) -> (i32, i32) {
    %c0_i32 = arith.constant 0 : i32
    %c0_i32_0 = arith.constant 0 : i32
    return %arg0, %c0_i32 : i32, i32
  }
  func.func @transform_1(%arg0: i32) -> (i32, i32) {
    %c0_i32 = arith.constant 0 : i32
    %c0_i32_0 = arith.constant 0 : i32
    %c0_i32_1 = arith.constant 0 : i32
    return %c0_i32, %c0_i32_0 : i32, i32
  }
  func.func @transform_2(%arg0: i32) -> (i32, i32) {
    %c0_i32 = arith.constant 0 : i32
    %c0_i32_0 = arith.constant 0 : i32
    return %arg0, %c0_i32 : i32, i32
  }
}

module attributes {stable_mosaic.version = 14 : i64} {
  func.func @_combine_body(%arg0: i32, %arg1: memref<2x2000x128xf32, #tpu.memory_space<vmem>>, %arg2: memref<2x2000x16xf32, #tpu.memory_space<vmem>>, %arg3: memref<2000x128xf32, #tpu.memory_space<vmem>>, %arg4: memref<128x32xf32, #tpu.memory_space<vmem>>, %arg5: memref<1x32xf32, #tpu.memory_space<vmem>>, %arg6: memref<16x128xf32, #tpu.memory_space<vmem>>, %arg7: memref<128x32xf32, #tpu.memory_space<vmem>>, %arg8: memref<2000x32xf32, #tpu.memory_space<vmem>>) attributes {dimension_semantics = [#tpu.dimension_semantics<arbitrary>], iteration_bounds = array<i64: 5>, scalar_prefetch = 0 : i64, scratch_operands = 0 : i64, tpu.core_type = #tpu.core_type<tc>, window_params = [{transform_indices = @transform_0, window_bounds = array<i64: 2, 2000, 128>}, {transform_indices = @transform_1, window_bounds = array<i64: 2, 2000, 16>}, {transform_indices = @transform_2, window_bounds = array<i64: 2000, 128>}, {pipeline_mode = #tpu.pipeline_mode<synchronous>, transform_indices = @transform_3, window_bounds = array<i64: 128, 32>}, {pipeline_mode = #tpu.pipeline_mode<synchronous>, transform_indices = @transform_4, window_bounds = array<i64: 1, 32>}, {pipeline_mode = #tpu.pipeline_mode<synchronous>, transform_indices = @transform_5, window_bounds = array<i64: 16, 128>}, {pipeline_mode = #tpu.pipeline_mode<synchronous>, transform_indices = @transform_6, window_bounds = array<i64: 128, 32>}, {transform_indices = @transform_7, window_bounds = array<i64: 2000, 32>}]} {
    %get3A = arith.constant 0 : index
    %get3A_0 = arith.constant 0 : index
    %get3A_1 = arith.constant 0 : index
    %get3A_2 = vector.load %arg1[%get3A, %get3A_0, %get3A_1] : memref<2x2000x128xf32, #tpu.memory_space<vmem>>, vector<1x2000x128xf32>
    %get3A_3 = vector.shape_cast %get3A_2 : vector<1x2000x128xf32> to vector<2000x128xf32>
    %get3A_4 = arith.constant 1 : index
    %get3A_5 = arith.constant 0 : index
    %get3A_6 = arith.constant 0 : index
    %get3A_7 = vector.load %arg1[%get3A_4, %get3A_5, %get3A_6] : memref<2x2000x128xf32, #tpu.memory_space<vmem>>, vector<1x2000x128xf32>
    %get3A_8 = vector.shape_cast %get3A_7 : vector<1x2000x128xf32> to vector<2000x128xf32>
    %add3A = arith.addf %get3A_3, %get3A_8 : vector<2000x128xf32>
    %get3A_9 = arith.constant 0 : index
    %get3A_10 = arith.constant 0 : index
    %get3A_11 = arith.constant 0 : index
    %get3A_12 = vector.load %arg2[%get3A_9, %get3A_10, %get3A_11] : memref<2x2000x16xf32, #tpu.memory_space<vmem>>, vector<1x2000x16xf32>
    %get3A_13 = vector.shape_cast %get3A_12 : vector<1x2000x16xf32> to vector<2000x16xf32>
    %get3A_14 = arith.constant 1 : index
    %get3A_15 = arith.constant 0 : index
    %get3A_16 = arith.constant 0 : index
    %get3A_17 = vector.load %arg2[%get3A_14, %get3A_15, %get3A_16] : memref<2x2000x16xf32, #tpu.memory_space<vmem>>, vector<1x2000x16xf32>
    %get3A_18 = vector.shape_cast %get3A_17 : vector<1x2000x16xf32> to vector<2000x16xf32>
    %add3A_19 = arith.addf %get3A_13, %get3A_18 : vector<2000x16xf32>
    %get3A_20 = arith.constant 0 : index
    %get3A_21 = arith.constant 0 : index
    %get3A_22 = vector.load %arg6[%get3A_20, %get3A_21] : memref<16x128xf32, #tpu.memory_space<vmem>>, vector<16x128xf32>
    %dot_general3A = arith.constant dense<0.000000e+00> : vector<2000x128xf32>
    %dot_general3A_23 = tpu.matmul %add3A_19, %get3A_22, %dot_general3A {dimension_numbers = #tpu.dot_dimension_numbers<[1], [0], [0], [1], [0, 0, 1, 1], [], []>, precision = #tpu.contract_precision<fp32>, transpose_lhs_hint = false} : vector<2000x16xf32>, vector<16x128xf32>, vector<2000x128xf32> -> vector<2000x128xf32>
    %gt3A = arith.constant 0.000000e+00 : f32
    %gt3A_24 = vector.broadcast %gt3A : f32 to vector<2000x128xf32>
    %gt3A_25 = arith.cmpf ogt, %dot_general3A_23, %gt3A_24 : vector<2000x128xf32>
    %div3A = arith.divf %add3A, %dot_general3A_23 : vector<2000x128xf32>
    %jit3A = arith.constant 0.000000e+00 : f32
    %broadcast_in_dim3A = vector.broadcast %jit3A : f32 to vector<2000x128xf32>
    %select_n3A = arith.select %gt3A_25, %div3A, %broadcast_in_dim3A : vector<2000x128xi1>, vector<2000x128xf32>
    %get3A_26 = arith.constant 0 : index
    %get3A_27 = arith.constant 0 : index
    %get3A_28 = vector.load %arg7[%get3A_26, %get3A_27] : memref<128x32xf32, #tpu.memory_space<vmem>>, vector<128x32xf32>
    %dot_general3A_29 = arith.constant dense<0.000000e+00> : vector<2000x32xf32>
    %dot_general3A_30 = tpu.matmul %select_n3A, %get3A_28, %dot_general3A_29 {dimension_numbers = #tpu.dot_dimension_numbers<[1], [0], [0], [1], [0, 0, 1, 1], [], []>, precision = #tpu.contract_precision<fp32>, transpose_lhs_hint = false} : vector<2000x128xf32>, vector<128x32xf32>, vector<2000x32xf32> -> vector<2000x32xf32>
    %get3A_31 = arith.constant 0 : index
    %get3A_32 = arith.constant 0 : index
    %get3A_33 = vector.load %arg3[%get3A_31, %get3A_32] : memref<2000x128xf32, #tpu.memory_space<vmem>>, vector<2000x128xf32>
    %get3A_34 = arith.constant 0 : index
    %get3A_35 = arith.constant 0 : index
    %get3A_36 = vector.load %arg4[%get3A_34, %get3A_35] : memref<128x32xf32, #tpu.memory_space<vmem>>, vector<128x32xf32>
    %dot_general3A_37 = arith.constant dense<0.000000e+00> : vector<2000x32xf32>
    %dot_general3A_38 = tpu.matmul %get3A_33, %get3A_36, %dot_general3A_37 {dimension_numbers = #tpu.dot_dimension_numbers<[1], [0], [0], [1], [0, 0, 1, 1], [], []>, precision = #tpu.contract_precision<fp32>, transpose_lhs_hint = false} : vector<2000x128xf32>, vector<128x32xf32>, vector<2000x32xf32> -> vector<2000x32xf32>
    %get3A_39 = arith.constant 0 : index
    %get3A_40 = arith.constant 0 : index
    %get3A_41 = vector.load %arg5[%get3A_39, %get3A_40] : memref<1x32xf32, #tpu.memory_space<vmem>>, vector<1x32xf32>
    %add3A_42 = vector.broadcast %get3A_41 : vector<1x32xf32> to vector<2000x32xf32>
    %add3A_43 = arith.addf %dot_general3A_38, %add3A_42 : vector<2000x32xf32>
    %add3A_44 = arith.addf %add3A_43, %dot_general3A_30 : vector<2000x32xf32>
    %max3A = arith.constant 0.000000e+00 : f32
    %max3A_45 = vector.broadcast %max3A : f32 to vector<2000x32xf32>
    %max3A_46 = arith.maximumf %add3A_44, %max3A_45 : vector<2000x32xf32>
    %swap3A = arith.constant 0 : index
    %swap3A_47 = arith.constant 0 : index
    %swap3A_48 = vector.load %arg8[%swap3A, %swap3A_47] : memref<2000x32xf32, #tpu.memory_space<vmem>>, vector<2000x32xf32>
    tpu.vector_store %arg8[%swap3A, %swap3A_47], %max3A_46 {strides = array<i32>} : memref<2000x32xf32, #tpu.memory_space<vmem>>, vector<2000x32xf32>,
    return
  }
  func.func @transform_0(%arg0: i32) -> (i32, i32, i32) {
    %c0_i32 = arith.constant 0 : i32
    %c0_i32_0 = arith.constant 0 : i32
    %c0_i32_1 = arith.constant 0 : i32
    return %c0_i32, %arg0, %c0_i32_0 : i32, i32, i32
  }
  func.func @transform_1(%arg0: i32) -> (i32, i32, i32) {
    %c0_i32 = arith.constant 0 : i32
    %c0_i32_0 = arith.constant 0 : i32
    %c0_i32_1 = arith.constant 0 : i32
    return %c0_i32, %arg0, %c0_i32_0 : i32, i32, i32
  }
  func.func @transform_2(%arg0: i32) -> (i32, i32) {
    %c0_i32 = arith.constant 0 : i32
    %c0_i32_0 = arith.constant 0 : i32
    return %arg0, %c0_i32 : i32, i32
  }
  func.func @transform_3(%arg0: i32) -> (i32, i32) {
    %c0_i32 = arith.constant 0 : i32
    %c0_i32_0 = arith.constant 0 : i32
    %c0_i32_1 = arith.constant 0 : i32
    return %c0_i32, %c0_i32_0 : i32, i32
  }
  func.func @transform_4(%arg0: i32) -> (i32, i32) {
    %c0_i32 = arith.constant 0 : i32
    %c0_i32_0 = arith.constant 0 : i32
    %c0_i32_1 = arith.constant 0 : i32
    return %c0_i32, %c0_i32_0 : i32, i32
  }
  func.func @transform_5(%arg0: i32) -> (i32, i32) {
    %c0_i32 = arith.constant 0 : i32
    %c0_i32_0 = arith.constant 0 : i32
    %c0_i32_1 = arith.constant 0 : i32
    return %c0_i32, %c0_i32_0 : i32, i32
  }
  func.func @transform_6(%arg0: i32) -> (i32, i32) {
    %c0_i32 = arith.constant 0 : i32
    %c0_i32_0 = arith.constant 0 : i32
    %c0_i32_1 = arith.constant 0 : i32
    return %c0_i32, %c0_i32_0 : i32, i32
  }
  func.func @transform_7(%arg0: i32) -> (i32, i32) {
    %c0_i32 = arith.constant 0 : i32
    %c0_i32_0 = arith.constant 0 : i32
    return %arg0, %c0_i32 : i32, i32
  }
}

</mosaic_0001>

<sc_bundles>
// kernel: kernel.6.cloned.1.call-start
scs
__scs_entry_jumppad:
0x0: {  	(pc) =	sbr.rel $0x88, $3  }
0x1: {  	(tag) =	ssettag $0x0;
	lr =	simm.s32 $0x1  }
0x2: {  	[smem:$0x3F94] =	sst lr;
	_ =	strace $0xD0000000  }
0x3: {  	_ = 	snop  }
0x4: {  	_ = 	snop  }
0x5: {  	_ = 	snop  }
0x6: {  	_ = 	snop  }
0x7: {  	_ = 	snop  }
__scs_overlays_trampoline_lowered:
0x8: {  	[smem:$0x3FA3] =	sst s0  }
0x9: {  	[smem:$0x3FA4] =	sst s1  }
0xa: {  	[smem:$0x3FA5] =	sst s2  }
0xb: {  	[smem:$0x3FA6] =	sst s3  }
0xc: {  	[smem:$0x3FA7] =	sst s4  }
0xd: {  	[smem:$0x3FA8] =	sst s5  }
0xe: {  	[smem:$0x3FA9] =	sst s6  }
0xf: {  	[smem:$0x3FAA] =	sst s7  }
0x10: {  	[smem:$0x3FAB] =	sst s8  }
0x11: {  	[smem:$0x3FAC] =	sst s9;
	s0 =	simm.s32 @!p0 $0x0  }
0x12: {  	s1 =	sld [smem:$0x3F92];
	s0 =	simm.s32 @p0 $0x1  }
0x13: {  	[smem:$0x3FAD] =	sst s0;
	s0 =	simm.s32 @!p1 $0x0  }
0x14: {  	s2 =	sld [smem:$0x3F91];
	s0 =	simm.s32 @p1 $0x1  }
0x15: {  	[smem:$0x3FAE] =	sst s0;
	s0 =	simm.s32 @!p2 $0x0  }
0x16: {  	s3 =	sld [smem:$0x3FDB];
	s0 =	simm.s32 @p2 $0x1  }
0x17: {  	s4 =	simm.s32 $0x1BF5;
	[smem:$0x3FB0] =	sst s0  }
0x18: {  	s0 =	sld [smem:$0x3F93];
	_ =	swait.ge [sflag:s4], $0x0  }
0x19: {  	s7 =	sld [smem:$0x3F94]  }
0x1a: {  	s8 =	sadd.s32 $0xFFFFE003, lr  }
0x1b: {  	s9 =	sadd.s32 $0xFFFFFEF7, lr;
	s5 =	simm.s32 $0xFFFFFFFF;
	p2 =	slt.u32 s8, $0xFFFFF086  }
0x1c: {  	p1 =	slt.u32 s9, $0xF7A;
	s5 =	simm.s32 @!p2 $0x0  }
0x1d: {  	s5 =	simm.s32 @p1 $0x1;
	p0 =	seq.s32 s7, s2  }
0x1e: {  	s7 =	smul.u32 @!p0 $0xF7A, s2;
	p2 =	seq.s32 @!p0 s5, $0x0  }
0x1f: {  	s9 =	smul.u32 $0xF7A, s1;
	s8 =	simm.s32 @!p0 $0x1BF5;
	p2 =	por !p2, p0  }
0x20: {  	[sflag:s8] =	ssyncset.s32 @!p0 $0xFFFFF086;
	s6 =	sadd.s32 @!p0 s3, s7;
	s7 =	simm.s32 @!p0 $0x108  }
0x21: {  	s3 =	sadd.s32 s3, s9;
	s6 =	sadd.s32 @!p0 $0x88, s6;
	s7 =	simm.s32 @p2 $0x1082  }
0x22: {  	[simem:s7], [sflag:s8] =	dma.local @!p0 [hbm:s6], $0xF7A  }
0x23: {  	s9 =	sor.u32 $0xD0000000, s2;
	s6 =	simm.s32 $0x108;
	_ =	swait.ge @!p0 [sflag:s8], $0x0  }
0x24: {  	s3 =	sadd.s32 $0x88, s3;
	s6 =	simm.s32 @!p1 $0x1082;
	[sflag:s4] =	ssyncset.s32 $0xFFFFF086  }
0x25: {  	[simem:s6], [sflag:s4] =	dma.local [hbm:s3], $0xF7A  }
0x26: {  	[smem:$0x3F94] =	sst s1;
	(tag) =	ssettag s2;
	_ =	strace s9  }
0x27: {  	s1 =	sld [smem:$0x3FA4]  }
0x28: {  	s2 =	sld [smem:$0x3FA5]  }
0x29: {  	s4 =	sld [smem:$0x3FA7]  }
0x2a: {  	p0 =	seq.s32 s5, $0x0;
	s5 =	sld [smem:$0x3FA8]  }
0x2b: {  	s6 =	sld [smem:$0x3FA9]  }
0x2c: {  	s7 =	sld [smem:$0x3FAA]  }
0x2d: {  	s3 =	simm.s32 $0x108;
	s8 =	sld [smem:$0x3FAB]  }
0x2e: {  	s3 =	simm.s32 @!p0 $0x1082;
	s9 =	sld [smem:$0x3FAC]  }
0x2f: {  	lr =	sadd.s32 s0, s3;
	s0 =	sld [smem:$0x3FA3]  }
0x30: {  	s3 =	sld [smem:$0x3FA6]  }
0x31: {  	[smem:$0x3FAF] =	sst s10  }
0x32: {  	s10 =	sld [smem:$0x3FAD];
	_ =	sdelay $0x3  }
0x33: {  	p0 =	seq.s32 s10, $0x1;
	s10 =	sld [smem:$0x3FAF];
	_ =	sdelay $0x3  }
0x34: {  	[smem:$0x3FAF] =	sst s10  }
0x35: {  	s10 =	sld [smem:$0x3FAE];
	_ =	sdelay $0x3  }
0x36: {  	p1 =	seq.s32 s10, $0x1;
	s10 =	sld [smem:$0x3FAF];
	_ =	sdelay $0x3  }
0x37: {  	[smem:$0x3FAF] =	sst s10  }
0x38: {  	s10 =	sld [smem:$0x3FB0]  }
0x39: {  	_ = 	snop;
	(pc) =	sbr.ind lr, $3  }
0x3a: {  	_ = 	snop  }
0x3b: {  	_ = 	snop  }
0x3c: {  	p2 =	seq.s32 s10, $0x1;
	s10 =	sld [smem:$0x3FAF]  }
0x3d: {  	_ =	shalt  }
0x3e: {  	_ =	shalt  }
0x3f: {  	_ =	shalt  }
0x40: {  	_ =	shalt  }
0x41: {  	_ =	shalt  }
0x42: {  	_ =	shalt  }
0x43: {  	_ =	shalt  }
0x44: {  	_ =	shalt  }
0x45: {  	_ =	shalt  }
0x46: {  	_ =	shalt  }
0x47: {  	_ =	shalt  }
0x48: {  	_ =	shalt  }
0x49: {  	_ =	shalt  }
0x4a: {  	_ =	shalt  }
0x4b: {  	_ =	shalt  }
0x4c: {  	_ =	shalt  }
0x4d: {  	_ =	shalt  }
0x4e: {  	_ =	shalt  }
0x4f: {  	_ =	shalt  }
0x50: {  	_ =	shalt  }
0x51: {  	_ =	shalt  }
0x52: {  	_ =	shalt  }
0x53: {  	_ =	shalt  }
0x54: {  	_ =	shalt  }
0x55: {  	_ =	shalt  }
0x56: {  	_ =	shalt  }
0x57: {  	_ =	shalt  }
0x58: {  	_ =	shalt  }
0x59: {  	_ =	shalt  }
0x5a: {  	_ =	shalt  }
0x5b: {  	_ =	shalt  }
0x5c: {  	_ =	shalt  }
0x5d: {  	_ =	shalt  }
0x5e: {  	_ =	shalt  }
0x5f: {  	_ =	shalt  }
0x60: {  	_ =	shalt  }
0x61: {  	_ =	shalt  }
0x62: {  	_ =	shalt  }
0x63: {  	_ =	shalt  }
0x64: {  	_ =	shalt  }
0x65: {  	_ =	shalt  }
0x66: {  	_ =	shalt  }
0x67: {  	_ =	shalt  }
0x68: {  	_ =	shalt  }
0x69: {  	_ =	shalt  }
0x6a: {  	_ =	shalt  }
0x6b: {  	_ =	shalt  }
0x6c: {  	_ =	shalt  }
0x6d: {  	_ =	shalt  }
0x6e: {  	_ =	shalt  }
0x6f: {  	_ =	shalt  }
0x70: {  	_ =	shalt  }
0x71: {  	_ =	shalt  }
0x72: {  	_ =	shalt  }
0x73: {  	_ =	shalt  }
0x74: {  	_ =	shalt  }
0x75: {  	_ =	shalt  }
0x76: {  	_ =	shalt  }
0x77: {  	_ =	shalt  }
0x78: {  	_ =	shalt  }
0x79: {  	_ =	shalt  }
0x7a: {  	_ =	shalt  }
0x7b: {  	_ =	shalt  }
0x7c: {  	_ =	shalt  }
0x7d: {  	_ =	shalt  }
0x7e: {  	_ =	shalt  }
0x7f: {  	_ =	shalt  }
0x80: {  	_ =	shalt  }
0x81: {  	_ =	shalt  }
0x82: {  	_ =	shalt  }
0x83: {  	_ =	shalt  }
0x84: {  	_ =	shalt  }
0x85: {  	_ =	shalt  }
0x86: {  	_ =	shalt  }
0x87: {  	_ =	shalt  }
.Lfunc_end0:
.L_simem_size_0:
called_computation_lowered:
.L_overlay_start_0:
0x88: {  	s2 =	sld [smem:$0x3FD9]  }
0x89: {  	s3 =	sld [smem:$0x3FFE];
	_ =	sdelay $0x1  }
0x8a: {  	s1 =	srdreg.scid  }
0x8b: {  	s0 =	sand.u32 $0x1, s1  }
0x8c: {  	s17 =	sshll.u32 s0, $0xA;
	s2 =	sadd.s32 s3, s2  }
0x8d: {  	s2 =	sadd.s32 s2, s17  }
0x8e: {  	[smem:$0x3FBB] =	sst s2  }
0x8f: {  	_ = 	snop  }
0x90: {  	s2 =	sld [smem:$0x3FC7]  }
0x91: {  	s18 =	sld [smem:$0x3FC6]  }
0x92: {  	s4 =	sld [smem:$0x3FD0];
	(tm) =	ssettm $0x1  }
0x93: {  	s5 =	sld [smem:$0x3FFB];
	_ =	sdelay $0x3  }
0x94: {  	_ =	strace s5  }
0x95: {  	s5 =	sld [smem:$0x3FFC];
	_ =	sdelay $0x3  }
0x96: {  	_ =	strace s5  }
0x97: {  	s5 =	sld [smem:$0x3FFD];
	_ =	sdelay $0x3  }
0x98: {  	_ =	strace s5  }
0x99: {  	_ =	strace $0x8FFFFFFF  }
0x9a: {  	s19 =	sld [smem:$0x3FDB];
	_ =	sdelay $0x1  }
0x9b: {  	s6 =	simm.s32 $_scs_section_size  }
0x9c: {  	s7 =	simm.s32 $_size__tile_overlayer_lowered;
	s8 =	simm.s32 $_tile_overlayer_lowered  }
0x9d: {  	s22 =	simm.s32 $0x1BFF;
	s21 =	sshll.u32 s8, $0x1;
	s5 =	sadd.s32 s6, s19  }
0x9e: {  	s9 =	simm.s32 $0x0;
	s20 =	sshll.u32 s7, $0x1;
	s7 =	sadd.s32 s21, s5  }
0x9f: {  	[timem:s9], [sflag:s22] =	dma.local [hbm:s7], s20  }
0xa0: {  	_ =	swait.ge [sflag:s22], s20  }
0xa1: {  	s6 =	ssub.s32 $0x0, s20;
	[sflag:s22] =	ssyncset.done $0x0  }
0xa2: {  	[sflag:s22] =	ssyncadd.s32 s6;
	_ =	sdelay $0x1  }
0xa3: {  	s23 =	simm.s32 $0x1B8B  }
0xa4: {  	_ =	swait.ge [sflag:s23], $0x1  }
0xa5: {  	[sflag:s23] =	ssyncset.done $0x0  }
0xa6: {  	s25 =	simm.s32 $0x1B8E;
	s24 =	sld [smem:$0x3FFE];
	[sflag:s23] =	ssyncadd.s32 $0xFFFFFFFF  }
0xa7: {  	s26 =	simm.s32 $execute0_lowered;
	[smem:$0x3FD2] =	sst s25  }
0xa8: {  	s7 =	sshll.u32 s26, $0x1;
	_ =	strace $0x80000046;
	[dreg:$0x1] =	wrdreg $0xFFFFFFFF  }
0xa9: {  	s28 =	simm.s32 $_size_execute0_lowered;
	s5 =	sadd.s32 s5, s7;
	[dreg:$0x0] =	wrdreg $0x0  }
0xaa: {  	s7 =	sshll.u32 s28, $0x1;
	[dreg:$0x2] =	wrdreg s5  }
0xab: {  	[dreg:$0x3] =	wrdreg s7  }
0xac: {  	[dreg:$0x4] =	wrdreg $0xC0  }
0xad: {  	_ =	task [dreg:s9], $0x5FFFF  }
0xae: {  	[dreg:$0x1] =	wrdreg $0xFFFFFFFF  }
0xaf: {  	[dreg:$0x0] =	wrdreg $0x60  }
0xb0: {  	[dreg:$0x2] =	wrdreg s24  }
0xb1: {  	[dreg:$0x3] =	wrdreg s2  }
0xb2: {  	[dreg:$0x4] =	wrdreg s18  }
0xb3: {  	[dreg:$0x5] =	wrdreg s4  }
0xb4: {  	[dreg:$0x6] =	wrdreg $0x0  }
0xb5: {  	[dreg:$0x7] =	wrdreg $0x54000  }
0xb6: {  	[dreg:$0x8] =	wrdreg $0x9  }
0xb7: {  	_ =	task.clear_ibuf [dreg:s9], $0x9FFFF;
	_ =	strace $0x90000046  }
0xb8: {  	s29 =	simm.s32 $0x9;
	_ =	strace $0x80000048  }
0xb9: {  	_ =	swait.ge [sflag:s29], $0x1  }
0xba: {  	[sflag:s29] =	ssyncadd.s32 $0xFFFFFFFF  }
0xbb: {  	_ =	strace $0x90000048  }
0xbc: {  	_ =	sfence  }
0xbd: {  	s30 =	sld [smem:$0x0];
	_ =	sdelay $0x2  }
0xbe: {  	s31 =	sshll.u32 s1, $0xD;
	s1 =	sshrl.u32 s1, $0x2  }
0xbf: {  	s3 =	sand.u32 $0x4000, s31;
	s1 =	sadd.s32 s1, s30  }
0xc0: {  	s0 =	sor.u32 s3, s0;
	s1 =	sshll.u32 s1, $0x11  }
0xc1: {  	s0 =	sor.u32 s1, s0  }
0xc2: {  	s0 =	sadd.s32 $0x8F2B, s0  }
0xc3: {  	[sflag:s0] =	ssyncadd.remote.s32 $0x1  }
0xc4: {  	_ =	sfence.sel $0xFFFF  }
0xc5: {  	[dreg:$0x0] =	wrdreg $0xFFFFFFFF;
	(pc) =	sbr.abs _section_cstart, $3  }
0xc6: {  	[dreg:$0x1] =	wrdreg $0xFFFFFFFF  }
0xc7: {  	_ =	task.clear_ibuf [dreg:s9], $0x2FFFF;
	_ =	strace $0x9FFFFFFF  }
0xc8: {  	(tm) =	ssettm $0x7FFFFFFF  }
0xc9: {  	_ =	shalt  }
tec
execute0_lowered:
.L_overlay_start_1:
0x0: {  	(tag) =	ssettag $0x1  }
0x1: {  	s0 =	rddreg [dreg:$0x0]  }
0x2: {  	s1 =	rddreg [dreg:$0x1]  }
0x3: {  	s3 =	rddreg [dreg:$0x2]  }
0x4: {  	s2 =	rddreg [dreg:$0x4]  }
0x5: {  	s4 =	rddreg [dreg:$0x5]  }
0x6: {  	s6 =	simm.s32 $0x0;
	s5 =	srdreg.scid;
	s14 =	stileid.u32  }
0x7: {  	s28 =	simm.s32 $0xACA0;
	s29 =	simm.s32 $0x5;
	s30 =	simm.s32 $0x1ECA0  }
0x8: {  	s31 =	simm.s32 $0x2;
	[smem:$0x7FF] =	sst s6;
	s5 =	sand.u32 $0x1, s5  }
0x9: {  	v0 =	vimm.s32 $0xEFCDAB89;
	v1 =	vimm.s32 $0x67452301;
	s18 =	sshll.u32 s14, $0x1;
	s7 =	sadd.s32 $0x2A00, s0;
	s8 =	sadd.s32 $0x29C00, s0  }
0xa: {  	v2 =	vimm.s32 $0xDCFE98BA;
	s9 =	sadd.s32 $0x559E00, s0;
	s12 =	sadd.s32 $0x77E00, s0;
	s19 =	smul.u32 $0x5400, s14  }
0xb: {  	v3 =	vimm.s32 $0x54761032;
	s13 =	sadd.s32 $0x82800, s0;
	s14 =	smul.u32 $0xA80, s14;
	s0 =	sadd.s32 $0x78000, s0  }
0xc: {  	v4 =	vimm.s32 $0xBA98FEDC;
	_ =	strace $0x80000047;
	[dreg:$0x7] =	wrdreg s12;
	s22 =	smul.u32 $0x150000, s5  }
0xd: {  	v5 =	vimm.s32 $0x32107654;
	v6 =	vimm.s32 $0xFEDCBA98;
	s10 =	sor.u32 s5, s18;
	[dreg:$0x8] =	wrdreg s13;
	s24 =	smul.u32 $0x2A000, s5  }
0xe: {  	v7 =	vimm.s32 $0x76543210;
	vm0 =	vmmov $0x1;
	vm1 =	vcmask $0x308;
	s20 =	ssub.s32 $0x2, s5;
	[dreg:$0x9] =	wrdreg s0;
	s6 =	smul.u32 $0x7D, s10  }
0xf: {  	vm2 =	vcmask $0x70C;
	v0 =	vunpack.c.l.s4.s8 v0;
	v1 =	vunpack.c.l.s4.s8 v1;
	s11 =	smul.u32 $0x4E2, s10;
	s21 =	sshrl.u32 s20, $0x1;
	s23 =	sadd.s32 s19, s2  }
0x10: {  	v2 =	vunpack.c.l.s4.s8 v2;
	v3 =	vunpack.c.l.s4.s8 v3;
	v4 =	vunpack.c.l.s4.s8 v4;
	s10 =	smul.u32 $0x27100, s10;
	s25 =	sadd.s32 s14, s4;
	[dreg:$0xc] =	wrdreg s23  }
0x11: {  	v5 =	vunpack.c.l.s4.s8 v5;
	v6 =	vunpack.c.l.s4.s8 v6;
	v0 =	vunpack.c.0.s8.s32 v0;
	s0 =	ssub.s32 s20, s21;
	[dreg:$0xd] =	wrdreg s25;
	s1 =	sadd.s32 s1, s11  }
0x12: {  	v1 =	vunpack.c.0.s8.s32 v1;
	v2 =	vunpack.c.0.s8.s32 v2;
	v3 =	vunpack.c.0.s8.s32 v3;
	s25 =	simm.s32 $0x1F1A0;
	s3 =	sadd.s32 s3, s11;
	[dreg:$0xa] =	wrdreg s1  }
.Ltmp0:
0x13: {  	v7 =	vunpack.c.l.s4.s8 v7;
	v4 =	vunpack.c.0.s8.s32 v4;
	v5 =	vunpack.c.0.s8.s32 v5;
	s26 =	sadd.s32 s9, s10;
	[dreg:$0xb] =	wrdreg s3;
	(pc) =	sbr.rel .LBB2_1-.Ltmp0, $4  }
0x14: {  	s21 =	simm.s32 $0x4;
	v1 =	vcombine.low v1, v0;
	v2 =	vcombine.low v3, v2;
	s0 =	smax.u32 s0, $0x1;
	v3 =	vunpack.c.0.s8.s32 v6;
	[dreg:$0xe] =	wrdreg s26  }
0x15: {  	vm3 =	vcmask $0xB10;
	v4 =	vcombine.low v5, v4;
	v5 =	vunpack.c.0.s8.s32 v7;
	s1 =	sadd.s32 s22, s19;
	s19 =	sadd.s32 s24, s14;
	[dreg:$0x10] =	wrdreg s0  }
0x16: {  	v0 =	vimm.f32 $0.0e+00;
	s22 =	simm.s32 $0x3;
	s24 =	simm.s32 $0x1;
	s26 =	simm.s32 $0x50;
	v1 =	vand.u32 $0xF, v1;
	v6 =	vand.u32 $0xF, v3  }
0x17: {  	s0 =	simm.s32 $0xD4A0;
	s3 =	simm.s32 $0x0;
	[dreg:$0xf] =	wrdreg s1;
	v2 =	vand.u32 $0xF, v2;
	v3 =	vand.u32 $0xF, v4;
	v4 =	vcombine.low v6, v5  }
.LBB2_17:
0x18: {  	s3 =	rddreg [dreg:$0x11]  }
0x19: {  	s1 =	rddreg [dreg:$0x10];
	s3 =	sadd.s32 $0x1, s3  }
0x1a: {  	p0 =	sne.s32 s3, s1  }
.Ltmp1:
0x1b: {  	_ = 	snop;
	(pc) =	sbr.rel @!p0 .LBB2_18-.Ltmp1, $1  }
0x1c: {  	_ =	sdelay $0x3  }
.LBB2_1:
0x1d: {  	[dreg:$0x11] =	wrdreg s3  }
0x1e: {  	s1 =	simm.s32 $0x0;
	s17 =	rddreg [dreg:$0xa];
	s5 =	simm.s32 $0x5E80  }
0x1f: {  	[tilespmem:s5], [sflag:$0x3] =	stream.linear.gather [hbm4b:s17+s1], $0x2710, $0x38;
	[tilespmem:$0x1F1F0] =	vst v63  }
0x20: {  	_ =	swait.ge [sflag:s22], $0x2710  }
0x21: {  	s20 =	simm.s32 $0x8590;
	[sflag:s22] =	ssyncset.done $0x0  }
.Ltmp2:
0x22: {  	s18 =	rddreg [dreg:$0xb];
	[sflag:s22] =	ssyncadd.s32 $0xFFFFD8F0;
	(pc) =	sbr.rel .LBB2_2-.Ltmp2, $4  }
0x23: {  	[tilespmem:s20], [sflag:$0x3] =	stream.linear.gather [hbm4b:s18+s1], $0x2710, $0x38;
	[tilespmem:$0x1F1F0] =	vst v63  }
0x24: {  	s23 =	stileid.u32;
	_ =	swait.ge [sflag:s22], $0x2710  }
0x25: {  	s1 =	sshll.u32 s23, $0x6;
	[sflag:s22] =	ssyncset.done $0x0  }
0x26: {  	s5 =	simm.s32 $0x0;
	s3 =	sor.u32 $0x1C03, s1;
	[sflag:s22] =	ssyncadd.s32 $0xFFFFD8F0  }
.LBB2_16:
0x27: {  	s1 =	smul.u32 $0x54000, s5  }
0x28: {  	s10 =	rddreg [dreg:$0xf]  }
0x29: {  	[bflag:$0x0] =	sbarrier.arrive $0xFFFF;
	s1 =	sadd.s32 s1, s10  }
0x2a: {  	s17 =	rddreg [dreg:$0x8];
	s1 =	sshrl.u32 s1, $0x3  }
0x2b: {  	s18 =	smul.u32 $0xA800, s5;
	s1 =	sadd.s32 s17, s1  }
0x2c: {  	[hbm:s1], [sflag:s3] =	dma.local [spmem:s14], $0xA80  }
0x2d: {  	s5 =	sadd.s32 $0x1, s5;
	s20 =	sadd.s32 s18, s19;
	_ =	swait.ge [sflag:s22], $0xA80  }
0x2e: {  	s1 =	sshrl.u32 s20, $0x3;
	[sflag:s22] =	ssyncset.done $0x0;
	s23 =	rddreg [dreg:$0x9]  }
0x2f: {  	p0 =	sne.s32 s5, $0x4;
	[sflag:s22] =	ssyncadd.s32 $0xFFFFF580;
	s1 =	sadd.s32 s23, s1  }
0x30: {  	[hbm:s1], [sflag:s3] =	dma.local [spmem:s13], $0x150  }
.Ltmp3:
0x31: {  	_ =	swait.ge [sflag:s22], $0x150;
	(pc) =	sbr.rel @!p0 .LBB2_17-.Ltmp3, $3  }
0x32: {  	[sflag:s22] =	ssyncset.done $0x0  }
0x33: {  	[sflag:s22] =	ssyncadd.s32 $0xFFFFFEB0  }
0x34: {  	[bflag:$0x0] =	sbarrier.arrive $0xFFFF;
	_ =	sdelay $0x1  }
.LBB2_2:
0x35: {  	s1 =	rddreg [dreg:$0xc]  }
0x36: {  	s15 =	rddreg [dreg:$0x3];
	s14 =	sshrl.u32 s1, $0x3  }
0x37: {  	[spmem:s14], [sflag:s3] =	dma.local [hbm:s15], $0xA80  }
0x38: {  	_ =	swait.ge [sflag:s22], $0xA80  }
0x39: {  	[sflag:s22] =	ssyncset.done $0x0;
	s16 =	rddreg [dreg:$0xd]  }
0x3a: {  	s17 =	rddreg [dreg:$0x7];
	[sflag:s22] =	ssyncadd.s32 $0xFFFFF580;
	s13 =	sshrl.u32 s16, $0x3  }
0x3b: {  	[spmem:s13], [sflag:s3] =	dma.local [hbm:s17], $0x150  }
0x3c: {  	_ =	swait.ge [sflag:s22], $0x150  }
0x3d: {  	[sflag:s22] =	ssyncset.done $0x0  }
0x3e: {  	[sflag:s22] =	ssyncadd.s32 $0xFFFFFEB0  }
0x3f: {  	[bflag:$0x0] =	sbarrier.arrive $0xFFFF  }
0x40: {  	v5 =	vld [tilespmem:$0x8590]  }
0x41: {  	v6 =	vld [tilespmem:$0x85D0];
	_ =	sdelay $0x3  }
0x42: {  	(v2sf) =	vpush v5, $0x0  }
0x43: {  	(v2sf) =	vpush v6, $0xF;
	_ =	sdelay $0xb  }
0x44: {  	s20 =	smul.u32 $0xA00, s5;
	_ =	sdelay $0x1  }
0x45: {  	s23 =	sadd.s32 $0xA00, s20;
	s18 =	spop (v2sf)  }
0x46: {  	s10 =	spop (v2sf);
	p0 =	sge.s32 s18, s23  }
0x47: {  	p1 =	slt.s32 @!p0 s10, s20  }
0x48: {  	p0 =	por p1, p0  }
0x49: {  	s1 =	simm.s32 @!p0 $0x50;
	s10 =	simm.s32 @!p0 $0x8590;
	s11 =	simm.s32 @!p0 $0xACA0  }
0x4a: {  	[tilespmem:s11], [sflag:$0x1] =	stream.indirect.gather @!p0 [hbm4b:s7+s1], $0x80, s10, s1, $0xb8;
	[tilespmem:$0x1F1F0] =	vst v63  }
.Ltmp4:
0x4b: {  	s10 =	simm.s32 @!p0 $0x5E80;
	s11 =	simm.s32 @!p0 $0xFCA0;
	(pc) =	sbr.rel .LBB2_3-.Ltmp4, $4  }
0x4c: {  	[tilespmem:s11], [sflag:$0x1] =	stream.indirect.gather @!p0 [hbm4b:s8+s1], $0x100, s10, s1, $0xb8;
	[tilespmem:$0x1F1F0] =	vst v63  }
0x4d: {  	s1 =	simm.s32 @!p0 $0x0;
	s10 =	simm.s32 @!p0 $0x19CA0;
	s11 =	rddreg [dreg:$0xe]  }
0x4e: {  	[tilespmem:s10], [sflag:$0x1] =	stream.linear.gather @!p0 [hbm4b:s11+s1], $0x2800, $0x38;
	[tilespmem:$0x1F1F0] =	vst v63  }
0x4f: {  	v5 =	vmov s20;
	s1 =	simm.s32 $0x0  }
.LBB2_10:
0x50: {  	[spmem:s2] =	stream.indirect.scatter.add.f32 [tilespmem:s0], [sflag:$0x5], $0x80, s25, s26, $0xb8;
	[tilespmem:$0x1F1F0] =	vst v63  }
0x51: {  	_ =	swait.ge [sflag:s29], $0x2800  }
0x52: {  	[sflag:s29] =	ssyncset.done $0x0  }
0x53: {  	[sflag:s29] =	ssyncadd.s32 $0xFFFFD800  }
0x54: {  	[spmem:s4] =	stream.indirect.scatter.add.f32 [tilespmem:s30], [sflag:$0x4], $0x10, s25, s26, $0xb8;
	[tilespmem:$0x1F1F0] =	vst v63  }
0x55: {  	_ =	swait.ge [sflag:s21], $0x500  }
0x56: {  	[sflag:s21] =	ssyncset.done $0x0  }
0x57: {  	[sflag:s21] =	ssyncadd.s32 $0xFFFFFB00  }
.LBB2_11:
0x58: {  	s1 =	sadd.s32 $0x1, s1  }
0x59: {  	p0 =	sne.s32 s1, $0x3E  }
.Ltmp5:
0x5a: {  	_ = 	snop;
	(pc) =	sbr.rel @!p0 .LBB2_12-.Ltmp5, $1  }
0x5b: {  	_ =	sdelay $0x3  }
.LBB2_3:
0x5c: {  	s11 =	sshllo.u32 s1, $0x1  }
0x5d: {  	s10 =	smul.u32 $0x50, s11;
	_ =	sdelay $0x1  }
0x5e: {  	v6 =	vld [tilespmem:s10+$0x8590]  }
0x5f: {  	v7 =	vld [tilespmem:s10+$0x85D0];
	_ =	sdelay $0x3  }
0x60: {  	(v2sf) =	vpush v6, $0x0  }
0x61: {  	(v2sf) =	vpush v7, $0xF;
	_ =	sdelay $0xd  }
0x62: {  	s12 =	spop (v2sf)  }
0x63: {  	s15 =	spop (v2sf);
	p0 =	sge.s32 s12, s23  }
0x64: {  	p1 =	slt.s32 @!p0 s15, s20  }
0x65: {  	s17 =	smul.u32 $0x280, s1;
	s12 =	sadd.s32 $0x8590, s10;
	p0 =	por p1, p0  }
0x66: {  	s15 =	simm.s32 @!p0 $0x50;
	s16 =	simm.s32 @!p0 $0xD4A0;
	s11 =	sadd.s32 @!p0 s6, s11  }
0x67: {  	[tilespmem:s16], [sflag:$0x2] =	stream.indirect.gather @!p0 [hbm4b:s7+s15], $0x80, s12, s15, $0xb8;
	[tilespmem:$0x1F1F0] =	vst v63  }
0x68: {  	s12 =	sadd.s32 @!p0 $0x5E80, s10;
	s16 =	simm.s32 @!p0 $0x14CA0;
	s11 =	smul.u32 @!p0 $0x500, s11  }
0x69: {  	[tilespmem:s16], [sflag:$0x2] =	stream.indirect.gather @!p0 [hbm4b:s8+s15], $0x100, s12, s15, $0xb8;
	[tilespmem:$0x1F1F0] =	vst v63  }
0x6a: {  	s11 =	sadd.s32 @!p0 s9, s11;
	s12 =	simm.s32 @!p0 $0x0;
	s15 =	simm.s32 @!p0 $0x1C4A0  }
0x6b: {  	[tilespmem:s15], [sflag:$0x2] =	stream.linear.gather @!p0 [hbm4b:s11+s12], $0x2800, $0x38;
	[tilespmem:$0x1F1F0] =	vst v63  }
0x6c: {  	s11 =	sshra.s32 s17, $0x2  }
0x6d: {  	v6 =	vld [tilespmem:s11+$0x8590]  }
0x6e: {  	v7 =	vld [tilespmem:s11+$0x85D0];
	_ =	sdelay $0x3  }
0x6f: {  	(v2sf) =	vpush v6, $0x0  }
0x70: {  	(v2sf) =	vpush v7, $0xF;
	_ =	sdelay $0xd  }
0x71: {  	s18 =	spop (v2sf)  }
0x72: {  	s15 =	spop (v2sf);
	p0 =	sge.s32 s18, s23  }
0x73: {  	p1 =	slt.s32 @!p0 s15, s20  }
0x74: {  	p0 =	por p0, p1  }
.Ltmp6:
0x75: {  	_ = 	snop;
	(pc) =	sbr.rel @p0 .LBB2_7-.Ltmp6, $1  }
0x76: {  	_ =	sdelay $0x3  }
0x77: {  	_ =	swait.ge [sflag:s24], $0x2800  }
0x78: {  	[sflag:s24] =	ssyncset.done $0x0  }
0x79: {  	[sflag:s24] =	ssyncadd.s32 $0xFFFFD800  }
0x7a: {  	_ =	swait.ge [sflag:s24], $0x5000  }
0x7b: {  	[sflag:s24] =	ssyncset.done $0x0  }
0x7c: {  	[sflag:s24] =	ssyncadd.s32 $0xFFFFB000  }
0x7d: {  	v6 =	vsub.s32 v6, v5;
	_ =	swait.ge [sflag:s24], $0x2800  }
0x7e: {  	v7 =	vadd.s32 $0x8, v6;
	vm4 =	vlt.u32 v6, $0xA00;
	[sflag:s24] =	ssyncset.done $0x0  }
0x7f: {  	v6 =	vnsel vm4, $0x0, v7;
	[sflag:s24] =	ssyncadd.s32 $0xFFFFD800  }
0x80: {  	[tilespmem:$0x1F1A0] =	vst v6  }
0x81: {  	v6 =	vld [tilespmem:s11+$0x85A0];
	_ =	sdelay $0x4  }
0x82: {  	v6 =	vsub.s32 v6, v5  }
0x83: {  	v7 =	vadd.s32 $0x8, v6;
	vm4 =	vlt.u32 v6, $0xA00  }
0x84: {  	v6 =	vnsel vm4, $0x0, v7  }
0x85: {  	[tilespmem:$0x1F1B0] =	vst v6  }
0x86: {  	v6 =	vld [tilespmem:s11+$0x85B0];
	_ =	sdelay $0x4  }
0x87: {  	v6 =	vsub.s32 v6, v5  }
0x88: {  	v7 =	vadd.s32 $0x8, v6;
	vm4 =	vlt.u32 v6, $0xA00  }
0x89: {  	v6 =	vnsel vm4, $0x0, v7  }
0x8a: {  	[tilespmem:$0x1F1C0] =	vst v6  }
0x8b: {  	v6 =	vld [tilespmem:s11+$0x85C0];
	_ =	sdelay $0x4  }
0x8c: {  	v6 =	vsub.s32 v6, v5  }
0x8d: {  	v7 =	vadd.s32 $0x8, v6;
	vm4 =	vlt.u32 v6, $0xA00  }
0x8e: {  	v6 =	vnsel vm4, $0x0, v7  }
0x8f: {  	[tilespmem:$0x1F1D0] =	vst v6  }
0x90: {  	v6 =	vld [tilespmem:s11+$0x85D0];
	_ =	sdelay $0x4  }
0x91: {  	v6 =	vsub.s32 v6, v5  }
0x92: {  	v7 =	vadd.s32 $0x8, v6;
	vm4 =	vlt.u32 v6, $0xA00  }
0x93: {  	s12 =	simm.s32 $0x19DA0;
	s15 =	simm.s32 $0xADA0;
	v6 =	vnsel vm4, $0x0, v7  }
0x94: {  	s16 =	simm.s32 $0x1ECC0;
	s17 =	simm.s32 $0xFEA0;
	s11 =	simm.s32 $0x0;
	[tilespmem:$0x1F1E0] =	vst v6  }
.LBB2_5:
0x95: {  	v6 =	vld [tilespmem:s15+$0xFFFFFF00]  }
0x96: {  	v7 =	vld [tilespmem:s17+$0xFFFFFE00]  }
0x97: {  	v8 =	vld [tilespmem:s15+$0xFFFFFF10]  }
0x98: {  	v9 =	vld [tilespmem:s17+$0xFFFFFE10]  }
0x99: {  	v37 =	vld [tilespmem:s17+$0xFFFFFE20]  }
0x9a: {  	v10 =	vld [tilespmem:s15+$0xFFFFFF30]  }
0x9b: {  	v12 =	vld [tilespmem:s17+$0xFFFFFE30]  }
0x9c: {  	v45 =	vld [tilespmem:s15+$0xFFFFFF40]  }
0x9d: {  	v46 =	vld [tilespmem:s17+$0xFFFFFE40]  }
0x9e: {  	v48 =	vld [tilespmem:s15+$0xFFFFFF50]  }
0x9f: {  	v13 =	vld [tilespmem:s17+$0xFFFFFE50]  }
0xa0: {  	v14 =	vld [tilespmem:s15+$0xFFFFFF60]  }
0xa1: {  	v15 =	vld [tilespmem:s17+$0xFFFFFE60]  }
0xa2: {  	v50 =	vld [tilespmem:s15+$0xFFFFFF70]  }
0xa3: {  	v16 =	vld [tilespmem:s17+$0xFFFFFE70];
	v6 =	vmul.f32 v7, v6;
	v7 =	vmul.f32 v9, v8  }
0xa4: {  	v18 =	vld [tilespmem:s15+$0xFFFFFF80]  }
0xa5: {  	v51 =	vld [tilespmem:s17+$0xFFFFFF00];
	v6 =	vadd.f32 v7, v6  }
0xa6: {  	v52 =	vld [tilespmem:s15+$0xFFFFFF90]  }
0xa7: {  	v11 =	vmov s11;
	v59 =	vld [tilespmem:s15+$0xFFFFFFC0];
	v38 =	vperm.xlane v6, v1  }
0xa8: {  	v11 =	vand.u32 $0xFFFFFFFC, v11;
	v7 =	vld [tilespmem:s15+$0xFFFFFF20]  }
0xa9: {  	v23 =	vld [tilespmem:s17+$0xFFFFFF40];
	v39 =	vbroadcast v11, $0x0;
	v41 =	vmul.f32 v12, v10;
	v6 =	vadd.f32 v6, v38  }
0xaa: {  	v61 =	vld [tilespmem:s15+$0xFFFFFFD0];
	v14 =	vmul.f32 v15, v14;
	v12 =	vmul.f32 v16, v50  }
0xab: {  	v63 =	vld [tilespmem:s17+$0xFFFFFF50];
	v40 =	vperm.xlane v6, v2  }
0xac: {  	v26 =	vld [tilespmem:s15+$0xFFFFFFE0];
	v12 =	vadd.f32 v12, v14  }
0xad: {  	v29 =	vld [tilespmem:s17+$0xFFFFFF60];
	v7 =	vmul.f32 v37, v7;
	v6 =	vadd.f32 v6, v40  }
0xae: {  	v32 =	vld [tilespmem:s15+$0xFFFFFFF0];
	v22 =	vperm.xlane v12, v1  }
0xaf: {  	v34 =	vld [tilespmem:s17+$0xFFFFFF70];
	v10 =	vmul.f32 v46, v45;
	v7 =	vadd.f32 v41, v7;
	v42 =	vperm.xlane v6, v3  }
0xb0: {  	v33 =	vmul.f32 v23, v59;
	v11 =	vmul.f32 v63, v61;
	v43 =	vld.idx.msk [tilespmem:v39+s25+$0x0], $0xffff;
	v12 =	vadd.f32 v12, v22  }
0xb1: {  	v55 =	vld [tilespmem:s15+$0xFFFFFFB0];
	v9 =	vmul.f32 v13, v48;
	v44 =	vperm.xlane v7, v1;
	v6 =	vadd.f32 v6, v42  }
0xb2: {  	v56 =	vld [tilespmem:s17+$0xFFFFFF30];
	v60 =	vmul.f32 v51, v18;
	v11 =	vadd.f32 v11, v33;
	v30 =	vperm.xlane v12, v2  }
0xb3: {  	v53 =	vld [tilespmem:s17+$0xFFFFFF10];
	v13 =	vmul.f32 v29, v26;
	v7 =	vadd.f32 v7, v44;
	v47 =	vperm.xlane v6, v4  }
0xb4: {  	v15 =	vmul.f32 v34, v32;
	v46 =	vld [tilespmem:s17+$0x10];
	v39 =	vperm.xlane v11, v1;
	v12 =	vadd.f32 v12, v30  }
0xb5: {  	vm4 =	vgt.s32 v43, $0x0;
	v43 =	vld [tilespmem:s15+$0x10];
	v49 =	vperm.xlane v7, v2;
	v6 =	vadd.f32 v6, v47  }
0xb6: {  	v54 =	vld [tilespmem:s15+$0xFFFFFFA0];
	v13 =	vadd.f32 v15, v13;
	v11 =	vadd.f32 v11, v39;
	v37 =	vperm.xlane v12, v3  }
0xb7: {  	v20 =	vld [tilespmem:s17+$0xFFFFFF20];
	v62 =	vmul.f32 v56, v55;
	v7 =	vadd.f32 v7, v49;
	v6 =	vmul.f32 $1.767766920e-01, v6  }
0xb8: {  	v48 =	vperm.xlane v13, v1;
	v45 =	vperm.xlane v11, v2;
	v12 =	vadd.f32 v12, v37  }
0xb9: {  	v17 =	vperm.xlane v7, v3;
	v6 =	vmul.f32 $1.442695020e+00, v6  }
0xba: {  	v14 =	vmul.f32 v46, v43;
	v44 =	vperm.xlane v12, v4  }
0xbb: {  	(erf) = vpow2.f32 v6;
	v6 =	vadd.f32 v7, v17;
	v7 =	vadd.f32 v9, v10  }
0xbc: {  	v12 =	vadd.f32 v12, v44;
	v9 =	vmul.f32 v53, v52;
	v10 =	vmul.f32 v20, v54  }
0xbd: {  	v11 =	vadd.f32 v11, v45;
	v17 =	vperm.xlane v6, v4;
	v19 =	vperm.xlane v7, v1  }
0xbe: {  	v51 =	vld [tilespmem:s17+$0x20];
	v12 =	vmul.f32 $1.767766920e-01, v12;
	v8 =	vadd.f32 v9, v60;
	v10 =	vadd.f32 v62, v10  }
0xbf: {  	v61 =	vld [tilespmem:s17+$0x60];
	v53 =	vperm.xlane v11, v3;
	v6 =	vadd.f32 v6, v17;
	v57 =	vadd.f32 v7, v19  }
0xc0: {  	v49 =	vld [tilespmem:s15+$0x20];
	v28 =	vperm.xlane v8, v1;
	v31 =	vperm.xlane v10, v1  }
0xc1: {  	v52 =	vld [tilespmem:s15+$0x30];
	v58 =	vmul.f32 $1.767766920e-01, v6;
	v21 =	vperm.xlane v57, v2  }
0xc2: {  	v12 =	vmul.f32 $1.442695020e+00, v12;
	v54 =	vld [tilespmem:s17+$0x30];
	v8 =	vadd.f32 v8, v28;
	v10 =	vadd.f32 v10, v31  }
0xc3: {  	v56 =	vadd.f32 v11, v53;
	v60 =	vld [tilespmem:s17+$0x50];
	v24 =	vadd.f32 v57, v21;
	v25 =	vmul.f32 $1.442695020e+00, v58  }
0xc4: {  	v36 =	vperm.xlane v8, v2;
	v38 =	vperm.xlane v10, v2;
	v57 =	vld [tilespmem:s17+$0x40]  }
0xc5: {  	v7 =	vsel vm4, $0x3F800000, v0;
	v59 =	vperm.xlane v56, v4;
	v58 =	vld [tilespmem:s15+$0x50];
	v27 =	vperm.xlane v24, v3  }
0xc6: {  	v6 =	vpop (erf);
	(erf) = vpow2.f32 v25;
	v8 =	vadd.f32 v8, v36;
	v10 =	vadd.f32 v10, v38;
	v25 =	vld [tilespmem:s15+$0x40]  }
0xc7: {  	v13 =	vadd.f32 v13, v48;
	v40 =	vld [tilespmem:s15+$0x0];
	v37 =	vmul.f32 v54, v52;
	v6 =	vmul.f32 v6, v7  }
0xc8: {  	s18 =	sadd.s32 $0x1, s11;
	v42 =	vld [tilespmem:s17+$0x0];
	v35 =	vadd.f32 v24, v27;
	v41 =	vperm.xlane v8, v3;
	v47 =	vperm.xlane v10, v3  }
0xc9: {  	v31 =	vmov s18;
	v36 =	vmul.f32 v51, v49;
	v24 =	vperm.xlane v13, v2;
	v27 =	vld [tilespmem:s15+$0x60]  }
0xca: {  	v63 =	vld [tilespmem:s15+$0x70];
	v16 =	vperm.xlane v35, v4;
	v8 =	vadd.f32 v8, v41;
	v10 =	vadd.f32 v10, v47  }
0xcb: {  	v30 =	vld [tilespmem:s17+$0x70];
	v15 =	vmul.f32 v60, v58;
	v13 =	vadd.f32 v13, v24;
	v11 =	vmul.f32 v57, v25  }
0xcc: {  	v9 =	vadd.f32 v35, v16;
	v50 =	vperm.xlane v8, v4;
	v55 =	vperm.xlane v10, v4  }
0xcd: {  	v26 =	vperm.xlane v13, v3;
	v16 =	vmul.f32 v42, v40;
	v11 =	vadd.f32 v15, v11  }
0xce: {  	v33 =	vld [tilespmem:s15+$0x80];
	v42 =	vmul.f32 v61, v27;
	v9 =	vmul.f32 $1.767766920e-01, v9;
	v8 =	vadd.f32 v8, v50  }
0xcf: {  	v35 =	vld [tilespmem:s17+$0x100];
	v10 =	vadd.f32 v10, v55;
	v29 =	vadd.f32 v14, v16;
	v16 =	vand.u32 $0xFFFFFFFD, v31  }
0xd0: {  	v62 =	vadd.f32 v13, v26;
	v13 =	vmul.f32 v30, v63;
	v16 =	vbroadcast v16, $0x0  }
0xd1: {  	v44 =	vperm.xlane v11, v1;
	v9 =	vmul.f32 $1.442695020e+00, v9  }
0xd2: {  	v8 =	vmul.f32 $1.767766920e-01, v8;
	v10 =	vmul.f32 $1.767766920e-01, v10  }
0xd3: {  	v39 =	vld [tilespmem:s17+$0x110];
	v32 =	vperm.xlane v62, v4;
	(erf) = vpow2.f32 v9;
	v9 =	vadd.f32 v56, v59  }
0xd4: {  	v38 =	vld [tilespmem:s15+$0x90];
	v34 =	vperm.xlane v29, v1;
	v43 =	vmul.f32 v35, v33  }
0xd5: {  	v8 =	vmul.f32 $1.442695020e+00, v8;
	v28 =	vmul.f32 $1.767766920e-01, v9  }
0xd6: {  	v13 =	vadd.f32 v13, v42;
	v10 =	vmul.f32 $1.442695020e+00, v10;
	(erf) = vpow2.f32 v12  }
0xd7: {  	(erf) = vpow2.f32 v8;
	v8 =	vmul.f32 $1.442695020e+00, v28  }
0xd8: {  	v47 =	vperm.xlane v13, v1;
	v12 =	vadd.f32 v37, v36;
	(erf) = vpow2.f32 v10  }
0xd9: {  	s18 =	sadd.s32 $0x2, s11;
	v11 =	vadd.f32 v11, v44;
	(erf) = vpow2.f32 v8;
	v8 =	vmul.f32 v39, v38  }
0xda: {  	v56 =	vmov s18;
	v9 =	vadd.f32 v29, v34;
	v41 =	vperm.xlane v12, v1  }
0xdb: {  	v49 =	vperm.xlane v11, v2;
	v10 =	vadd.f32 v62, v32;
	v8 =	vadd.f32 v8, v43  }
0xdc: {  	v57 =	vld [tilespmem:s12+$0xFFFFFF00];
	v60 =	vand.u32 $0xFFFFFFFE, v56;
	v40 =	vperm.xlane v9, v2;
	v12 =	vadd.f32 v12, v41  }
0xdd: {  	v55 =	vld [tilespmem:s17+$0xFFFFFE80];
	v50 =	vadd.f32 v13, v47;
	v10 =	vmul.f32 $1.767766920e-01, v10;
	v48 =	vperm.xlane v8, v1  }
0xde: {  	v11 =	vadd.f32 v11, v49;
	v9 =	vadd.f32 v9, v40;
	v46 =	vperm.xlane v12, v2  }
0xdf: {  	v52 =	vperm.xlane v50, v2;
	v10 =	vmul.f32 $1.442695020e+00, v10;
	v8 =	vadd.f32 v8, v48  }
0xe0: {  	v54 =	vperm.xlane v11, v3;
	v45 =	vperm.xlane v9, v3;
	v12 =	vadd.f32 v12, v46  }
0xe1: {  	(erf) = vpow2.f32 v10;
	v10 =	vadd.f32 v50, v52;
	v53 =	vperm.xlane v8, v2  }
0xe2: {  	v14 =	vadd.f32 v57, v55;
	v36 =	vld [tilespmem:s15+$0xB0];
	v9 =	vadd.f32 v9, v45;
	v15 =	vperm.xlane v12, v3  }
0xe3: {  	v37 =	vld [tilespmem:s17+$0x130];
	v11 =	vadd.f32 v11, v54;
	v61 =	vperm.xlane v10, v3;
	v8 =	vadd.f32 v8, v53  }
0xe4: {  	v59 =	vld.idx.msk [tilespmem:v16+s25+$0x0], $0xffff;
	v16 =	vbroadcast v60, $0x0;
	v51 =	vperm.xlane v9, v4;
	v12 =	vadd.f32 v12, v15  }
0xe5: {  	v28 =	vperm.xlane v11, v4;
	v10 =	vadd.f32 v10, v61;
	v62 =	vperm.xlane v8, v3  }
0xe6: {  	v14 =	vmul.f32 v14, v6;
	v9 =	vadd.f32 v9, v51;
	v58 =	vperm.xlane v12, v4  }
0xe7: {  	v31 =	vld [tilespmem:s15+$0xA0];
	v11 =	vadd.f32 v11, v28;
	v32 =	vperm.xlane v10, v4;
	v8 =	vadd.f32 v8, v62  }
0xe8: {  	v34 =	vld [tilespmem:s17+$0x120];
	v18 =	vmul.f32 v37, v36;
	v9 =	vmul.f32 $1.767766920e-01, v9;
	v12 =	vadd.f32 v12, v58  }
0xe9: {  	v35 =	vmul.f32 $1.767766920e-01, v11;
	v15 =	vadd.f32 v10, v32;
	v33 =	vperm.xlane v8, v4  }
0xea: {  	v9 =	vmul.f32 $1.442695020e+00, v9;
	v30 =	vmul.f32 $1.767766920e-01, v12  }
0xeb: {  	v38 =	vmul.f32 $1.442695020e+00, v35;
	v15 =	vmul.f32 $1.767766920e-01, v15;
	v8 =	vadd.f32 v8, v33  }
0xec: {  	v63 =	vld [tilespmem:s17+$0xFFFFFF80];
	v22 =	vpop (erf);
	(erf) = vpow2.f32 v9;
	v9 =	vmul.f32 $1.442695020e+00, v30  }
0xed: {  	v29 =	vld [tilespmem:s12+$0xFFFFFF80];
	v17 =	vpop (erf);
	v12 =	vmul.f32 v34, v31;
	v40 =	vmul.f32 $1.767766920e-01, v8  }
0xee: {  	v24 =	vld [tilespmem:s17+$0x160];
	s18 =	sadd.s32 $0x3, s11;
	v11 =	vpop (erf);
	v43 =	vmul.f32 $1.442695020e+00, v15;
	(erf) = vpow2.f32 v9  }
0xef: {  	v16 =	vld.idx.msk [tilespmem:v16+s25+$0x0], $0xffff;
	v46 =	vmov s18;
	v39 =	vpop (erf);
	(erf) = vpow2.f32 v38;
	v45 =	vmul.f32 $1.442695020e+00, v40  }
0xf0: {  	v44 =	vld [tilespmem:s12+$0x0];
	vm4 =	vgt.s32 v59, $0x0;
	v23 =	vpop (erf);
	(erf) = vpow2.f32 v43  }
0xf1: {  	v41 =	vld [tilespmem:s17+$0x80];
	[tilespmem:s15+$0xFFFFFF00] =	vst v14;
	v10 =	vsel vm4, $0x3F800000, v0;
	v12 =	vadd.f32 v18, v12;
	(erf) = vpow2.f32 v45  }
0xf2: {  	v47 =	vld [tilespmem:s17+$0xFFFFFE90];
	v42 =	vadd.f32 v29, v63;
	v8 =	vmul.f32 v39, v10  }
0xf3: {  	v49 =	vld [tilespmem:s12+$0xFFFFFF10];
	v21 =	vpop (erf);
	v51 =	vperm.xlane v12, v1  }
0xf4: {  	v52 =	vld.idx.msk [tilespmem:v46+s25+$0x0], $0xffff;
	vm4 =	vgt.s32 v16, $0x0;
	v13 =	vpop (erf);
	v9 =	vmul.f32 v42, v8  }
0xf5: {  	v54 =	vld [tilespmem:s12+$0x80];
	v14 =	vsel vm4, $0x3F800000, v0;
	v12 =	vadd.f32 v12, v51;
	v48 =	vpop (erf)  }
0xf6: {  	v53 =	vld [tilespmem:s17+$0x180];
	v15 =	vadd.f32 v44, v41;
	[tilespmem:s15+$0xFFFFFF80] =	vst v9;
	v9 =	vmul.f32 v48, v14  }
0xf7: {  	v59 =	vld [tilespmem:s17+$0x150];
	v56 =	vperm.xlane v12, v2;
	v55 =	vpop (erf)  }
0xf8: {  	v35 =	vld [tilespmem:s15+$0xD0];
	v15 =	vmul.f32 v15, v9;
	v29 =	vpop (erf)  }
0xf9: {  	v32 =	vld [tilespmem:s15+$0xC0];
	vm4 =	vgt.s32 v52, $0x0;
	v57 =	vadd.f32 v12, v56;
	v16 =	vpop (erf)  }
0xfa: {  	v34 =	vld [tilespmem:s17+$0x140];
	[tilespmem:s15+$0x0] =	vst v15;
	v15 =	vsel vm4, $0x3F800000, v0;
	v58 =	vpop (erf)  }
0xfb: {  	v25 =	vadd.f32 v54, v53;
	v50 =	vld [tilespmem:s17+$0xFFFFFF90];
	v33 =	vperm.xlane v57, v3;
	v12 =	vmul.f32 v58, v15  }
0xfc: {  	v28 =	vld [tilespmem:s12+$0xFFFFFF90]  }
0xfd: {  	v60 =	vadd.f32 v57, v33;
	v33 =	vld [tilespmem:s17+$0x170];
	v25 =	vmul.f32 v25, v12  }
0xfe: {  	v30 =	vld [tilespmem:s17+$0x90]  }
0xff: {  	v18 =	vadd.f32 v49, v47;
	v31 =	vld [tilespmem:s12+$0x10];
	v61 =	vperm.xlane v60, v4;
	[tilespmem:s15+$0x80] =	vst v25  }
0x100: {  	v25 =	vld [tilespmem:s17+$0x190]  }
0x101: {  	v18 =	vmul.f32 v18, v6;
	v19 =	vadd.f32 v60, v61;
	v63 =	vld [tilespmem:s12+$0x90]  }
0x102: {  	v20 =	vadd.f32 v28, v50  }
0x103: {  	v26 =	vmul.f32 v59, v35;
	[tilespmem:s15+$0xFFFFFF10] =	vst v18;
	v38 =	vmul.f32 $1.767766920e-01, v19  }
0x104: {  	v32 =	vmul.f32 v34, v32;
	v36 =	vld [tilespmem:s17+$0xFFFFFEA0];
	v62 =	vmul.f32 v20, v8;
	v30 =	vadd.f32 v31, v30  }
0x105: {  	v37 =	vld [tilespmem:s12+$0xFFFFFF20];
	v18 =	vmul.f32 $1.442695020e+00, v38  }
0x106: {  	v42 =	vadd.f32 v26, v32;
	[tilespmem:s15+$0xFFFFFF90] =	vst v62;
	v30 =	vmul.f32 v30, v9;
	v20 =	vadd.f32 v63, v25  }
0x107: {  	v39 =	vld [tilespmem:s17+$0xFFFFFFA0];
	(erf) = vpow2.f32 v18  }
0x108: {  	v45 =	vperm.xlane v42, v1;
	v40 =	vld [tilespmem:s12+$0xFFFFFFA0];
	[tilespmem:s15+$0x10] =	vst v30;
	v44 =	vmul.f32 v20, v12  }
0x109: {  	v41 =	vld [tilespmem:s17+$0xA0]  }
0x10a: {  	v22 =	vmul.f32 v22, v7;
	v47 =	vadd.f32 v42, v45;
	v28 =	vadd.f32 v37, v36;
	v43 =	vld [tilespmem:s12+$0x20];
	[tilespmem:s15+$0x90] =	vst v44  }
0x10b: {  	v30 =	vld [tilespmem:s17+$0x1A0]  }
0x10c: {  	v50 =	vperm.xlane v47, v2;
	v46 =	vmul.f32 v28, v22;
	v48 =	vld [tilespmem:s12+$0xA0]  }
0x10d: {  	v19 =	vadd.f32 v40, v39;
	v20 =	vmul.f32 v23, v10  }
0x10e: {  	v36 =	vld [tilespmem:s15+$0xF0];
	v54 =	vadd.f32 v47, v50;
	[tilespmem:s15+$0xFFFFFF20] =	vst v46  }
0x10f: {  	v51 =	vld [tilespmem:s17+$0xFFFFFEB0];
	v18 =	vmul.f32 v55, v14;
	v49 =	vadd.f32 v43, v41;
	v19 =	vmul.f32 v19, v20  }
0x110: {  	v58 =	vperm.xlane v54, v3;
	v52 =	vld [tilespmem:s12+$0xFFFFFF30];
	v56 =	vpop (erf)  }
0x111: {  	v62 =	vld [tilespmem:s15+$0xE0];
	v53 =	vmul.f32 v49, v18;
	[tilespmem:s15+$0xFFFFFFA0] =	vst v19;
	v19 =	vmul.f32 v56, v15;
	v30 =	vadd.f32 v48, v30  }
0x112: {  	v55 =	vld [tilespmem:s17+$0xFFFFFFB0]  }
0x113: {  	v23 =	vadd.f32 v54, v58;
	[tilespmem:s15+$0x20] =	vst v53;
	v57 =	vld [tilespmem:s12+$0xFFFFFFB0];
	v61 =	vmul.f32 v30, v19  }
0x114: {  	v59 =	vld [tilespmem:s17+$0xB0]  }
0x115: {  	v26 =	vadd.f32 v52, v51;
	v63 =	vperm.xlane v23, v4;
	v60 =	vld [tilespmem:s12+$0x30];
	[tilespmem:s15+$0xA0] =	vst v61  }
0x116: {  	v28 =	vld [tilespmem:s17+$0x1B0]  }
0x117: {  	v26 =	vmul.f32 v26, v22;
	v23 =	vadd.f32 v23, v63;
	v37 =	vld [tilespmem:s12+$0xB0]  }
0x118: {  	v25 =	vadd.f32 v57, v55  }
0x119: {  	v24 =	vmul.f32 v24, v62;
	[tilespmem:s15+$0xFFFFFF30] =	vst v26;
	v23 =	vmul.f32 $1.767766920e-01, v23  }
0x11a: {  	v41 =	vmul.f32 v33, v36;
	v39 =	vld [tilespmem:s17+$0xFFFFFEC0];
	v38 =	vadd.f32 v60, v59;
	v25 =	vmul.f32 v25, v20  }
0x11b: {  	v40 =	vld [tilespmem:s12+$0xFFFFFF40];
	v23 =	vmul.f32 $1.442695020e+00, v23  }
0x11c: {  	v44 =	vadd.f32 v41, v24;
	v26 =	vmul.f32 v38, v18;
	[tilespmem:s15+$0xFFFFFFB0] =	vst v25;
	v28 =	vadd.f32 v37, v28  }
0x11d: {  	(erf) = vpow2.f32 v23;
	v42 =	vld [tilespmem:s17+$0xFFFFFFC0]  }
0x11e: {  	v49 =	vperm.xlane v44, v1;
	[tilespmem:s15+$0x30] =	vst v26;
	v43 =	vld [tilespmem:s12+$0xFFFFFFC0];
	v46 =	vmul.f32 v28, v19  }
0x11f: {  	v45 =	vld [tilespmem:s17+$0xC0]  }
0x120: {  	v17 =	vmul.f32 v17, v7;
	v47 =	vadd.f32 v40, v39;
	v23 =	vadd.f32 v44, v49;
	v48 =	vld [tilespmem:s12+$0x40];
	[tilespmem:s15+$0xB0] =	vst v46  }
0x121: {  	v51 =	vld [tilespmem:s17+$0x1C0]  }
0x122: {  	v50 =	vmul.f32 v47, v17;
	v54 =	vperm.xlane v23, v2;
	v53 =	vld [tilespmem:s12+$0xC0]  }
0x123: {  	v21 =	vmul.f32 v21, v10;
	v52 =	vadd.f32 v43, v42  }
0x124: {  	[tilespmem:s15+$0xFFFFFF40] =	vst v50;
	v23 =	vadd.f32 v23, v54  }
0x125: {  	v29 =	vmul.f32 v29, v14;
	v56 =	vld [tilespmem:s12+$0xFFFFFF50];
	v24 =	vadd.f32 v48, v45;
	v28 =	vmul.f32 v52, v21  }
0x126: {  	v55 =	vld [tilespmem:s17+$0xFFFFFED0];
	v58 =	vperm.xlane v23, v3;
	v57 =	vpop (erf)  }
0x127: {  	v24 =	vmul.f32 v24, v29;
	v25 =	vmul.f32 v57, v15;
	[tilespmem:s15+$0xFFFFFFC0] =	vst v28;
	v26 =	vadd.f32 v53, v51  }
0x128: {  	v28 =	vld [tilespmem:s17+$0xFFFFFFD0]  }
0x129: {  	v23 =	vadd.f32 v23, v58;
	[tilespmem:s15+$0x40] =	vst v24;
	v59 =	vld [tilespmem:s12+$0xFFFFFFD0];
	v60 =	vmul.f32 v26, v25  }
0x12a: {  	v62 =	vld [tilespmem:s17+$0xD0]  }
0x12b: {  	v61 =	vadd.f32 v56, v55;
	v32 =	vperm.xlane v23, v4;
	v63 =	vld [tilespmem:s12+$0x50];
	[tilespmem:s15+$0xC0] =	vst v60  }
0x12c: {  	v35 =	vld [tilespmem:s17+$0x1D0]  }
0x12d: {  	v34 =	vmul.f32 v61, v17;
	v23 =	vadd.f32 v23, v32;
	v36 =	vld [tilespmem:s12+$0xD0]  }
0x12e: {  	v28 =	vadd.f32 v59, v28  }
0x12f: {  	[tilespmem:s15+$0xFFFFFF50] =	vst v34;
	v23 =	vmul.f32 $1.767766920e-01, v23  }
0x130: {  	v37 =	vld [tilespmem:s12+$0xFFFFFF60];
	v27 =	vadd.f32 v63, v62;
	v28 =	vmul.f32 v28, v21  }
0x131: {  	v24 =	vld [tilespmem:s17+$0xFFFFFEE0];
	v23 =	vmul.f32 $1.442695020e+00, v23  }
0x132: {  	v27 =	vmul.f32 v27, v29;
	[tilespmem:s15+$0xFFFFFFD0] =	vst v28;
	v26 =	vadd.f32 v36, v35  }
0x133: {  	(erf) = vpow2.f32 v23;
	v28 =	vld [tilespmem:s17+$0xFFFFFFE0]  }
0x134: {  	[tilespmem:s15+$0x50] =	vst v27;
	v38 =	vld [tilespmem:s12+$0xFFFFFFE0];
	v26 =	vmul.f32 v26, v25  }
0x135: {  	v40 =	vld [tilespmem:s17+$0xE0]  }
0x136: {  	v7 =	vmul.f32 v11, v7;
	v39 =	vadd.f32 v37, v24;
	v27 =	vld [tilespmem:s12+$0x60];
	[tilespmem:s15+$0xD0] =	vst v26  }
0x137: {  	v26 =	vld [tilespmem:s17+$0x1E0]  }
0x138: {  	v11 =	vmul.f32 v39, v7;
	v42 =	vld [tilespmem:s12+$0xE0]  }
0x139: {  	v10 =	vmul.f32 v13, v10;
	v41 =	vadd.f32 v38, v28  }
0x13a: {  	[tilespmem:s15+$0xFFFFFF60] =	vst v11  }
0x13b: {  	v14 =	vmul.f32 v16, v14;
	v11 =	vld [tilespmem:s17+$0xFFFFFEF0];
	v43 =	vadd.f32 v27, v40;
	v13 =	vmul.f32 v41, v10  }
0x13c: {  	v44 =	vld [tilespmem:s12+$0xFFFFFF70];
	v45 =	vpop (erf)  }
0x13d: {  	v16 =	vmul.f32 v43, v14;
	[tilespmem:s15+$0xFFFFFFE0] =	vst v13;
	v13 =	vmul.f32 v45, v15;
	v23 =	vadd.f32 v42, v26  }
0x13e: {  	v6 =	vnsel vm0, $0x0, v6;
	v8 =	vnsel vm0, $0x0, v8;
	v46 =	vld [tilespmem:s17+$0xFFFFFFF0]  }
0x13f: {  	v22 =	vsel vm1, $0x0, v22;
	v50 =	vsel vm1, $0x0, v20;
	[tilespmem:s15+$0x60] =	vst v16;
	v47 =	vld [tilespmem:s12+$0xFFFFFFF0];
	v48 =	vmul.f32 v23, v13  }
0x140: {  	v9 =	vnsel vm0, $0x0, v9;
	v6 =	vadd.f32 v22, v6;
	v8 =	vadd.f32 v50, v8;
	v49 =	vld [tilespmem:s17+$0xF0]  }
0x141: {  	v55 =	vsel vm1, $0x0, v18;
	v17 =	vsel vm2, $0x0, v17;
	v11 =	vadd.f32 v44, v11;
	v51 =	vld [tilespmem:s12+$0x70];
	[tilespmem:s15+$0xE0] =	vst v48  }
0x142: {  	v9 =	vadd.f32 v55, v9;
	v6 =	vadd.f32 v17, v6;
	v58 =	vnsel vm0, $0x0, v12;
	v52 =	vld [tilespmem:s17+$0x1F0]  }
0x143: {  	v57 =	vsel vm2, $0x0, v29;
	v11 =	vmul.f32 v11, v7;
	v7 =	vsel vm3, $0x0, v7;
	v54 =	vld [tilespmem:s12+$0xF0]  }
0x144: {  	v53 =	vsel vm2, $0x0, v21;
	v6 =	vadd.f32 v7, v6;
	v7 =	vadd.f32 v47, v46  }
0x145: {  	v9 =	vadd.f32 v57, v9;
	v8 =	vadd.f32 v53, v8;
	v59 =	vsel vm1, $0x0, v19  }
0x146: {  	[tilespmem:s15+$0xFFFFFF70] =	vst v11;
	v56 =	vadd.f32 v51, v49;
	v7 =	vmul.f32 v7, v10;
	v10 =	vsel vm3, $0x0, v10  }
0x147: {  	v61 =	vsel vm2, $0x0, v25;
	v11 =	vadd.f32 v59, v58;
	[tilespmem:s16+$0xFFFFFFE0] =	vst v6;
	v8 =	vadd.f32 v10, v8  }
0x148: {  	p0 =	slt.u32 s11, $0x4C;
	v60 =	vsel vm3, $0x0, v14;
	[tilespmem:s15+$0xFFFFFFF0] =	vst v7;
	v7 =	vmul.f32 v56, v14;
	v6 =	vadd.f32 v54, v52  }
.Ltmp7:
0x149: {  	v62 =	vadd.f32 v60, v9;
	v63 =	vadd.f32 v61, v11;
	[tilespmem:s16+$0xFFFFFFF0] =	vst v8;
	(pc) =	sbr.rel @p0 .LBB2_5-.Ltmp7, $4  }
0x14a: {  	[tilespmem:s15+$0x70] =	vst v7;
	v7 =	vsel vm3, $0x0, v13;
	v6 =	vmul.f32 v6, v13  }
0x14b: {  	[tilespmem:s16+$0x0] =	vst v62;
	v7 =	vadd.f32 v7, v63  }
0x14c: {  	s11 =	sadd.s32 $0x4, s11;
	s12 =	sadd.s32 $0x200, s12;
	[tilespmem:s15+$0xF0] =	vst v6  }
0x14d: {  	s17 =	sadd.s32 $0x400, s17;
	s15 =	sadd.s32 $0x200, s15;
	[tilespmem:s16+$0x10] =	vst v7;
	s16 =	sadd.s32 $0x40, s16  }
0x14e: {  	[spmem:s2] =	stream.indirect.scatter.add.f32 [tilespmem:s28], [sflag:$0x5], $0x80, s25, s26, $0xb8;
	[tilespmem:$0x1F1F0] =	vst v63  }
0x14f: {  	_ =	swait.ge [sflag:s29], $0x2800  }
0x150: {  	[sflag:s29] =	ssyncset.done $0x0  }
0x151: {  	[sflag:s29] =	ssyncadd.s32 $0xFFFFD800  }
0x152: {  	[spmem:s4] =	stream.indirect.scatter.add.f32 [tilespmem:s30], [sflag:$0x5], $0x10, s25, s26, $0xb8;
	[tilespmem:$0x1F1F0] =	vst v63  }
0x153: {  	_ =	swait.ge [sflag:s29], $0x500  }
0x154: {  	[sflag:s29] =	ssyncset.done $0x0  }
0x155: {  	[sflag:s29] =	ssyncadd.s32 $0xFFFFFB00  }
.LBB2_7:
0x156: {  	s11 =	sshll.u32 s1, $0x1  }
0x157: {  	s11 =	sadd.s32 $0x2, s11  }
0x158: {  	s12 =	smul.u32 $0x50, s11;
	_ =	sdelay $0x1  }
0x159: {  	v6 =	vld [tilespmem:s12+$0x8590]  }
0x15a: {  	v7 =	vld [tilespmem:s12+$0x85D0];
	_ =	sdelay $0x3  }
0x15b: {  	(v2sf) =	vpush v6, $0x0  }
0x15c: {  	(v2sf) =	vpush v7, $0xF;
	_ =	sdelay $0xd  }
0x15d: {  	s15 =	spop (v2sf)  }
0x15e: {  	s16 =	spop (v2sf);
	p0 =	sge.s32 s15, s23  }
0x15f: {  	p1 =	slt.s32 @!p0 s16, s20  }
0x160: {  	s15 =	sadd.s32 $0x8590, s12;
	p0 =	por p1, p0  }
0x161: {  	s16 =	simm.s32 @!p0 $0x50;
	s17 =	simm.s32 @!p0 $0xACA0;
	s11 =	sadd.s32 @!p0 s6, s11  }
0x162: {  	[tilespmem:s17], [sflag:$0x1] =	stream.indirect.gather @!p0 [hbm4b:s7+s16], $0x80, s15, s16, $0xb8;
	[tilespmem:$0x1F1F0] =	vst v63  }
0x163: {  	s12 =	sadd.s32 @!p0 $0x5E80, s12;
	s15 =	simm.s32 @!p0 $0xFCA0;
	s11 =	smul.u32 @!p0 $0x500, s11  }
0x164: {  	[tilespmem:s15], [sflag:$0x1] =	stream.indirect.gather @!p0 [hbm4b:s8+s16], $0x100, s12, s16, $0xb8;
	[tilespmem:$0x1F1F0] =	vst v63  }
0x165: {  	s11 =	sadd.s32 @!p0 s9, s11;
	s12 =	simm.s32 @!p0 $0x0;
	s15 =	simm.s32 @!p0 $0x19CA0  }
0x166: {  	[tilespmem:s15], [sflag:$0x1] =	stream.linear.gather @!p0 [hbm4b:s11+s12], $0x2800, $0x38;
	[tilespmem:$0x1F1F0] =	vst v63  }
0x167: {  	v6 =	vld [tilespmem:s10+$0x8590]  }
0x168: {  	v7 =	vld [tilespmem:s10+$0x85D0];
	_ =	sdelay $0x3  }
0x169: {  	(v2sf) =	vpush v6, $0x0  }
0x16a: {  	(v2sf) =	vpush v7, $0xF;
	_ =	sdelay $0xd  }
0x16b: {  	s18 =	spop (v2sf)  }
0x16c: {  	s12 =	spop (v2sf);
	p0 =	sge.s32 s18, s23  }
0x16d: {  	p1 =	slt.s32 @!p0 s12, s20  }
0x16e: {  	p0 =	por p0, p1  }
.Ltmp8:
0x16f: {  	_ = 	snop;
	(pc) =	sbr.rel @p0 .LBB2_11-.Ltmp8, $1  }
0x170: {  	_ =	sdelay $0x3  }
0x171: {  	_ =	swait.ge [sflag:s31], $0x2800  }
0x172: {  	[sflag:s31] =	ssyncset.done $0x0  }
0x173: {  	[sflag:s31] =	ssyncadd.s32 $0xFFFFD800  }
0x174: {  	_ =	swait.ge [sflag:s31], $0x5000  }
0x175: {  	[sflag:s31] =	ssyncset.done $0x0  }
0x176: {  	[sflag:s31] =	ssyncadd.s32 $0xFFFFB000  }
0x177: {  	v6 =	vsub.s32 v6, v5;
	_ =	swait.ge [sflag:s31], $0x2800  }
0x178: {  	v7 =	vadd.s32 $0x8, v6;
	vm4 =	vlt.u32 v6, $0xA00;
	[sflag:s31] =	ssyncset.done $0x0  }
0x179: {  	v6 =	vnsel vm4, $0x0, v7;
	[sflag:s31] =	ssyncadd.s32 $0xFFFFD800  }
0x17a: {  	[tilespmem:$0x1F1A0] =	vst v6  }
0x17b: {  	v6 =	vld [tilespmem:s10+$0x85A0];
	_ =	sdelay $0x4  }
0x17c: {  	v6 =	vsub.s32 v6, v5  }
0x17d: {  	v7 =	vadd.s32 $0x8, v6;
	vm4 =	vlt.u32 v6, $0xA00  }
0x17e: {  	v6 =	vnsel vm4, $0x0, v7  }
0x17f: {  	[tilespmem:$0x1F1B0] =	vst v6  }
0x180: {  	v6 =	vld [tilespmem:s10+$0x85B0];
	_ =	sdelay $0x4  }
0x181: {  	v6 =	vsub.s32 v6, v5  }
0x182: {  	v7 =	vadd.s32 $0x8, v6;
	vm4 =	vlt.u32 v6, $0xA00  }
0x183: {  	v6 =	vnsel vm4, $0x0, v7  }
0x184: {  	[tilespmem:$0x1F1C0] =	vst v6  }
0x185: {  	v6 =	vld [tilespmem:s10+$0x85C0];
	_ =	sdelay $0x4  }
0x186: {  	v6 =	vsub.s32 v6, v5  }
0x187: {  	v7 =	vadd.s32 $0x8, v6;
	vm4 =	vlt.u32 v6, $0xA00  }
0x188: {  	v6 =	vnsel vm4, $0x0, v7  }
0x189: {  	[tilespmem:$0x1F1D0] =	vst v6  }
0x18a: {  	v6 =	vld [tilespmem:s10+$0x85D0];
	_ =	sdelay $0x4  }
0x18b: {  	v6 =	vsub.s32 v6, v5  }
0x18c: {  	v7 =	vadd.s32 $0x8, v6;
	vm4 =	vlt.u32 v6, $0xA00  }
0x18d: {  	s11 =	simm.s32 $0x15090;
	s12 =	simm.s32 $0xD690;
	v6 =	vnsel vm4, $0x0, v7  }
0x18e: {  	s15 =	simm.s32 $0x1C690;
	s16 =	simm.s32 $0x1ECC0;
	s10 =	simm.s32 $0x0;
	[tilespmem:$0x1F1E0] =	vst v6  }
.LBB2_9:
0x18f: {  	v6 =	vld [tilespmem:s12+$0xFFFFFE10]  }
0x190: {  	v7 =	vld [tilespmem:s11+$0xFFFFFC10]  }
0x191: {  	v8 =	vld [tilespmem:s12+$0xFFFFFE20]  }
0x192: {  	v9 =	vld [tilespmem:s11+$0xFFFFFC20]  }
0x193: {  	v37 =	vld [tilespmem:s11+$0xFFFFFC30]  }
0x194: {  	v10 =	vld [tilespmem:s12+$0xFFFFFE40]  }
0x195: {  	v12 =	vld [tilespmem:s11+$0xFFFFFC40]  }
0x196: {  	v45 =	vld [tilespmem:s12+$0xFFFFFE50]  }
0x197: {  	v46 =	vld [tilespmem:s11+$0xFFFFFC50]  }
0x198: {  	v48 =	vld [tilespmem:s12+$0xFFFFFE60]  }
0x199: {  	v13 =	vld [tilespmem:s11+$0xFFFFFC60]  }
0x19a: {  	v14 =	vld [tilespmem:s12+$0xFFFFFE70]  }
0x19b: {  	v15 =	vld [tilespmem:s11+$0xFFFFFC70]  }
0x19c: {  	v50 =	vld [tilespmem:s12+$0xFFFFFE80]  }
0x19d: {  	v16 =	vld [tilespmem:s11+$0xFFFFFC80];
	v6 =	vmul.f32 v7, v6;
	v7 =	vmul.f32 v9, v8  }
0x19e: {  	v18 =	vld [tilespmem:s12+$0xFFFFFE90]  }
0x19f: {  	v51 =	vld [tilespmem:s11+$0xFFFFFD10];
	v6 =	vadd.f32 v7, v6  }
0x1a0: {  	v52 =	vld [tilespmem:s12+$0xFFFFFEA0]  }
0x1a1: {  	v11 =	vmov s10;
	v59 =	vld [tilespmem:s12+$0xFFFFFED0];
	v38 =	vperm.xlane v6, v1  }
0x1a2: {  	v11 =	vand.u32 $0xFFFFFFFC, v11;
	v7 =	vld [tilespmem:s12+$0xFFFFFE30]  }
0x1a3: {  	v23 =	vld [tilespmem:s11+$0xFFFFFD50];
	v39 =	vbroadcast v11, $0x0;
	v41 =	vmul.f32 v12, v10;
	v6 =	vadd.f32 v6, v38  }
0x1a4: {  	v61 =	vld [tilespmem:s12+$0xFFFFFEE0];
	v14 =	vmul.f32 v15, v14;
	v12 =	vmul.f32 v16, v50  }
0x1a5: {  	v63 =	vld [tilespmem:s11+$0xFFFFFD60];
	v40 =	vperm.xlane v6, v2  }
0x1a6: {  	v26 =	vld [tilespmem:s12+$0xFFFFFEF0];
	v12 =	vadd.f32 v12, v14  }
0x1a7: {  	v29 =	vld [tilespmem:s11+$0xFFFFFD70];
	v7 =	vmul.f32 v37, v7;
	v6 =	vadd.f32 v6, v40  }
0x1a8: {  	v32 =	vld [tilespmem:s12+$0xFFFFFF00];
	v22 =	vperm.xlane v12, v1  }
0x1a9: {  	v34 =	vld [tilespmem:s11+$0xFFFFFD80];
	v10 =	vmul.f32 v46, v45;
	v7 =	vadd.f32 v41, v7;
	v42 =	vperm.xlane v6, v3  }
0x1aa: {  	v33 =	vmul.f32 v23, v59;
	v11 =	vmul.f32 v63, v61;
	v43 =	vld.idx.msk [tilespmem:v39+s25+$0x0], $0xffff;
	v12 =	vadd.f32 v12, v22  }
0x1ab: {  	v55 =	vld [tilespmem:s12+$0xFFFFFEC0];
	v9 =	vmul.f32 v13, v48;
	v44 =	vperm.xlane v7, v1;
	v6 =	vadd.f32 v6, v42  }
0x1ac: {  	v56 =	vld [tilespmem:s11+$0xFFFFFD40];
	v60 =	vmul.f32 v51, v18;
	v11 =	vadd.f32 v11, v33;
	v30 =	vperm.xlane v12, v2  }
0x1ad: {  	v53 =	vld [tilespmem:s11+$0xFFFFFD20];
	v13 =	vmul.f32 v29, v26;
	v7 =	vadd.f32 v7, v44;
	v47 =	vperm.xlane v6, v4  }
0x1ae: {  	v15 =	vmul.f32 v34, v32;
	v46 =	vld [tilespmem:s11+$0xFFFFFE20];
	v39 =	vperm.xlane v11, v1;
	v12 =	vadd.f32 v12, v30  }
0x1af: {  	vm4 =	vgt.s32 v43, $0x0;
	v43 =	vld [tilespmem:s12+$0xFFFFFF20];
	v49 =	vperm.xlane v7, v2;
	v6 =	vadd.f32 v6, v47  }
0x1b0: {  	v54 =	vld [tilespmem:s12+$0xFFFFFEB0];
	v13 =	vadd.f32 v15, v13;
	v11 =	vadd.f32 v11, v39;
	v37 =	vperm.xlane v12, v3  }
0x1b1: {  	v20 =	vld [tilespmem:s11+$0xFFFFFD30];
	v62 =	vmul.f32 v56, v55;
	v7 =	vadd.f32 v7, v49;
	v6 =	vmul.f32 $1.767766920e-01, v6  }
0x1b2: {  	v48 =	vperm.xlane v13, v1;
	v45 =	vperm.xlane v11, v2;
	v12 =	vadd.f32 v12, v37  }
0x1b3: {  	v17 =	vperm.xlane v7, v3;
	v6 =	vmul.f32 $1.442695020e+00, v6  }
0x1b4: {  	v14 =	vmul.f32 v46, v43;
	v44 =	vperm.xlane v12, v4  }
0x1b5: {  	(erf) = vpow2.f32 v6;
	v6 =	vadd.f32 v7, v17;
	v7 =	vadd.f32 v9, v10  }
0x1b6: {  	v12 =	vadd.f32 v12, v44;
	v9 =	vmul.f32 v53, v52;
	v10 =	vmul.f32 v20, v54  }
0x1b7: {  	v11 =	vadd.f32 v11, v45;
	v17 =	vperm.xlane v6, v4;
	v19 =	vperm.xlane v7, v1  }
0x1b8: {  	v51 =	vld [tilespmem:s11+$0xFFFFFE30];
	v12 =	vmul.f32 $1.767766920e-01, v12;
	v8 =	vadd.f32 v9, v60;
	v10 =	vadd.f32 v62, v10  }
0x1b9: {  	v61 =	vld [tilespmem:s11+$0xFFFFFE70];
	v53 =	vperm.xlane v11, v3;
	v6 =	vadd.f32 v6, v17;
	v57 =	vadd.f32 v7, v19  }
0x1ba: {  	v49 =	vld [tilespmem:s12+$0xFFFFFF30];
	v28 =	vperm.xlane v8, v1;
	v31 =	vperm.xlane v10, v1  }
0x1bb: {  	v52 =	vld [tilespmem:s12+$0xFFFFFF40];
	v58 =	vmul.f32 $1.767766920e-01, v6;
	v21 =	vperm.xlane v57, v2  }
0x1bc: {  	v12 =	vmul.f32 $1.442695020e+00, v12;
	v54 =	vld [tilespmem:s11+$0xFFFFFE40];
	v8 =	vadd.f32 v8, v28;
	v10 =	vadd.f32 v10, v31  }
0x1bd: {  	v56 =	vadd.f32 v11, v53;
	v60 =	vld [tilespmem:s11+$0xFFFFFE60];
	v24 =	vadd.f32 v57, v21;
	v25 =	vmul.f32 $1.442695020e+00, v58  }
0x1be: {  	v36 =	vperm.xlane v8, v2;
	v38 =	vperm.xlane v10, v2;
	v57 =	vld [tilespmem:s11+$0xFFFFFE50]  }
0x1bf: {  	v7 =	vsel vm4, $0x3F800000, v0;
	v59 =	vperm.xlane v56, v4;
	v58 =	vld [tilespmem:s12+$0xFFFFFF60];
	v27 =	vperm.xlane v24, v3  }
0x1c0: {  	v6 =	vpop (erf);
	(erf) = vpow2.f32 v25;
	v8 =	vadd.f32 v8, v36;
	v10 =	vadd.f32 v10, v38;
	v25 =	vld [tilespmem:s12+$0xFFFFFF50]  }
0x1c1: {  	v13 =	vadd.f32 v13, v48;
	v40 =	vld [tilespmem:s12+$0xFFFFFF10];
	v37 =	vmul.f32 v54, v52;
	v6 =	vmul.f32 v6, v7  }
0x1c2: {  	s17 =	sadd.s32 $0x1, s10;
	v42 =	vld [tilespmem:s11+$0xFFFFFE10];
	v35 =	vadd.f32 v24, v27;
	v41 =	vperm.xlane v8, v3;
	v47 =	vperm.xlane v10, v3  }
0x1c3: {  	v31 =	vmov s17;
	v36 =	vmul.f32 v51, v49;
	v24 =	vperm.xlane v13, v2;
	v27 =	vld [tilespmem:s12+$0xFFFFFF70]  }
0x1c4: {  	v63 =	vld [tilespmem:s12+$0xFFFFFF80];
	v16 =	vperm.xlane v35, v4;
	v8 =	vadd.f32 v8, v41;
	v10 =	vadd.f32 v10, v47  }
0x1c5: {  	v30 =	vld [tilespmem:s11+$0xFFFFFE80];
	v15 =	vmul.f32 v60, v58;
	v13 =	vadd.f32 v13, v24;
	v11 =	vmul.f32 v57, v25  }
0x1c6: {  	v9 =	vadd.f32 v35, v16;
	v50 =	vperm.xlane v8, v4;
	v55 =	vperm.xlane v10, v4  }
0x1c7: {  	v26 =	vperm.xlane v13, v3;
	v16 =	vmul.f32 v42, v40;
	v11 =	vadd.f32 v15, v11  }
0x1c8: {  	v33 =	vld [tilespmem:s12+$0xFFFFFF90];
	v42 =	vmul.f32 v61, v27;
	v9 =	vmul.f32 $1.767766920e-01, v9;
	v8 =	vadd.f32 v8, v50  }
0x1c9: {  	v35 =	vld [tilespmem:s11+$0xFFFFFF10];
	v10 =	vadd.f32 v10, v55;
	v29 =	vadd.f32 v14, v16;
	v16 =	vand.u32 $0xFFFFFFFD, v31  }
0x1ca: {  	v62 =	vadd.f32 v13, v26;
	v13 =	vmul.f32 v30, v63;
	v16 =	vbroadcast v16, $0x0  }
0x1cb: {  	v44 =	vperm.xlane v11, v1;
	v9 =	vmul.f32 $1.442695020e+00, v9  }
0x1cc: {  	v8 =	vmul.f32 $1.767766920e-01, v8;
	v10 =	vmul.f32 $1.767766920e-01, v10  }
0x1cd: {  	v39 =	vld [tilespmem:s11+$0xFFFFFF20];
	v32 =	vperm.xlane v62, v4;
	(erf) = vpow2.f32 v9;
	v9 =	vadd.f32 v56, v59  }
0x1ce: {  	v38 =	vld [tilespmem:s12+$0xFFFFFFA0];
	v34 =	vperm.xlane v29, v1;
	v43 =	vmul.f32 v35, v33  }
0x1cf: {  	v8 =	vmul.f32 $1.442695020e+00, v8;
	v28 =	vmul.f32 $1.767766920e-01, v9  }
0x1d0: {  	v13 =	vadd.f32 v13, v42;
	v10 =	vmul.f32 $1.442695020e+00, v10;
	(erf) = vpow2.f32 v12  }
0x1d1: {  	(erf) = vpow2.f32 v8;
	v8 =	vmul.f32 $1.442695020e+00, v28  }
0x1d2: {  	v47 =	vperm.xlane v13, v1;
	v12 =	vadd.f32 v37, v36;
	(erf) = vpow2.f32 v10  }
0x1d3: {  	s18 =	sadd.s32 $0x2, s10;
	v11 =	vadd.f32 v11, v44;
	(erf) = vpow2.f32 v8;
	v8 =	vmul.f32 v39, v38  }
0x1d4: {  	v56 =	vmov s18;
	v9 =	vadd.f32 v29, v34;
	v41 =	vperm.xlane v12, v1  }
0x1d5: {  	v49 =	vperm.xlane v11, v2;
	v10 =	vadd.f32 v62, v32;
	v8 =	vadd.f32 v8, v43  }
0x1d6: {  	v57 =	vld [tilespmem:s15+$0xFFFFFE10];
	v60 =	vand.u32 $0xFFFFFFFE, v56;
	v40 =	vperm.xlane v9, v2;
	v12 =	vadd.f32 v12, v41  }
0x1d7: {  	v55 =	vld [tilespmem:s11+$0xFFFFFC90];
	v50 =	vadd.f32 v13, v47;
	v10 =	vmul.f32 $1.767766920e-01, v10;
	v48 =	vperm.xlane v8, v1  }
0x1d8: {  	v11 =	vadd.f32 v11, v49;
	v9 =	vadd.f32 v9, v40;
	v46 =	vperm.xlane v12, v2  }
0x1d9: {  	v52 =	vperm.xlane v50, v2;
	v10 =	vmul.f32 $1.442695020e+00, v10;
	v8 =	vadd.f32 v8, v48  }
0x1da: {  	v54 =	vperm.xlane v11, v3;
	v45 =	vperm.xlane v9, v3;
	v12 =	vadd.f32 v12, v46  }
0x1db: {  	(erf) = vpow2.f32 v10;
	v10 =	vadd.f32 v50, v52;
	v53 =	vperm.xlane v8, v2  }
0x1dc: {  	v14 =	vadd.f32 v57, v55;
	v36 =	vld [tilespmem:s12+$0xFFFFFFC0];
	v9 =	vadd.f32 v9, v45;
	v15 =	vperm.xlane v12, v3  }
0x1dd: {  	v37 =	vld [tilespmem:s11+$0xFFFFFF40];
	v11 =	vadd.f32 v11, v54;
	v61 =	vperm.xlane v10, v3;
	v8 =	vadd.f32 v8, v53  }
0x1de: {  	v59 =	vld.idx.msk [tilespmem:v16+s25+$0x0], $0xffff;
	v16 =	vbroadcast v60, $0x0;
	v51 =	vperm.xlane v9, v4;
	v12 =	vadd.f32 v12, v15  }
0x1df: {  	v28 =	vperm.xlane v11, v4;
	v10 =	vadd.f32 v10, v61;
	v62 =	vperm.xlane v8, v3  }
0x1e0: {  	v14 =	vmul.f32 v14, v6;
	v9 =	vadd.f32 v9, v51;
	v58 =	vperm.xlane v12, v4  }
0x1e1: {  	v31 =	vld [tilespmem:s12+$0xFFFFFFB0];
	v11 =	vadd.f32 v11, v28;
	v32 =	vperm.xlane v10, v4;
	v8 =	vadd.f32 v8, v62  }
0x1e2: {  	v34 =	vld [tilespmem:s11+$0xFFFFFF30];
	v18 =	vmul.f32 v37, v36;
	v9 =	vmul.f32 $1.767766920e-01, v9;
	v12 =	vadd.f32 v12, v58  }
0x1e3: {  	v35 =	vmul.f32 $1.767766920e-01, v11;
	v15 =	vadd.f32 v10, v32;
	v33 =	vperm.xlane v8, v4  }
0x1e4: {  	v9 =	vmul.f32 $1.442695020e+00, v9;
	v30 =	vmul.f32 $1.767766920e-01, v12  }
0x1e5: {  	v38 =	vmul.f32 $1.442695020e+00, v35;
	v15 =	vmul.f32 $1.767766920e-01, v15;
	v8 =	vadd.f32 v8, v33  }
0x1e6: {  	v63 =	vld [tilespmem:s11+$0xFFFFFD90];
	v22 =	vpop (erf);
	(erf) = vpow2.f32 v9;
	v9 =	vmul.f32 $1.442695020e+00, v30  }
0x1e7: {  	v29 =	vld [tilespmem:s15+$0xFFFFFE90];
	v17 =	vpop (erf);
	v12 =	vmul.f32 v34, v31;
	v40 =	vmul.f32 $1.767766920e-01, v8  }
0x1e8: {  	v24 =	vld [tilespmem:s11+$0xFFFFFF70];
	s18 =	sadd.s32 $0x3, s10;
	v11 =	vpop (erf);
	v43 =	vmul.f32 $1.442695020e+00, v15;
	(erf) = vpow2.f32 v9  }
0x1e9: {  	v16 =	vld.idx.msk [tilespmem:v16+s25+$0x0], $0xffff;
	v46 =	vmov s18;
	v39 =	vpop (erf);
	(erf) = vpow2.f32 v38;
	v45 =	vmul.f32 $1.442695020e+00, v40  }
0x1ea: {  	v44 =	vld [tilespmem:s15+$0xFFFFFF10];
	vm4 =	vgt.s32 v59, $0x0;
	v23 =	vpop (erf);
	(erf) = vpow2.f32 v43  }
0x1eb: {  	v41 =	vld [tilespmem:s11+$0xFFFFFE90];
	[tilespmem:s12+$0xFFFFFE10] =	vst v14;
	v10 =	vsel vm4, $0x3F800000, v0;
	v12 =	vadd.f32 v18, v12;
	(erf) = vpow2.f32 v45  }
0x1ec: {  	v47 =	vld [tilespmem:s11+$0xFFFFFCA0];
	v42 =	vadd.f32 v29, v63;
	v8 =	vmul.f32 v39, v10  }
0x1ed: {  	v49 =	vld [tilespmem:s15+$0xFFFFFE20];
	v21 =	vpop (erf);
	v51 =	vperm.xlane v12, v1  }
0x1ee: {  	v52 =	vld.idx.msk [tilespmem:v46+s25+$0x0], $0xffff;
	vm4 =	vgt.s32 v16, $0x0;
	v13 =	vpop (erf);
	v9 =	vmul.f32 v42, v8  }
0x1ef: {  	v54 =	vld [tilespmem:s15+$0xFFFFFF90];
	v14 =	vsel vm4, $0x3F800000, v0;
	v12 =	vadd.f32 v12, v51;
	v48 =	vpop (erf)  }
0x1f0: {  	v53 =	vld [tilespmem:s11+$0xFFFFFF90];
	v15 =	vadd.f32 v44, v41;
	[tilespmem:s12+$0xFFFFFE90] =	vst v9;
	v9 =	vmul.f32 v48, v14  }
0x1f1: {  	v59 =	vld [tilespmem:s11+$0xFFFFFF60];
	v56 =	vperm.xlane v12, v2;
	v55 =	vpop (erf)  }
0x1f2: {  	v35 =	vld [tilespmem:s12+$0xFFFFFFE0];
	v15 =	vmul.f32 v15, v9;
	v29 =	vpop (erf)  }
0x1f3: {  	v32 =	vld [tilespmem:s12+$0xFFFFFFD0];
	vm4 =	vgt.s32 v52, $0x0;
	v57 =	vadd.f32 v12, v56;
	v16 =	vpop (erf)  }
0x1f4: {  	v34 =	vld [tilespmem:s11+$0xFFFFFF50];
	[tilespmem:s12+$0xFFFFFF10] =	vst v15;
	v15 =	vsel vm4, $0x3F800000, v0;
	v58 =	vpop (erf)  }
0x1f5: {  	v25 =	vadd.f32 v54, v53;
	v50 =	vld [tilespmem:s11+$0xFFFFFDA0];
	v33 =	vperm.xlane v57, v3;
	v12 =	vmul.f32 v58, v15  }
0x1f6: {  	v28 =	vld [tilespmem:s15+$0xFFFFFEA0]  }
0x1f7: {  	v60 =	vadd.f32 v57, v33;
	v33 =	vld [tilespmem:s11+$0xFFFFFF80];
	v25 =	vmul.f32 v25, v12  }
0x1f8: {  	v30 =	vld [tilespmem:s11+$0xFFFFFEA0]  }
0x1f9: {  	v18 =	vadd.f32 v49, v47;
	v31 =	vld [tilespmem:s15+$0xFFFFFF20];
	v61 =	vperm.xlane v60, v4;
	[tilespmem:s12+$0xFFFFFF90] =	vst v25  }
0x1fa: {  	v25 =	vld [tilespmem:s11+$0xFFFFFFA0]  }
0x1fb: {  	v18 =	vmul.f32 v18, v6;
	v19 =	vadd.f32 v60, v61;
	v63 =	vld [tilespmem:s15+$0xFFFFFFA0]  }
0x1fc: {  	v20 =	vadd.f32 v28, v50  }
0x1fd: {  	v26 =	vmul.f32 v59, v35;
	[tilespmem:s12+$0xFFFFFE20] =	vst v18;
	v38 =	vmul.f32 $1.767766920e-01, v19  }
0x1fe: {  	v32 =	vmul.f32 v34, v32;
	v36 =	vld [tilespmem:s11+$0xFFFFFCB0];
	v62 =	vmul.f32 v20, v8;
	v30 =	vadd.f32 v31, v30  }
0x1ff: {  	v37 =	vld [tilespmem:s15+$0xFFFFFE30];
	v18 =	vmul.f32 $1.442695020e+00, v38  }
0x200: {  	v42 =	vadd.f32 v26, v32;
	[tilespmem:s12+$0xFFFFFEA0] =	vst v62;
	v30 =	vmul.f32 v30, v9;
	v20 =	vadd.f32 v63, v25  }
0x201: {  	v39 =	vld [tilespmem:s11+$0xFFFFFDB0];
	(erf) = vpow2.f32 v18  }
0x202: {  	v45 =	vperm.xlane v42, v1;
	v40 =	vld [tilespmem:s15+$0xFFFFFEB0];
	[tilespmem:s12+$0xFFFFFF20] =	vst v30;
	v44 =	vmul.f32 v20, v12  }
0x203: {  	v41 =	vld [tilespmem:s11+$0xFFFFFEB0]  }
0x204: {  	v22 =	vmul.f32 v22, v7;
	v47 =	vadd.f32 v42, v45;
	v28 =	vadd.f32 v37, v36;
	v43 =	vld [tilespmem:s15+$0xFFFFFF30];
	[tilespmem:s12+$0xFFFFFFA0] =	vst v44  }
0x205: {  	v30 =	vld [tilespmem:s11+$0xFFFFFFB0]  }
0x206: {  	v50 =	vperm.xlane v47, v2;
	v46 =	vmul.f32 v28, v22;
	v48 =	vld [tilespmem:s15+$0xFFFFFFB0]  }
0x207: {  	v19 =	vadd.f32 v40, v39;
	v20 =	vmul.f32 v23, v10  }
0x208: {  	v36 =	vld [tilespmem:s12+$0x0];
	v54 =	vadd.f32 v47, v50;
	[tilespmem:s12+$0xFFFFFE30] =	vst v46  }
0x209: {  	v51 =	vld [tilespmem:s11+$0xFFFFFCC0];
	v18 =	vmul.f32 v55, v14;
	v49 =	vadd.f32 v43, v41;
	v19 =	vmul.f32 v19, v20  }
0x20a: {  	v58 =	vperm.xlane v54, v3;
	v52 =	vld [tilespmem:s15+$0xFFFFFE40];
	v56 =	vpop (erf)  }
0x20b: {  	v62 =	vld [tilespmem:s12+$0xFFFFFFF0];
	v53 =	vmul.f32 v49, v18;
	[tilespmem:s12+$0xFFFFFEB0] =	vst v19;
	v19 =	vmul.f32 v56, v15;
	v30 =	vadd.f32 v48, v30  }
0x20c: {  	v55 =	vld [tilespmem:s11+$0xFFFFFDC0]  }
0x20d: {  	v23 =	vadd.f32 v54, v58;
	[tilespmem:s12+$0xFFFFFF30] =	vst v53;
	v57 =	vld [tilespmem:s15+$0xFFFFFEC0];
	v61 =	vmul.f32 v30, v19  }
0x20e: {  	v59 =	vld [tilespmem:s11+$0xFFFFFEC0]  }
0x20f: {  	v26 =	vadd.f32 v52, v51;
	v63 =	vperm.xlane v23, v4;
	v60 =	vld [tilespmem:s15+$0xFFFFFF40];
	[tilespmem:s12+$0xFFFFFFB0] =	vst v61  }
0x210: {  	v28 =	vld [tilespmem:s11+$0xFFFFFFC0]  }
0x211: {  	v26 =	vmul.f32 v26, v22;
	v23 =	vadd.f32 v23, v63;
	v37 =	vld [tilespmem:s15+$0xFFFFFFC0]  }
0x212: {  	v25 =	vadd.f32 v57, v55  }
0x213: {  	v24 =	vmul.f32 v24, v62;
	[tilespmem:s12+$0xFFFFFE40] =	vst v26;
	v23 =	vmul.f32 $1.767766920e-01, v23  }
0x214: {  	v41 =	vmul.f32 v33, v36;
	v39 =	vld [tilespmem:s11+$0xFFFFFCD0];
	v38 =	vadd.f32 v60, v59;
	v25 =	vmul.f32 v25, v20  }
0x215: {  	v40 =	vld [tilespmem:s15+$0xFFFFFE50];
	v23 =	vmul.f32 $1.442695020e+00, v23  }
0x216: {  	v44 =	vadd.f32 v41, v24;
	v26 =	vmul.f32 v38, v18;
	[tilespmem:s12+$0xFFFFFEC0] =	vst v25;
	v28 =	vadd.f32 v37, v28  }
0x217: {  	(erf) = vpow2.f32 v23;
	v42 =	vld [tilespmem:s11+$0xFFFFFDD0]  }
0x218: {  	v49 =	vperm.xlane v44, v1;
	[tilespmem:s12+$0xFFFFFF40] =	vst v26;
	v43 =	vld [tilespmem:s15+$0xFFFFFED0];
	v46 =	vmul.f32 v28, v19  }
0x219: {  	v45 =	vld [tilespmem:s11+$0xFFFFFED0]  }
0x21a: {  	v17 =	vmul.f32 v17, v7;
	v47 =	vadd.f32 v40, v39;
	v23 =	vadd.f32 v44, v49;
	v48 =	vld [tilespmem:s15+$0xFFFFFF50];
	[tilespmem:s12+$0xFFFFFFC0] =	vst v46  }
0x21b: {  	v51 =	vld [tilespmem:s11+$0xFFFFFFD0]  }
0x21c: {  	v50 =	vmul.f32 v47, v17;
	v54 =	vperm.xlane v23, v2;
	v53 =	vld [tilespmem:s15+$0xFFFFFFD0]  }
0x21d: {  	v21 =	vmul.f32 v21, v10;
	v52 =	vadd.f32 v43, v42  }
0x21e: {  	[tilespmem:s12+$0xFFFFFE50] =	vst v50;
	v23 =	vadd.f32 v23, v54  }
0x21f: {  	v29 =	vmul.f32 v29, v14;
	v56 =	vld [tilespmem:s15+$0xFFFFFE60];
	v24 =	vadd.f32 v48, v45;
	v28 =	vmul.f32 v52, v21  }
0x220: {  	v55 =	vld [tilespmem:s11+$0xFFFFFCE0];
	v58 =	vperm.xlane v23, v3;
	v57 =	vpop (erf)  }
0x221: {  	v24 =	vmul.f32 v24, v29;
	v25 =	vmul.f32 v57, v15;
	[tilespmem:s12+$0xFFFFFED0] =	vst v28;
	v26 =	vadd.f32 v53, v51  }
0x222: {  	v28 =	vld [tilespmem:s11+$0xFFFFFDE0]  }
0x223: {  	v23 =	vadd.f32 v23, v58;
	[tilespmem:s12+$0xFFFFFF50] =	vst v24;
	v59 =	vld [tilespmem:s15+$0xFFFFFEE0];
	v60 =	vmul.f32 v26, v25  }
0x224: {  	v62 =	vld [tilespmem:s11+$0xFFFFFEE0]  }
0x225: {  	v61 =	vadd.f32 v56, v55;
	v32 =	vperm.xlane v23, v4;
	v63 =	vld [tilespmem:s15+$0xFFFFFF60];
	[tilespmem:s12+$0xFFFFFFD0] =	vst v60  }
0x226: {  	v35 =	vld [tilespmem:s11+$0xFFFFFFE0]  }
0x227: {  	v34 =	vmul.f32 v61, v17;
	v23 =	vadd.f32 v23, v32;
	v36 =	vld [tilespmem:s15+$0xFFFFFFE0]  }
0x228: {  	v28 =	vadd.f32 v59, v28  }
0x229: {  	[tilespmem:s12+$0xFFFFFE60] =	vst v34;
	v23 =	vmul.f32 $1.767766920e-01, v23  }
0x22a: {  	v37 =	vld [tilespmem:s15+$0xFFFFFE70];
	v27 =	vadd.f32 v63, v62;
	v28 =	vmul.f32 v28, v21  }
0x22b: {  	v24 =	vld [tilespmem:s11+$0xFFFFFCF0];
	v23 =	vmul.f32 $1.442695020e+00, v23  }
0x22c: {  	v27 =	vmul.f32 v27, v29;
	[tilespmem:s12+$0xFFFFFEE0] =	vst v28;
	v26 =	vadd.f32 v36, v35  }
0x22d: {  	(erf) = vpow2.f32 v23;
	v28 =	vld [tilespmem:s11+$0xFFFFFDF0]  }
0x22e: {  	[tilespmem:s12+$0xFFFFFF60] =	vst v27;
	v38 =	vld [tilespmem:s15+$0xFFFFFEF0];
	v26 =	vmul.f32 v26, v25  }
0x22f: {  	v40 =	vld [tilespmem:s11+$0xFFFFFEF0]  }
0x230: {  	v7 =	vmul.f32 v11, v7;
	v39 =	vadd.f32 v37, v24;
	v27 =	vld [tilespmem:s15+$0xFFFFFF70];
	[tilespmem:s12+$0xFFFFFFE0] =	vst v26  }
0x231: {  	v26 =	vld [tilespmem:s11+$0xFFFFFFF0]  }
0x232: {  	v11 =	vmul.f32 v39, v7;
	v42 =	vld [tilespmem:s15+$0xFFFFFFF0]  }
0x233: {  	v10 =	vmul.f32 v13, v10;
	v41 =	vadd.f32 v38, v28  }
0x234: {  	[tilespmem:s12+$0xFFFFFE70] =	vst v11  }
0x235: {  	v14 =	vmul.f32 v16, v14;
	v11 =	vld [tilespmem:s11+$0xFFFFFD00];
	v43 =	vadd.f32 v27, v40;
	v13 =	vmul.f32 v41, v10  }
0x236: {  	v44 =	vld [tilespmem:s15+$0xFFFFFE80];
	v45 =	vpop (erf)  }
0x237: {  	v16 =	vmul.f32 v43, v14;
	[tilespmem:s12+$0xFFFFFEF0] =	vst v13;
	v13 =	vmul.f32 v45, v15;
	v23 =	vadd.f32 v42, v26  }
0x238: {  	v6 =	vnsel vm0, $0x0, v6;
	v8 =	vnsel vm0, $0x0, v8;
	v46 =	vld [tilespmem:s11+$0xFFFFFE00]  }
0x239: {  	v22 =	vsel vm1, $0x0, v22;
	v50 =	vsel vm1, $0x0, v20;
	[tilespmem:s12+$0xFFFFFF70] =	vst v16;
	v47 =	vld [tilespmem:s15+$0xFFFFFF00];
	v48 =	vmul.f32 v23, v13  }
0x23a: {  	v9 =	vnsel vm0, $0x0, v9;
	v6 =	vadd.f32 v22, v6;
	v8 =	vadd.f32 v50, v8;
	v49 =	vld [tilespmem:s11+$0xFFFFFF00]  }
0x23b: {  	v55 =	vsel vm1, $0x0, v18;
	v17 =	vsel vm2, $0x0, v17;
	v11 =	vadd.f32 v44, v11;
	v51 =	vld [tilespmem:s15+$0xFFFFFF80];
	[tilespmem:s12+$0xFFFFFFF0] =	vst v48  }
0x23c: {  	v9 =	vadd.f32 v55, v9;
	v6 =	vadd.f32 v17, v6;
	v58 =	vnsel vm0, $0x0, v12;
	v52 =	vld [tilespmem:s11+$0x0]  }
0x23d: {  	v57 =	vsel vm2, $0x0, v29;
	v11 =	vmul.f32 v11, v7;
	v7 =	vsel vm3, $0x0, v7;
	v54 =	vld [tilespmem:s15+$0x0]  }
0x23e: {  	v53 =	vsel vm2, $0x0, v21;
	v6 =	vadd.f32 v7, v6;
	v7 =	vadd.f32 v47, v46  }
0x23f: {  	v9 =	vadd.f32 v57, v9;
	v8 =	vadd.f32 v53, v8;
	v59 =	vsel vm1, $0x0, v19  }
0x240: {  	[tilespmem:s12+$0xFFFFFE80] =	vst v11;
	v56 =	vadd.f32 v51, v49;
	v7 =	vmul.f32 v7, v10;
	v10 =	vsel vm3, $0x0, v10  }
0x241: {  	v61 =	vsel vm2, $0x0, v25;
	v11 =	vadd.f32 v59, v58;
	[tilespmem:s16+$0xFFFFFFE0] =	vst v6;
	v8 =	vadd.f32 v10, v8  }
0x242: {  	p0 =	slt.u32 s10, $0x4C;
	v60 =	vsel vm3, $0x0, v14;
	[tilespmem:s12+$0xFFFFFF00] =	vst v7;
	v7 =	vmul.f32 v56, v14;
	v6 =	vadd.f32 v54, v52  }
.Ltmp9:
0x243: {  	v62 =	vadd.f32 v60, v9;
	v63 =	vadd.f32 v61, v11;
	[tilespmem:s16+$0xFFFFFFF0] =	vst v8;
	(pc) =	sbr.rel @p0 .LBB2_9-.Ltmp9, $4  }
0x244: {  	[tilespmem:s12+$0xFFFFFF80] =	vst v7;
	v7 =	vsel vm3, $0x0, v13;
	v6 =	vmul.f32 v6, v13  }
0x245: {  	[tilespmem:s16+$0x0] =	vst v62;
	v7 =	vadd.f32 v7, v63  }
0x246: {  	s10 =	sadd.s32 $0x4, s10;
	s11 =	sadd.s32 $0x400, s11;
	[tilespmem:s12+$0x0] =	vst v6  }
0x247: {  	s15 =	sadd.s32 $0x200, s15;
	s12 =	sadd.s32 $0x200, s12;
	[tilespmem:s16+$0x10] =	vst v7;
	s16 =	sadd.s32 $0x40, s16  }
.Ltmp10:
0x248: {  	_ = 	snop;
	(pc) =	sbr.rel .LBB2_10-.Ltmp10, $1  }
0x249: {  	_ =	sdelay $0x3  }
.LBB2_12:
0x24a: {  	v6 =	vld [tilespmem:$0xAC50]  }
0x24b: {  	v7 =	vld [tilespmem:$0xAC90];
	_ =	sdelay $0x3  }
0x24c: {  	(v2sf) =	vpush v6, $0x0  }
0x24d: {  	(v2sf) =	vpush v7, $0xF;
	_ =	sdelay $0xd  }
0x24e: {  	s1 =	spop (v2sf)  }
0x24f: {  	s10 =	spop (v2sf);
	p0 =	sge.s32 s1, s23  }
0x250: {  	p1 =	slt.s32 @!p0 s10, s20  }
0x251: {  	p0 =	por p0, p1  }
.Ltmp11:
0x252: {  	_ = 	snop;
	(pc) =	sbr.rel @p0 .LBB2_16-.Ltmp11, $1  }
0x253: {  	_ =	sdelay $0x3  }
0x254: {  	_ =	swait.ge [sflag:s24], $0x2800  }
0x255: {  	[sflag:s24] =	ssyncset.done $0x0  }
0x256: {  	[sflag:s24] =	ssyncadd.s32 $0xFFFFD800  }
0x257: {  	_ =	swait.ge [sflag:s24], $0x5000  }
0x258: {  	[sflag:s24] =	ssyncset.done $0x0  }
0x259: {  	[sflag:s24] =	ssyncadd.s32 $0xFFFFB000  }
0x25a: {  	_ =	swait.ge [sflag:s24], $0x2800  }
0x25b: {  	[sflag:s24] =	ssyncset.done $0x0  }
0x25c: {  	[sflag:s24] =	ssyncadd.s32 $0xFFFFD800  }
0x25d: {  	v7 =	vld [tilespmem:$0xAC60]  }
0x25e: {  	v8 =	vld [tilespmem:$0xAC70]  }
0x25f: {  	v9 =	vld [tilespmem:$0xAC80]  }
0x260: {  	v10 =	vld [tilespmem:$0xAC90]  }
0x261: {  	v6 =	vsub.s32 v6, v5  }
0x262: {  	vm4 =	vlt.u32 v6, $0xA00;
	v6 =	vadd.s32 $0x8, v6  }
0x263: {  	v6 =	vnsel vm4, $0x0, v6  }
0x264: {  	v7 =	vsub.s32 v7, v5;
	v8 =	vsub.s32 v8, v5;
	v9 =	vsub.s32 v9, v5  }
0x265: {  	v5 =	vsub.s32 v10, v5;
	vm4 =	vlt.u32 v7, $0xA00;
	v7 =	vadd.s32 $0x8, v7  }
0x266: {  	[tilespmem:$0x1F1A0] =	vst v6;
	v6 =	vnsel vm4, $0x0, v7;
	vm4 =	vlt.u32 v8, $0xA00;
	v7 =	vadd.s32 $0x8, v8  }
0x267: {  	[tilespmem:$0x1F1B0] =	vst v6;
	v6 =	vnsel vm4, $0x0, v7;
	vm4 =	vlt.u32 v9, $0xA00;
	v7 =	vadd.s32 $0x8, v9  }
0x268: {  	[tilespmem:$0x1F1C0] =	vst v6;
	v6 =	vnsel vm4, $0x0, v7;
	v7 =	vadd.s32 $0x8, v5;
	vm4 =	vlt.u32 v5, $0xA00  }
0x269: {  	s1 =	simm.s32 $0x0;
	s10 =	simm.s32 $0x19DA0;
	[tilespmem:$0x1F1D0] =	vst v6;
	v5 =	vnsel vm4, $0x0, v7  }
0x26a: {  	s11 =	simm.s32 $0xADA0;
	s12 =	simm.s32 $0x1ECC0;
	s15 =	simm.s32 $0xFEA0;
	[tilespmem:$0x1F1E0] =	vst v5  }
.LBB2_14:
0x26b: {  	v5 =	vld [tilespmem:s11+$0xFFFFFF00]  }
0x26c: {  	v6 =	vld [tilespmem:s15+$0xFFFFFE00]  }
0x26d: {  	v7 =	vld [tilespmem:s11+$0xFFFFFF10]  }
0x26e: {  	v8 =	vld [tilespmem:s15+$0xFFFFFE10]  }
0x26f: {  	v9 =	vld [tilespmem:s11+$0xFFFFFF30]  }
0x270: {  	v11 =	vld [tilespmem:s15+$0xFFFFFE30]  }
0x271: {  	v54 =	vld [tilespmem:s11+$0xFFFFFF40]  }
0x272: {  	v55 =	vld [tilespmem:s15+$0xFFFFFE40]  }
0x273: {  	v57 =	vld [tilespmem:s11+$0xFFFFFF50]  }
0x274: {  	v12 =	vld [tilespmem:s15+$0xFFFFFE50];
	v5 =	vmul.f32 v6, v5;
	v6 =	vmul.f32 v8, v7  }
0x275: {  	v13 =	vld [tilespmem:s11+$0xFFFFFF60]  }
0x276: {  	v14 =	vld [tilespmem:s15+$0xFFFFFE60];
	v5 =	vadd.f32 v6, v5  }
0x277: {  	v59 =	vld [tilespmem:s11+$0xFFFFFF70]  }
0x278: {  	v15 =	vld [tilespmem:s15+$0xFFFFFE70];
	v49 =	vperm.xlane v5, v1  }
0x279: {  	v7 =	vld [tilespmem:s15+$0xFFFFFE20]  }
0x27a: {  	v6 =	vld [tilespmem:s11+$0xFFFFFF20];
	v5 =	vadd.f32 v5, v49  }
0x27b: {  	v17 =	vld [tilespmem:s11+$0xFFFFFF80]  }
0x27c: {  	v60 =	vld [tilespmem:s15+$0xFFFFFF00];
	v51 =	vperm.xlane v5, v2  }
0x27d: {  	v61 =	vld [tilespmem:s11+$0xFFFFFF90]  }
0x27e: {  	v24 =	vld [tilespmem:s11+$0xFFFFFFB0];
	v5 =	vadd.f32 v5, v51  }
0x27f: {  	v10 =	vmov s1;
	v25 =	vld [tilespmem:s15+$0xFFFFFF30];
	v6 =	vmul.f32 v7, v6;
	v7 =	vmul.f32 v11, v9  }
0x280: {  	v28 =	vld [tilespmem:s11+$0xFFFFFFC0];
	v10 =	vand.u32 $0xFFFFFFFC, v10;
	v52 =	vperm.xlane v5, v3  }
0x281: {  	v22 =	vld [tilespmem:s15+$0xFFFFFF40];
	v50 =	vbroadcast v10, $0x0;
	v6 =	vadd.f32 v7, v6  }
0x282: {  	v29 =	vld [tilespmem:s11+$0xFFFFFFD0];
	v5 =	vadd.f32 v5, v52  }
0x283: {  	v31 =	vld [tilespmem:s15+$0xFFFFFF50];
	v53 =	vperm.xlane v6, v1  }
0x284: {  	v34 =	vld [tilespmem:s11+$0xFFFFFFE0];
	v56 =	vperm.xlane v5, v4  }
0x285: {  	v37 =	vld [tilespmem:s15+$0xFFFFFF60];
	v13 =	vmul.f32 v14, v13;
	v11 =	vmul.f32 v15, v59;
	v6 =	vadd.f32 v6, v53  }
0x286: {  	v62 =	vld [tilespmem:s15+$0xFFFFFF10];
	v8 =	vmul.f32 v12, v57;
	v5 =	vadd.f32 v5, v56  }
0x287: {  	v41 =	vmul.f32 v22, v28;
	v7 =	vld.idx.msk [tilespmem:v50+s25+$0x0], $0xffff;
	v11 =	vadd.f32 v11, v13;
	v58 =	vperm.xlane v6, v2  }
0x288: {  	v40 =	vld [tilespmem:s11+$0xFFFFFFF0];
	v10 =	vmul.f32 v31, v29;
	v5 =	vmul.f32 $1.767766920e-01, v5  }
0x289: {  	v42 =	vld [tilespmem:s15+$0xFFFFFF70];
	v30 =	vmul.f32 v25, v24;
	v21 =	vperm.xlane v11, v1;
	v6 =	vadd.f32 v6, v58  }
0x28a: {  	v63 =	vld [tilespmem:s11+$0xFFFFFFA0];
	v12 =	vmul.f32 v37, v34;
	v10 =	vadd.f32 v10, v41;
	v5 =	vmul.f32 $1.442695020e+00, v5  }
0x28b: {  	v19 =	vld [tilespmem:s15+$0xFFFFFF20];
	v9 =	vmul.f32 v55, v54;
	v11 =	vadd.f32 v11, v21;
	v16 =	vperm.xlane v6, v3  }
0x28c: {  	vm4 =	vgt.s32 v7, $0x0;
	v7 =	vmul.f32 v60, v17;
	(erf) = vpow2.f32 v5  }
0x28d: {  	v5 =	vadd.f32 v6, v16;
	v6 =	vadd.f32 v8, v9;
	v8 =	vmul.f32 v62, v61  }
0x28e: {  	v14 =	vmul.f32 v42, v40;
	v47 =	vperm.xlane v10, v1  }
0x28f: {  	v38 =	vperm.xlane v11, v2;
	v18 =	vperm.xlane v6, v1;
	v7 =	vadd.f32 v8, v7  }
0x290: {  	v12 =	vadd.f32 v14, v12;
	v10 =	vadd.f32 v10, v47;
	v54 =	vld [tilespmem:s15+$0x10];
	v9 =	vmul.f32 v19, v63  }
0x291: {  	v51 =	vld [tilespmem:s11+$0x10];
	v11 =	vadd.f32 v11, v38;
	v26 =	vadd.f32 v6, v18;
	v36 =	vperm.xlane v7, v1  }
0x292: {  	v53 =	vperm.xlane v10, v2;
	v56 =	vperm.xlane v12, v1;
	v9 =	vadd.f32 v30, v9  }
0x293: {  	v45 =	vperm.xlane v11, v3;
	v20 =	vperm.xlane v26, v2;
	v7 =	vadd.f32 v7, v36  }
0x294: {  	v10 =	vadd.f32 v10, v53;
	v12 =	vadd.f32 v12, v56;
	v39 =	vperm.xlane v9, v1  }
0x295: {  	v11 =	vadd.f32 v11, v45;
	v32 =	vadd.f32 v26, v20;
	v44 =	vperm.xlane v7, v2  }
0x296: {  	v13 =	vmul.f32 v54, v51;
	v23 =	vperm.xlane v12, v2;
	v9 =	vadd.f32 v9, v39  }
0x297: {  	v24 =	vld [tilespmem:s11+$0x40];
	v52 =	vperm.xlane v11, v4;
	v35 =	vperm.xlane v32, v3;
	v7 =	vadd.f32 v7, v44  }
0x298: {  	v29 =	vld [tilespmem:s15+$0x40];
	v61 =	vperm.xlane v10, v3;
	v46 =	vperm.xlane v9, v2  }
0x299: {  	v12 =	vadd.f32 v12, v23;
	v43 =	vadd.f32 v32, v35;
	v49 =	vperm.xlane v7, v3  }
0x29a: {  	v48 =	vld [tilespmem:s11+$0x0];
	v11 =	vadd.f32 v11, v52;
	v16 =	vperm.xlane v5, v4;
	v9 =	vadd.f32 v9, v46  }
0x29b: {  	v57 =	vld [tilespmem:s11+$0x20];
	v28 =	vadd.f32 v10, v61;
	v15 =	vperm.xlane v43, v4;
	v7 =	vadd.f32 v7, v49  }
0x29c: {  	v37 =	vld [tilespmem:s15+$0x70];
	v25 =	vperm.xlane v12, v3;
	v5 =	vadd.f32 v5, v16;
	v55 =	vperm.xlane v9, v3  }
0x29d: {  	v40 =	vld [tilespmem:s11+$0x80];
	v10 =	vmul.f32 v29, v24;
	v8 =	vadd.f32 v43, v15;
	v58 =	vperm.xlane v7, v4  }
0x29e: {  	v42 =	vld [tilespmem:s15+$0x100];
	v11 =	vmul.f32 $1.767766920e-01, v11;
	v27 =	vmul.f32 $1.767766920e-01, v5;
	v9 =	vadd.f32 v9, v55  }
0x29f: {  	v59 =	vld [tilespmem:s15+$0x20];
	v31 =	vperm.xlane v28, v4;
	v8 =	vmul.f32 $1.767766920e-01, v8;
	v7 =	vadd.f32 v7, v58  }
0x2a0: {  	v50 =	vld [tilespmem:s15+$0x0];
	v33 =	vmul.f32 $1.442695020e+00, v27;
	v63 =	vperm.xlane v9, v4  }
0x2a1: {  	v60 =	vld [tilespmem:s11+$0x30];
	v8 =	vmul.f32 $1.442695020e+00, v8;
	v7 =	vmul.f32 $1.767766920e-01, v7  }
0x2a2: {  	v62 =	vld [tilespmem:s15+$0x30];
	v11 =	vmul.f32 $1.442695020e+00, v11;
	v5 =	vpop (erf);
	(erf) = vpow2.f32 v33;
	v9 =	vadd.f32 v9, v63  }
0x2a3: {  	v30 =	vld [tilespmem:s11+$0x50];
	(erf) = vpow2.f32 v8;
	v7 =	vmul.f32 $1.442695020e+00, v7;
	v8 =	vadd.f32 v28, v31  }
0x2a4: {  	v34 =	vadd.f32 v12, v25;
	v32 =	vld [tilespmem:s15+$0x50];
	v9 =	vmul.f32 $1.767766920e-01, v9;
	(erf) = vpow2.f32 v11  }
0x2a5: {  	v26 =	vld [tilespmem:s11+$0x60];
	(erf) = vpow2.f32 v7;
	v7 =	vmul.f32 $1.767766920e-01, v8  }
0x2a6: {  	v6 =	vsel vm4, $0x3F800000, v0;
	v39 =	vperm.xlane v34, v4;
	v33 =	vld [tilespmem:s15+$0x60];
	v9 =	vmul.f32 $1.442695020e+00, v9  }
0x2a7: {  	v5 =	vmul.f32 v5, v6;
	v35 =	vld [tilespmem:s11+$0x70];
	v7 =	vmul.f32 $1.442695020e+00, v7  }
0x2a8: {  	v45 =	vld [tilespmem:s11+$0x90];
	v15 =	vmul.f32 v50, v48;
	(erf) = vpow2.f32 v9  }
0x2a9: {  	s16 =	sadd.s32 $0x1, s1;
	v14 =	vmul.f32 v32, v30;
	(erf) = vpow2.f32 v7;
	v7 =	vld [tilespmem:s15+$0x110]  }
0x2aa: {  	v38 =	vmov s16;
	v44 =	vmul.f32 v62, v60;
	v49 =	vmul.f32 v42, v40  }
0x2ab: {  	v43 =	vmul.f32 v59, v57;
	v36 =	vadd.f32 v13, v15;
	v10 =	vadd.f32 v14, v10  }
0x2ac: {  	v48 =	vmul.f32 v33, v26;
	v12 =	vmul.f32 v37, v35;
	v15 =	vand.u32 $0xFFFFFFFD, v38  }
0x2ad: {  	v41 =	vperm.xlane v36, v1;
	v50 =	vperm.xlane v10, v1;
	v11 =	vadd.f32 v44, v43  }
0x2ae: {  	v15 =	vbroadcast v15, $0x0;
	v12 =	vadd.f32 v12, v48;
	v7 =	vmul.f32 v7, v45  }
0x2af: {  	v10 =	vadd.f32 v10, v50;
	v8 =	vadd.f32 v36, v41;
	v47 =	vperm.xlane v11, v1  }
0x2b0: {  	v53 =	vperm.xlane v12, v1;
	v9 =	vadd.f32 v34, v39;
	v7 =	vadd.f32 v7, v49  }
0x2b1: {  	v55 =	vperm.xlane v10, v2;
	v46 =	vperm.xlane v8, v2;
	v11 =	vadd.f32 v11, v47  }
0x2b2: {  	v56 =	vadd.f32 v12, v53;
	v9 =	vmul.f32 $1.767766920e-01, v9;
	v54 =	vperm.xlane v7, v1  }
0x2b3: {  	v10 =	vadd.f32 v10, v55;
	v8 =	vadd.f32 v8, v46;
	v52 =	vperm.xlane v11, v2  }
0x2b4: {  	v58 =	vperm.xlane v56, v2;
	v9 =	vmul.f32 $1.442695020e+00, v9;
	v7 =	vadd.f32 v7, v54  }
0x2b5: {  	v60 =	vperm.xlane v10, v3;
	v51 =	vperm.xlane v8, v3;
	v11 =	vadd.f32 v11, v52  }
0x2b6: {  	s20 =	sadd.s32 $0x2, s1;
	(erf) = vpow2.f32 v9;
	v9 =	vadd.f32 v56, v58;
	v59 =	vperm.xlane v7, v2  }
0x2b7: {  	v62 =	vmov s20;
	v38 =	vld [tilespmem:s11+$0xB0];
	v8 =	vadd.f32 v8, v51;
	v14 =	vperm.xlane v11, v3  }
0x2b8: {  	v39 =	vld [tilespmem:s15+$0x130];
	v10 =	vadd.f32 v10, v60;
	v27 =	vperm.xlane v9, v3;
	v7 =	vadd.f32 v7, v59  }
0x2b9: {  	v26 =	vand.u32 $0xFFFFFFFE, v62;
	v57 =	vperm.xlane v8, v4;
	v11 =	vadd.f32 v11, v14  }
0x2ba: {  	v30 =	vperm.xlane v10, v4;
	v9 =	vadd.f32 v9, v27;
	v28 =	vperm.xlane v7, v3  }
0x2bb: {  	v25 =	vld.idx.msk [tilespmem:v15+s25+$0x0], $0xffff;
	v15 =	vbroadcast v26, $0x0;
	v8 =	vadd.f32 v8, v57;
	v24 =	vperm.xlane v11, v4  }
0x2bc: {  	v33 =	vld [tilespmem:s11+$0xA0];
	v10 =	vadd.f32 v10, v30;
	v34 =	vperm.xlane v9, v4;
	v7 =	vadd.f32 v7, v28  }
0x2bd: {  	v36 =	vld [tilespmem:s15+$0x120];
	v17 =	vmul.f32 v39, v38;
	v8 =	vmul.f32 $1.767766920e-01, v8;
	v11 =	vadd.f32 v11, v24  }
0x2be: {  	v37 =	vmul.f32 $1.767766920e-01, v10;
	v14 =	vadd.f32 v9, v34;
	v35 =	vperm.xlane v7, v4  }
0x2bf: {  	v61 =	vld [tilespmem:s15+$0xFFFFFE80];
	v8 =	vmul.f32 $1.442695020e+00, v8;
	v32 =	vmul.f32 $1.767766920e-01, v11  }
0x2c0: {  	v63 =	vld [tilespmem:s10+$0xFFFFFF00];
	v40 =	vmul.f32 $1.442695020e+00, v37;
	v14 =	vmul.f32 $1.767766920e-01, v14;
	v7 =	vadd.f32 v7, v35  }
0x2c1: {  	v29 =	vld [tilespmem:s15+$0xFFFFFF80];
	v21 =	vpop (erf);
	(erf) = vpow2.f32 v8;
	v8 =	vmul.f32 $1.442695020e+00, v32  }
0x2c2: {  	s23 =	sadd.s32 $0x3, s1;
	v31 =	vld [tilespmem:s10+$0xFFFFFF80];
	v16 =	vpop (erf);
	v11 =	vmul.f32 v36, v33;
	v42 =	vmul.f32 $1.767766920e-01, v7  }
0x2c3: {  	v23 =	vld [tilespmem:s15+$0x160];
	v48 =	vmov s23;
	v10 =	vpop (erf);
	v45 =	vmul.f32 $1.442695020e+00, v14;
	(erf) = vpow2.f32 v8  }
0x2c4: {  	v15 =	vld.idx.msk [tilespmem:v15+s25+$0x0], $0xffff;
	v41 =	vpop (erf);
	v11 =	vadd.f32 v17, v11;
	(erf) = vpow2.f32 v40;
	v47 =	vmul.f32 $1.442695020e+00, v42  }
0x2c5: {  	v13 =	vadd.f32 v63, v61;
	v43 =	vld [tilespmem:s15+$0x80];
	vm4 =	vgt.s32 v25, $0x0;
	v22 =	vpop (erf);
	(erf) = vpow2.f32 v45  }
0x2c6: {  	v46 =	vld [tilespmem:s10+$0x0];
	v9 =	vsel vm4, $0x3F800000, v0;
	v53 =	vperm.xlane v11, v1;
	(erf) = vpow2.f32 v47  }
0x2c7: {  	v61 =	vld [tilespmem:s15+$0x150];
	v44 =	vadd.f32 v31, v29;
	v7 =	vmul.f32 v41, v9  }
0x2c8: {  	v13 =	vmul.f32 v13, v5;
	v55 =	vld [tilespmem:s15+$0x180];
	v20 =	vpop (erf);
	v11 =	vadd.f32 v11, v53  }
0x2c9: {  	vm4 =	vgt.s32 v15, $0x0;
	v54 =	vld.idx.msk [tilespmem:v48+s25+$0x0], $0xffff;
	v12 =	vpop (erf);
	v8 =	vmul.f32 v44, v7  }
0x2ca: {  	[tilespmem:s11+$0xFFFFFF00] =	vst v13;
	v31 =	vld [tilespmem:s11+$0xC0];
	v13 =	vsel vm4, $0x3F800000, v0;
	v58 =	vperm.xlane v11, v2;
	v50 =	vpop (erf)  }
0x2cb: {  	v56 =	vld [tilespmem:s10+$0x80];
	v14 =	vadd.f32 v46, v43;
	[tilespmem:s11+$0xFFFFFF80] =	vst v8;
	v8 =	vmul.f32 v50, v13  }
0x2cc: {  	v51 =	vld [tilespmem:s10+$0xFFFFFF10];
	v59 =	vadd.f32 v11, v58;
	v57 =	vpop (erf)  }
0x2cd: {  	v49 =	vld [tilespmem:s15+$0xFFFFFE90];
	v28 =	vpop (erf);
	v14 =	vmul.f32 v14, v8  }
0x2ce: {  	v34 =	vld [tilespmem:s11+$0xD0];
	vm4 =	vgt.s32 v54, $0x0;
	v32 =	vperm.xlane v59, v3;
	v15 =	vpop (erf)  }
0x2cf: {  	v33 =	vld [tilespmem:s15+$0x140];
	[tilespmem:s11+$0x0] =	vst v14;
	v14 =	vsel vm4, $0x3F800000, v0;
	v60 =	vpop (erf)  }
0x2d0: {  	v24 =	vadd.f32 v56, v55;
	v62 =	vadd.f32 v59, v32;
	v32 =	vld [tilespmem:s15+$0x170];
	v11 =	vmul.f32 v60, v14  }
0x2d1: {  	v52 =	vld [tilespmem:s15+$0xFFFFFF90]  }
0x2d2: {  	v27 =	vld [tilespmem:s10+$0xFFFFFF90];
	v24 =	vmul.f32 v24, v11  }
0x2d3: {  	v29 =	vld [tilespmem:s15+$0x90]  }
0x2d4: {  	v17 =	vadd.f32 v51, v49;
	v63 =	vperm.xlane v62, v4;
	v30 =	vld [tilespmem:s10+$0x10];
	[tilespmem:s11+$0x80] =	vst v24  }
0x2d5: {  	v24 =	vld [tilespmem:s15+$0x190]  }
0x2d6: {  	v17 =	vmul.f32 v17, v5;
	v18 =	vadd.f32 v62, v63;
	v37 =	vld [tilespmem:s10+$0x90]  }
0x2d7: {  	v19 =	vadd.f32 v27, v52  }
0x2d8: {  	v25 =	vmul.f32 v61, v34;
	[tilespmem:s11+$0xFFFFFF10] =	vst v17;
	v40 =	vmul.f32 $1.767766920e-01, v18  }
0x2d9: {  	v31 =	vmul.f32 v33, v31;
	v38 =	vld [tilespmem:s15+$0xFFFFFEA0];
	v36 =	vmul.f32 v19, v7;
	v29 =	vadd.f32 v30, v29  }
0x2da: {  	v39 =	vld [tilespmem:s10+$0xFFFFFF20];
	v17 =	vmul.f32 $1.442695020e+00, v40  }
0x2db: {  	v44 =	vadd.f32 v25, v31;
	[tilespmem:s11+$0xFFFFFF90] =	vst v36;
	v29 =	vmul.f32 v29, v8;
	v19 =	vadd.f32 v37, v24  }
0x2dc: {  	(erf) = vpow2.f32 v17;
	v41 =	vld [tilespmem:s15+$0xFFFFFFA0]  }
0x2dd: {  	v47 =	vperm.xlane v44, v1;
	v42 =	vld [tilespmem:s10+$0xFFFFFFA0];
	[tilespmem:s11+$0x10] =	vst v29;
	v46 =	vmul.f32 v19, v11  }
0x2de: {  	v43 =	vld [tilespmem:s15+$0xA0]  }
0x2df: {  	v21 =	vmul.f32 v21, v6;
	v49 =	vadd.f32 v44, v47;
	v27 =	vadd.f32 v39, v38;
	v45 =	vld [tilespmem:s10+$0x20];
	[tilespmem:s11+$0x90] =	vst v46  }
0x2e0: {  	v29 =	vld [tilespmem:s15+$0x1A0]  }
0x2e1: {  	v52 =	vperm.xlane v49, v2;
	v48 =	vmul.f32 v27, v21;
	v50 =	vld [tilespmem:s10+$0xA0]  }
0x2e2: {  	v18 =	vadd.f32 v42, v41;
	v19 =	vmul.f32 v22, v9  }
0x2e3: {  	v38 =	vld [tilespmem:s11+$0xF0];
	v56 =	vadd.f32 v49, v52;
	[tilespmem:s11+$0xFFFFFF20] =	vst v48  }
0x2e4: {  	v17 =	vmul.f32 v57, v13;
	v53 =	vld [tilespmem:s15+$0xFFFFFEB0];
	v51 =	vadd.f32 v45, v43;
	v18 =	vmul.f32 v18, v19  }
0x2e5: {  	v60 =	vperm.xlane v56, v3;
	v54 =	vld [tilespmem:s10+$0xFFFFFF30];
	v58 =	vpop (erf)  }
0x2e6: {  	v36 =	vld [tilespmem:s11+$0xE0];
	v55 =	vmul.f32 v51, v17;
	[tilespmem:s11+$0xFFFFFFA0] =	vst v18;
	v18 =	vmul.f32 v58, v14;
	v29 =	vadd.f32 v50, v29  }
0x2e7: {  	v57 =	vld [tilespmem:s15+$0xFFFFFFB0]  }
0x2e8: {  	v22 =	vadd.f32 v56, v60;
	[tilespmem:s11+$0x20] =	vst v55;
	v59 =	vld [tilespmem:s10+$0xFFFFFFB0];
	v63 =	vmul.f32 v29, v18  }
0x2e9: {  	v61 =	vld [tilespmem:s15+$0xB0]  }
0x2ea: {  	v25 =	vadd.f32 v54, v53;
	v37 =	vperm.xlane v22, v4;
	v62 =	vld [tilespmem:s10+$0x30];
	[tilespmem:s11+$0xA0] =	vst v63  }
0x2eb: {  	v27 =	vld [tilespmem:s15+$0x1B0]  }
0x2ec: {  	v25 =	vmul.f32 v25, v21;
	v22 =	vadd.f32 v22, v37;
	v39 =	vld [tilespmem:s10+$0xB0]  }
0x2ed: {  	v24 =	vadd.f32 v59, v57  }
0x2ee: {  	v23 =	vmul.f32 v23, v36;
	[tilespmem:s11+$0xFFFFFF30] =	vst v25;
	v22 =	vmul.f32 $1.767766920e-01, v22  }
0x2ef: {  	v43 =	vmul.f32 v32, v38;
	v41 =	vld [tilespmem:s15+$0xFFFFFEC0];
	v40 =	vadd.f32 v62, v61;
	v24 =	vmul.f32 v24, v19  }
0x2f0: {  	v42 =	vld [tilespmem:s10+$0xFFFFFF40];
	v22 =	vmul.f32 $1.442695020e+00, v22  }
0x2f1: {  	v46 =	vadd.f32 v43, v23;
	v25 =	vmul.f32 v40, v17;
	[tilespmem:s11+$0xFFFFFFB0] =	vst v24;
	v27 =	vadd.f32 v39, v27  }
0x2f2: {  	(erf) = vpow2.f32 v22;
	v44 =	vld [tilespmem:s15+$0xFFFFFFC0]  }
0x2f3: {  	v51 =	vperm.xlane v46, v1;
	[tilespmem:s11+$0x30] =	vst v25;
	v45 =	vld [tilespmem:s10+$0xFFFFFFC0];
	v48 =	vmul.f32 v27, v18  }
0x2f4: {  	v47 =	vld [tilespmem:s15+$0xC0]  }
0x2f5: {  	v16 =	vmul.f32 v16, v6;
	v49 =	vadd.f32 v42, v41;
	v22 =	vadd.f32 v46, v51;
	v50 =	vld [tilespmem:s10+$0x40];
	[tilespmem:s11+$0xB0] =	vst v48  }
0x2f6: {  	v53 =	vld [tilespmem:s15+$0x1C0]  }
0x2f7: {  	v52 =	vmul.f32 v49, v16;
	v56 =	vperm.xlane v22, v2;
	v55 =	vld [tilespmem:s10+$0xC0]  }
0x2f8: {  	v20 =	vmul.f32 v20, v9;
	v54 =	vadd.f32 v45, v44  }
0x2f9: {  	[tilespmem:s11+$0xFFFFFF40] =	vst v52;
	v22 =	vadd.f32 v22, v56  }
0x2fa: {  	v28 =	vmul.f32 v28, v13;
	v58 =	vld [tilespmem:s10+$0xFFFFFF50];
	v23 =	vadd.f32 v50, v47;
	v27 =	vmul.f32 v54, v20  }
0x2fb: {  	v57 =	vld [tilespmem:s15+$0xFFFFFED0];
	v60 =	vperm.xlane v22, v3;
	v59 =	vpop (erf)  }
0x2fc: {  	v23 =	vmul.f32 v23, v28;
	v24 =	vmul.f32 v59, v14;
	[tilespmem:s11+$0xFFFFFFC0] =	vst v27;
	v25 =	vadd.f32 v55, v53  }
0x2fd: {  	v27 =	vld [tilespmem:s15+$0xFFFFFFD0]  }
0x2fe: {  	v22 =	vadd.f32 v22, v60;
	[tilespmem:s11+$0x40] =	vst v23;
	v61 =	vld [tilespmem:s10+$0xFFFFFFD0];
	v62 =	vmul.f32 v25, v24  }
0x2ff: {  	v33 =	vld [tilespmem:s15+$0xD0]  }
0x300: {  	v63 =	vadd.f32 v58, v57;
	v31 =	vperm.xlane v22, v4;
	v34 =	vld [tilespmem:s10+$0x50];
	[tilespmem:s11+$0xC0] =	vst v62  }
0x301: {  	v36 =	vld [tilespmem:s15+$0x1D0]  }
0x302: {  	v35 =	vmul.f32 v63, v16;
	v22 =	vadd.f32 v22, v31;
	v37 =	vld [tilespmem:s10+$0xD0]  }
0x303: {  	v27 =	vadd.f32 v61, v27  }
0x304: {  	[tilespmem:s11+$0xFFFFFF50] =	vst v35;
	v22 =	vmul.f32 $1.767766920e-01, v22  }
0x305: {  	v38 =	vld [tilespmem:s10+$0xFFFFFF60];
	v26 =	vadd.f32 v34, v33;
	v27 =	vmul.f32 v27, v20  }
0x306: {  	v23 =	vld [tilespmem:s15+$0xFFFFFEE0];
	v22 =	vmul.f32 $1.442695020e+00, v22  }
0x307: {  	v26 =	vmul.f32 v26, v28;
	[tilespmem:s11+$0xFFFFFFD0] =	vst v27;
	v25 =	vadd.f32 v37, v36  }
0x308: {  	(erf) = vpow2.f32 v22;
	v27 =	vld [tilespmem:s15+$0xFFFFFFE0]  }
0x309: {  	[tilespmem:s11+$0x50] =	vst v26;
	v39 =	vld [tilespmem:s10+$0xFFFFFFE0];
	v25 =	vmul.f32 v25, v24  }
0x30a: {  	v41 =	vld [tilespmem:s15+$0xE0]  }
0x30b: {  	v6 =	vmul.f32 v10, v6;
	v40 =	vadd.f32 v38, v23;
	v26 =	vld [tilespmem:s10+$0x60];
	[tilespmem:s11+$0xD0] =	vst v25  }
0x30c: {  	v25 =	vld [tilespmem:s15+$0x1E0]  }
0x30d: {  	v10 =	vmul.f32 v40, v6;
	v43 =	vld [tilespmem:s10+$0xE0]  }
0x30e: {  	v9 =	vmul.f32 v12, v9;
	v42 =	vadd.f32 v39, v27  }
0x30f: {  	[tilespmem:s11+$0xFFFFFF60] =	vst v10  }
0x310: {  	v13 =	vmul.f32 v15, v13;
	v10 =	vld [tilespmem:s15+$0xFFFFFEF0];
	v44 =	vadd.f32 v26, v41;
	v12 =	vmul.f32 v42, v9  }
0x311: {  	v45 =	vld [tilespmem:s10+$0xFFFFFF70];
	v46 =	vpop (erf)  }
0x312: {  	v15 =	vmul.f32 v44, v13;
	[tilespmem:s11+$0xFFFFFFE0] =	vst v12;
	v12 =	vmul.f32 v46, v14;
	v22 =	vadd.f32 v43, v25  }
0x313: {  	v5 =	vnsel vm0, $0x0, v5;
	v7 =	vnsel vm0, $0x0, v7;
	v47 =	vld [tilespmem:s15+$0xFFFFFFF0]  }
0x314: {  	v8 =	vnsel vm0, $0x0, v8;
	v21 =	vsel vm1, $0x0, v21;
	[tilespmem:s11+$0x60] =	vst v15;
	v48 =	vld [tilespmem:s10+$0xFFFFFFF0];
	v49 =	vmul.f32 v22, v12  }
0x315: {  	v5 =	vadd.f32 v21, v5;
	v51 =	vsel vm1, $0x0, v19;
	v56 =	vsel vm1, $0x0, v17;
	v50 =	vld [tilespmem:s15+$0xF0]  }
0x316: {  	v8 =	vadd.f32 v56, v8;
	v16 =	vsel vm2, $0x0, v16;
	v10 =	vadd.f32 v45, v10;
	v52 =	vld [tilespmem:s10+$0x70];
	[tilespmem:s11+$0xE0] =	vst v49  }
0x317: {  	v7 =	vadd.f32 v51, v7;
	v58 =	vsel vm2, $0x0, v28;
	v5 =	vadd.f32 v16, v5;
	v53 =	vld [tilespmem:s15+$0x1F0]  }
0x318: {  	v8 =	vadd.f32 v58, v8;
	v10 =	vmul.f32 v10, v6;
	v6 =	vsel vm3, $0x0, v6;
	v55 =	vld [tilespmem:s10+$0xF0]  }
0x319: {  	v54 =	vsel vm2, $0x0, v20;
	v5 =	vadd.f32 v6, v5;
	v6 =	vadd.f32 v48, v47  }
0x31a: {  	v60 =	vsel vm1, $0x0, v18;
	v59 =	vnsel vm0, $0x0, v11;
	v7 =	vadd.f32 v54, v7  }
0x31b: {  	[tilespmem:s11+$0xFFFFFF70] =	vst v10;
	v57 =	vadd.f32 v52, v50;
	v6 =	vmul.f32 v6, v9;
	v9 =	vsel vm3, $0x0, v9  }
0x31c: {  	v61 =	vsel vm3, $0x0, v13;
	v10 =	vadd.f32 v60, v59;
	[tilespmem:s12+$0xFFFFFFE0] =	vst v5;
	v7 =	vadd.f32 v9, v7  }
0x31d: {  	p0 =	slt.u32 s1, $0x4C;
	v62 =	vsel vm2, $0x0, v24;
	[tilespmem:s11+$0xFFFFFFF0] =	vst v6;
	v6 =	vmul.f32 v57, v13;
	v5 =	vadd.f32 v55, v53  }
.Ltmp12:
0x31e: {  	v63 =	vadd.f32 v62, v10;
	[tilespmem:s12+$0xFFFFFFF0] =	vst v7;
	v7 =	vadd.f32 v61, v8;
	(pc) =	sbr.rel @p0 .LBB2_14-.Ltmp12, $4  }
0x31f: {  	[tilespmem:s11+$0x70] =	vst v6;
	v6 =	vsel vm3, $0x0, v12;
	v5 =	vmul.f32 v5, v12  }
0x320: {  	[tilespmem:s12+$0x0] =	vst v7;
	v6 =	vadd.f32 v6, v63  }
0x321: {  	s1 =	sadd.s32 $0x4, s1;
	s10 =	sadd.s32 $0x200, s10;
	[tilespmem:s11+$0xF0] =	vst v5  }
0x322: {  	s15 =	sadd.s32 $0x400, s15;
	s11 =	sadd.s32 $0x200, s11;
	[tilespmem:s12+$0x10] =	vst v6;
	s12 =	sadd.s32 $0x40, s12  }
0x323: {  	[spmem:s2] =	stream.indirect.scatter.add.f32 [tilespmem:s28], [sflag:$0x4], $0x80, s25, s26, $0xb8;
	[tilespmem:$0x1F1F0] =	vst v63  }
0x324: {  	_ =	swait.ge [sflag:s21], $0x2800  }
0x325: {  	[sflag:s21] =	ssyncset.done $0x0  }
.Ltmp13:
0x326: {  	[sflag:s21] =	ssyncadd.s32 $0xFFFFD800;
	(pc) =	sbr.rel .LBB2_16-.Ltmp13, $4  }
0x327: {  	[spmem:s4] =	stream.indirect.scatter.add.f32 [tilespmem:s30], [sflag:$0x4], $0x10, s25, s26, $0xb8;
	[tilespmem:$0x1F1F0] =	vst v63  }
0x328: {  	_ =	swait.ge [sflag:s21], $0x500  }
0x329: {  	[sflag:s21] =	ssyncset.done $0x0  }
0x32a: {  	[sflag:s21] =	ssyncadd.s32 $0xFFFFFB00  }
.LBB2_18:
0x32b: {  	_ =	sfence.sel $0x180000  }
0x32c: {  	[bflag:$0x0] =	sbarrier.arrive $0xFFFF  }
0x32d: {  	_ =	strace $0x90000047  }
0x32e: {  	s0 =	stileid.u32;
	[bflag:$0x2] =	sbarrier.arrive $0xFFFF  }
0x32f: {  	p0 =	sne.s32 s0, $0x0;
	s0 =	rddreg [dreg:$0x6]  }
0x330: {  	s0 =	sadd.s32 @!p0 $0x100000, s0  }
0x331: {  	[sflag:s0] =	ssyncadd.tile.s32 @!p0 $0x1;
	_ =	shalt  }
.Lfunc_end2:
_tile_overlayer_lowered:
.L_overlay_start_2:
0x332: {  	(tag) =	ssettag $0x2  }
0x333: {  	s0 =	rddreg [dreg:$0x0];
	s2 =	stileid.u32  }
0x334: {  	s1 =	rddreg [dreg:$0x1];
	p0 =	sne.s32 s2, $0x0  }
0x335: {  	s3 =	rddreg [dreg:$0x2];
	[bflag:$0x3] =	sbarrier.arrive $0xFFFF;
	s2 =	simm.s32 @!p0 $0x1C04  }
0x336: {  	[timem:s3], [sflag:s2] =	dma.local @!p0 [hbm:s0], s1  }
0x337: {  	s0 =	simm.s32 @!p0 $0x4  }
0x338: {  	_ =	swait.ge @!p0 [sflag:s0], s1  }
0x339: {  	s1 =	ssub.s32 @!p0 $0x0, s1;
	[sflag:s0] =	ssyncset.done @!p0 $0x0  }
0x33a: {  	[sflag:s0] =	ssyncadd.s32 @!p0 s1  }
0x33b: {  	[bflag:$0x3] =	sbarrier.arrive $0xFFFF  }
0x33c: {  	_ =	shalt  }

</sc_bundles>
